<compile_context>
chip_gen: v7x
topology: tpu7x:2x2x1
jax: 0.10.2.dev20260603
libtpu: 0.0.44.dev20260713+nightly
codegen_flags: <defaults>
</compile_context>

<pallas_src>
import functools

import jax
import jax.numpy as jnp
from jax import lax
from jax.experimental import pallas as pl
from jax.experimental.pallas import tpu as pltpu
from jax.experimental.pallas import tpu_sc as plsc

N = 10000
E = 320000
D = 128
G = 64
DW = 128
NC = 2
NS = 16
NW = NC * NS
CH = 80
EW = E // NW
CHL = 128
NCHL = EW // CHL
TAIL = EW - NCHL * CHL
NCH = EW // CH
NRCH = N // CH


@functools.lru_cache(maxsize=None)
def _make_sc_agg():
    mesh = plsc.VectorSubcoreMesh(core_axis_name="c", subcore_axis_name="s")

    @functools.partial(
        pl.kernel, mesh=mesh,
        out_type=[jax.ShapeDtypeStruct((NC, N, D), jnp.float32)],
        scratch_types=[
            pltpu.VMEM((4, CHL), jnp.int32),
            pltpu.VMEM((4, CHL), jnp.int32),
            pltpu.VMEM((16,), jnp.int32),
            pltpu.VMEM((16,), jnp.int32),
            pltpu.VMEM((3, CHL, D), jnp.float32),
            pltpu.VMEM_SHARED((N, D), jnp.float32),
            pltpu.SemaphoreType.DMA,
            pltpu.SemaphoreType.DMA,
            pltpu.SemaphoreType.DMA,
        ],
    )
    def sc_agg(table, srci, dsti, z2, outp,
               sidx, didx, sidx_t, didx_t, rows, acc, semi, semg, sems):
        cid = lax.axis_index("c")
        sid = lax.axis_index("s")
        wid = sid * NC + cid

        pltpu.sync_copy(z2, rows.at[0, pl.ds(0, CH)])

        def zero_chunk(k, c):
            m = sid * 8 + k

            @pl.when(m < NRCH)
            def _():
                pltpu.sync_copy(rows.at[0, pl.ds(0, CH)],
                                acc.at[pl.ds(m * CH, CH)])

            return c

        lax.fori_loop(0, 8, zero_chunk, 0)

        base = wid * EW

        pltpu.async_copy(srci.at[pl.ds(base, CHL)], sidx.at[0], semi)
        pltpu.async_copy(dsti.at[pl.ds(base, CHL)], didx.at[0], semi)
        pltpu.async_copy(srci.at[pl.ds(base + CHL, CHL)], sidx.at[1], semi)
        pltpu.async_copy(dsti.at[pl.ds(base + CHL, CHL)], didx.at[1], semi)
        pltpu.make_async_copy(
            srci.at[pl.ds(base, CHL)], sidx.at[0], semi).wait()
        pltpu.make_async_copy(
            dsti.at[pl.ds(base, CHL)], didx.at[0], semi).wait()
        pltpu.async_copy(table.at[sidx.at[0]], rows.at[0], semg)
        plsc.subcore_barrier()

        def step(j, carry):
            rb = lax.rem(j, 3)
            rn = lax.rem(j + 1, 3)
            ib = lax.rem(j, 4)
            inx = lax.rem(j + 1, 4)
            inx2 = lax.rem(j + 2, 4)

            @pl.when(j >= 2)
            def _():
                pltpu.make_async_copy(
                    rows.at[rn], acc.at[pl.ds(0, CHL)], sems).wait()

            @pl.when(j + 1 < NCHL)
            def _():
                pltpu.make_async_copy(
                    srci.at[pl.ds(base, CHL)], sidx.at[inx], semi).wait()
                pltpu.make_async_copy(
                    dsti.at[pl.ds(base, CHL)], didx.at[inx], semi).wait()
                pltpu.async_copy(table.at[sidx.at[inx]], rows.at[rn], semg)

            @pl.when(j + 2 < NCHL)
            def _():
                e2 = base + (j + 2) * CHL
                pltpu.async_copy(srci.at[pl.ds(e2, CHL)], sidx.at[inx2], semi)
                pltpu.async_copy(dsti.at[pl.ds(e2, CHL)], didx.at[inx2], semi)

            pltpu.make_async_copy(
                table.at[sidx.at[ib]], rows.at[rb], semg).wait()
            pltpu.async_copy(rows.at[rb], acc.at[didx.at[ib]], sems, add=True)
            return carry

        lax.fori_loop(0, NCHL, step, 0)
        pltpu.make_async_copy(
            rows.at[(NCHL - 2) % 3], acc.at[pl.ds(0, CHL)], sems).wait()
        pltpu.make_async_copy(
            rows.at[(NCHL - 1) % 3], acc.at[pl.ds(0, CHL)], sems).wait()

        et = base + NCHL * CHL
        pltpu.sync_copy(srci.at[pl.ds(et, TAIL)], sidx_t)
        pltpu.sync_copy(dsti.at[pl.ds(et, TAIL)], didx_t)
        pltpu.async_copy(
            table.at[sidx_t], rows.at[0, pl.ds(0, TAIL)], semg).wait()
        pltpu.sync_copy(rows.at[0, pl.ds(0, TAIL)], acc.at[didx_t], add=True)
        plsc.subcore_barrier()

        cnt = NRCH - sid * 8

        def pub_chunk(k, c):
            m = sid * 8 + k
            b = lax.rem(k, 2)

            @pl.when(jnp.logical_and(k >= 2, k - 2 < cnt))
            def _():
                pltpu.make_async_copy(
                    rows.at[b, pl.ds(0, CH)],
                    outp.at[cid, pl.ds(0, CH)], sems).wait()

            @pl.when(m < NRCH)
            def _():
                r0 = m * CH
                pltpu.sync_copy(acc.at[pl.ds(r0, CH)], rows.at[b, pl.ds(0, CH)])
                pltpu.async_copy(rows.at[b, pl.ds(0, CH)],
                                 outp.at[cid, pl.ds(r0, CH)], sems)

            return c

        lax.fori_loop(0, 8, pub_chunk, 0)

        @pl.when(cnt >= 8)
        def _():
            pltpu.make_async_copy(
                rows.at[0, pl.ds(0, CH)],
                outp.at[cid, pl.ds(0, CH)], sems).wait()
            pltpu.make_async_copy(
                rows.at[1, pl.ds(0, CH)],
                outp.at[cid, pl.ds(0, CH)], sems).wait()

    return sc_agg


@functools.lru_cache(maxsize=None)
def _make_sc_deg():
    mesh = plsc.VectorSubcoreMesh(core_axis_name="c", subcore_axis_name="s")

    @functools.partial(
        pl.kernel, mesh=mesh,
        out_type=[jax.ShapeDtypeStruct((NC, N, DW), jnp.float32)],
        scratch_types=[
            pltpu.VMEM((2, CH), jnp.int32),
            pltpu.VMEM((CH, DW), jnp.float32),
            pltpu.VMEM((2, CH, DW), jnp.float32),
            pltpu.VMEM_SHARED((N, DW), jnp.float32),
            pltpu.SemaphoreType.DMA,
            pltpu.SemaphoreType.DMA,
        ],
    )
    def sc_deg(dsti, z1, o1, outdeg, didx, ones_v, dstage, deg_sh, semi, sems):
        cid = lax.axis_index("c")
        sid = lax.axis_index("s")
        wid = sid * NC + cid

        pltpu.sync_copy(z1, ones_v)

        def zero_chunk(k, c):
            m = sid * 8 + k

            @pl.when(m < NRCH)
            def _():
                pltpu.sync_copy(ones_v, deg_sh.at[pl.ds(m * CH, CH)])

            return c

        lax.fori_loop(0, 8, zero_chunk, 0)
        pltpu.sync_copy(o1, ones_v)

        base = wid * EW

        pltpu.async_copy(dsti.at[pl.ds(base, CH)], didx.at[0], semi)
        plsc.subcore_barrier()

        def step(j, carry):
            b = lax.rem(j, 2)

            @pl.when(j >= 2)
            def _():
                pltpu.make_async_copy(
                    ones_v, deg_sh.at[pl.ds(0, CH)], sems).wait()

            pltpu.make_async_copy(
                dsti.at[pl.ds(base, CH)], didx.at[b], semi).wait()

            @pl.when(j + 1 < NCH)
            def _():
                e1 = base + (j + 1) * CH
                pltpu.async_copy(dsti.at[pl.ds(e1, CH)], didx.at[1 - b], semi)

            pltpu.async_copy(ones_v, deg_sh.at[didx.at[b]], sems, add=True)
            return carry

        lax.fori_loop(0, NCH, step, 0)
        pltpu.make_async_copy(ones_v, deg_sh.at[pl.ds(0, CH)], sems).wait()
        pltpu.make_async_copy(ones_v, deg_sh.at[pl.ds(0, CH)], sems).wait()
        plsc.subcore_barrier()

        cnt = NRCH - sid * 8

        def pub_chunk(k, c):
            m = sid * 8 + k
            b = lax.rem(k, 2)

            @pl.when(jnp.logical_and(k >= 2, k - 2 < cnt))
            def _():
                pltpu.make_async_copy(
                    dstage.at[b], outdeg.at[cid, pl.ds(0, CH)], sems).wait()

            @pl.when(m < NRCH)
            def _():
                r0 = m * CH
                pltpu.sync_copy(deg_sh.at[pl.ds(r0, CH)], dstage.at[b])
                pltpu.async_copy(
                    dstage.at[b], outdeg.at[cid, pl.ds(r0, CH)], sems)

            return c

        lax.fori_loop(0, 8, pub_chunk, 0)

        @pl.when(cnt >= 8)
        def _():
            pltpu.make_async_copy(
                dstage.at[0], outdeg.at[cid, pl.ds(0, CH)], sems).wait()
            pltpu.make_async_copy(
                dstage.at[1], outdeg.at[cid, pl.ds(0, CH)], sems).wait()

    return sc_deg


def _tc_in2(x, Wl, Wr, b):
    def body(x_ref, wl_ref, wr_ref, b_ref, yl_ref, yr_ref):
        xv = x_ref[...]
        yl_ref[...] = jnp.dot(xv, wl_ref[...], preferred_element_type=jnp.float32)
        yr_ref[...] = jnp.dot(xv, wr_ref[...], preferred_element_type=jnp.float32) + b_ref[...]

    return pl.pallas_call(
        body,
        out_shape=(jax.ShapeDtypeStruct((N, D), jnp.float32),
                   jax.ShapeDtypeStruct((N, D), jnp.float32)),
    )(x, Wl, Wr, b)


def _tc_mid(p, degp, y1r, Wl2, Wr2, b2):
    blk = 1000

    def body(p_ref, dp_ref, y1r_ref, wl_ref, wr_ref, b_ref, yl_ref, yr_ref):
        dp = dp_ref[...]
        rinv = 1.0 / jnp.maximum(dp[0, :, 0:1] + dp[1, :, 0:1], 1.0)
        pv = p_ref[...]
        h = jnp.maximum((pv[0] + pv[1]) * rinv + y1r_ref[...], 0.0)
        yl_ref[...] = jnp.dot(h, wl_ref[...], preferred_element_type=jnp.float32)
        yr_ref[...] = jnp.dot(h, wr_ref[...], preferred_element_type=jnp.float32) + b_ref[...]

    return pl.pallas_call(
        body,
        grid=(N // blk,),
        in_specs=[
            pl.BlockSpec((NC, blk, D), lambda i: (0, i, 0)),
            pl.BlockSpec((NC, blk, DW), lambda i: (0, i, 0)),
            pl.BlockSpec((blk, D), lambda i: (i, 0)),
            pl.BlockSpec((D, D), lambda i: (0, 0)),
            pl.BlockSpec((D, D), lambda i: (0, 0)),
            pl.BlockSpec((1, D), lambda i: (0, 0)),
        ],
        out_specs=(pl.BlockSpec((blk, D), lambda i: (i, 0)),
                   pl.BlockSpec((blk, D), lambda i: (i, 0))),
        out_shape=(jax.ShapeDtypeStruct((N, D), jnp.float32),
                   jax.ShapeDtypeStruct((N, D), jnp.float32)),
    )(p, degp, y1r, Wl2, Wr2, b2)


def _tc_pool(p, degp, y2r, batch2):
    def body(p_ref, dp_ref, y2r_ref, b_ref, out_ref):
        dp = dp_ref[...]
        rinv = 1.0 / jnp.maximum(dp[0, :, 0:1] + dp[1, :, 0:1], 1.0)
        pv = p_ref[...]
        nodes = (pv[0] + pv[1]) * rinv + y2r_ref[...]
        gids = lax.broadcasted_iota(jnp.int32, (G, N), 0)
        m = (b_ref[...] == gids).astype(jnp.float32)
        s = jnp.dot(m, nodes, preferred_element_type=jnp.float32)
        cnt = jnp.sum(m, axis=1, keepdims=True)
        out_ref[...] = s / jnp.maximum(cnt, 1.0)

    return pl.pallas_call(
        body,
        out_shape=jax.ShapeDtypeStruct((G, D), jnp.float32),
    )(p, degp, y2r, batch2)


def kernel(x, edge_index, edge_attr, batch, Wl1, bl1, Wr1, Wl2, bl2, Wr2):
    src = edge_index[0]
    dst = edge_index[1]
    z2 = jnp.zeros((CH, D), jnp.float32)
    z1 = jnp.zeros((CH, DW), jnp.float32)
    o1 = jnp.ones((CH, DW), jnp.float32)
    (degp,) = _make_sc_deg()(dst, z1, o1)
    y1l, y1r = _tc_in2(x, Wl1, Wr1, bl1.reshape(1, D))
    (p1,) = _make_sc_agg()(y1l, src, dst, z2)
    y2l, y2r = _tc_mid(p1, degp, y1r, Wl2, Wr2, bl2.reshape(1, D))
    (p2,) = _make_sc_agg()(y2l, src, dst, z2)
    return _tc_pool(p2, degp, y2r, batch.reshape(1, N))

# --- scband reference (transcript-rebuilt; emitter-appended) ---
"""Pipeline reference for scband-graph-sagemodel-20890720928307 (READ-ONLY COPY).

The authoritative reference and input builder live on the scoring server;
editing this copy changes nothing except your own understanding.
"""

import jax, jax.numpy as jnp
import numpy as np

N_NODES = 10000
N_EDGES = 320000
D_IN = 128
D_HID = 128
D_OUT = 128
D_EDGE = 4
N_GRAPHS = 64


def setup_inputs(seed: int = 0) -> dict:
    key = jax.random.key(seed)
    ks = jax.random.split(key, 12)
    x = jax.random.normal(ks[0], (N_NODES, D_IN), dtype=jnp.float32)
    edge_index = jax.random.randint(ks[1], (2, N_EDGES), 0, N_NODES, dtype=jnp.int32)
    edge_attr = jax.random.normal(ks[2], (N_EDGES, D_EDGE), dtype=jnp.float32)
    batch = jnp.sort(jax.random.randint(ks[3], (N_NODES,), 0, N_GRAPHS, dtype=jnp.int32))
    s1 = 1.0 / np.sqrt(D_IN)
    s2 = 1.0 / np.sqrt(D_HID)
    Wl1 = jax.random.uniform(ks[4], (D_IN, D_HID), jnp.float32, -s1, s1)
    bl1 = jax.random.uniform(ks[5], (D_HID,), jnp.float32, -s1, s1)
    Wr1 = jax.random.uniform(ks[6], (D_IN, D_HID), jnp.float32, -s1, s1)
    Wl2 = jax.random.uniform(ks[7], (D_HID, D_OUT), jnp.float32, -s2, s2)
    bl2 = jax.random.uniform(ks[8], (D_OUT,), jnp.float32, -s2, s2)
    Wr2 = jax.random.uniform(ks[9], (D_HID, D_OUT), jnp.float32, -s2, s2)
    return {"x": x, "edge_index": edge_index, "edge_attr": edge_attr, "batch": batch,
            "Wl1": Wl1, "bl1": bl1, "Wr1": Wr1, "Wl2": Wl2, "bl2": bl2, "Wr2": Wr2}


def _sage_conv(x, edge_index, Wl, bl, Wr):
    # PyG SAGEConv (mean aggregator): out = lin_l(mean_j x_j) + lin_r(x_i)
    src = edge_index[0]
    dst = edge_index[1]
    n = x.shape[0]
    msg = jnp.take(x, src, axis=0)
    agg = jax.ops.segment_sum(msg, dst, num_segments=n)
    cnt = jax.ops.segment_sum(jnp.ones((edge_index.shape[1],), x.dtype), dst, num_segments=n)
    mean = agg / jnp.clip(cnt, 1.0)[:, None]
    return mean @ Wl + bl + x @ Wr


def _global_mean_pool(x, batch, num_graphs):
    sums = jax.ops.segment_sum(x, batch, num_segments=num_graphs)
    cnts = jax.ops.segment_sum(jnp.ones((x.shape[0],), x.dtype), batch, num_segments=num_graphs)
    return sums / jnp.clip(cnts, 1.0)[:, None]


def reference(x, edge_index, edge_attr, batch, Wl1, bl1, Wr1, Wl2, bl2, Wr2):
    # edge_attr is accepted but unused, matching the torch forward signature
    h = _sage_conv(x, edge_index, Wl1, bl1, Wr1)
    h = jax.nn.relu(h)
    # dropout p=0.0 -> identity
    h = _sage_conv(h, edge_index, Wl2, bl2, Wr2)
    return _global_mean_pool(h, batch, N_GRAPHS)

if __name__ == "__main__":
    import jax
    _d = setup_inputs()
    print(jax.jit(kernel)(*tuple(_d.values())))

</pallas_src>

<mosaic_0001>
#map = affine_map<(d0, d1) -> (0, 0)>
#map1 = affine_map<(d0, d1) -> (0)>
#map2 = affine_map<(d0, d1) -> (0, 0, 0)>
module attributes {stable_mosaic.version = 14 : i64} {
  func.func @sc_agg(%arg0: i32, %arg1: i32, %arg2: memref<10000x128xf32, #tpu.memory_space<hbm>>, %arg3: memref<320000xi32, #tpu.memory_space<hbm>>, %arg4: memref<320000xi32, #tpu.memory_space<hbm>>, %arg5: memref<80x128xf32, #tpu.memory_space<hbm>>, %arg6: memref<2x10000x128xf32, #tpu.memory_space<hbm>>, %arg7: memref<4x128xi32, #tpu.memory_space<vmem>>, %arg8: memref<4x128xi32, #tpu.memory_space<vmem>>, %arg9: memref<16xi32, #tpu.memory_space<vmem>>, %arg10: memref<16xi32, #tpu.memory_space<vmem>>, %arg11: memref<3x128x128xf32, #tpu.memory_space<vmem>>, %arg12: memref<10000x128xf32, #tpu.memory_space<vmem_shared>>, %arg13: memref<!tpu.dma_semaphore, #tpu.memory_space<semaphore_mem>>, %arg14: memref<!tpu.dma_semaphore, #tpu.memory_space<semaphore_mem>>, %arg15: memref<!tpu.dma_semaphore, #tpu.memory_space<semaphore_mem>>) attributes {dimension_semantics = [#tpu.dimension_semantics<core_parallel>, #tpu.dimension_semantics<subcore_parallel>], iteration_bounds = array<i64: 2, 16>, scalar_prefetch = 0 : i64, scratch_operands = 9 : i64, tpu.core_type = #tpu.core_type<sc_vector_subcore>, window_params = [{transform_indices = #map}, {transform_indices = #map1}, {transform_indices = #map1}, {transform_indices = #map}, {transform_indices = #map2}]} {
    %mul3A = arith.constant 2 : i32
    %mul3A_0 = arith.muli %arg1, %mul3A : i32
    %add3A = arith.addi %mul3A_0, %arg0 : i32
    %run_scoped3A = arith.constant 0 : i32
    "tpu.region"() ({
      %run_scoped3A_143 = tpu.sem_alloc : memref<!tpu.dma_semaphore, #tpu.memory_space<semaphore_mem>>
      %dma_start3A_144 = arith.constant 0 : i32
      %dma_start3A_145 = arith.constant 0 : i32
      %dma_start3A_146 = tpu.memref_slice %arg11[%run_scoped3A, %dma_start3A_144, %dma_start3A_145] : memref<3x128x128xf32, #tpu.memory_space<vmem>> -> memref<1x80x128xf32, #tpu.memory_space<vmem>>
      %dma_start3A_147 = tpu.memref_squeeze %dma_start3A_146 : memref<1x80x128xf32, #tpu.memory_space<vmem>> -> memref<80x128xf32, #tpu.memory_space<vmem>>
      %dma_start3A_148 = arith.constant 0 : i32
      %dma_start3A_149 = arith.constant 0 : i32
      %dma_start3A_150 = tpu.memref_slice %arg11[%run_scoped3A, %dma_start3A_148, %dma_start3A_149] : memref<3x128x128xf32, #tpu.memory_space<vmem>> -> memref<1x80x128xf32, #tpu.memory_space<vmem>>
      %dma_start3A_151 = tpu.memref_squeeze %dma_start3A_150 : memref<1x80x128xf32, #tpu.memory_space<vmem>> -> memref<80x128xf32, #tpu.memory_space<vmem>>
      tpu.enqueue_dma source(%arg5 : memref<80x128xf32, #tpu.memory_space<hbm>>) target(%dma_start3A_151 : memref<80x128xf32, #tpu.memory_space<vmem>>) target_semaphore(%run_scoped3A_143 : memref<!tpu.dma_semaphore, #tpu.memory_space<semaphore_mem>>)
      %dma_wait3A_152 = arith.constant 0 : i32
      %dma_wait3A_153 = arith.constant 0 : i32
      %dma_wait3A_154 = tpu.memref_slice %arg11[%run_scoped3A, %dma_wait3A_152, %dma_wait3A_153] : memref<3x128x128xf32, #tpu.memory_space<vmem>> -> memref<1x80x128xf32, #tpu.memory_space<vmem>>
      %dma_wait3A_155 = tpu.memref_squeeze %dma_wait3A_154 : memref<1x80x128xf32, #tpu.memory_space<vmem>> -> memref<80x128xf32, #tpu.memory_space<vmem>>
      %dma_wait3A_156 = arith.constant 0 : i32
      %dma_wait3A_157 = arith.constant 0 : i32
      %dma_wait3A_158 = tpu.memref_slice %arg11[%run_scoped3A, %dma_wait3A_156, %dma_wait3A_157] : memref<3x128x128xf32, #tpu.memory_space<vmem>> -> memref<1x80x128xf32, #tpu.memory_space<vmem>>
      %dma_wait3A_159 = tpu.memref_squeeze %dma_wait3A_158 : memref<1x80x128xf32, #tpu.memory_space<vmem>> -> memref<80x128xf32, #tpu.memory_space<vmem>>
      tpu.wait_dma2 semaphore(%run_scoped3A_143 : memref<!tpu.dma_semaphore, #tpu.memory_space<semaphore_mem>>) src(%arg5 : memref<80x128xf32, #tpu.memory_space<hbm>>) dst(%dma_wait3A_159 : memref<80x128xf32, #tpu.memory_space<vmem>>)
      tpu.yield
    }) : () -> ()
    %scan3A = arith.constant 0 : i32
    %scan3A_1 = arith.constant 0 : i32
    %scan3A_2 = arith.constant 8 : i32
    %scan3A_3 = arith.addi %scan3A_1, %scan3A_2 : i32
    %scan3A_4 = arith.constant 1 : i32
    scf.for %scan3A_143 = %scan3A_1 to %scan3A_3 step %scan3A_4  : i32 {
      %mul3A_144 = arith.constant 8 : i32
      %mul3A_145 = arith.muli %arg1, %mul3A_144 : i32
      %add3A_146 = arith.addi %mul3A_145, %scan3A_143 : i32
      %lt3A = arith.constant 125 : i32
      %lt3A_147 = arith.cmpi slt, %add3A_146, %lt3A : i32
      %convert_element_type3A_148 = arith.extui %lt3A_147 : i1 to i32
      %cond3A_149 = arith.constant 0 : i32
      %cond3A_150 = arith.cmpi ne, %convert_element_type3A_148, %cond3A_149 : i32
      scf.if %cond3A_150 {
        %mul3A_151 = arith.constant 80 : i32
        %mul3A_152 = arith.muli %add3A_146, %mul3A_151 : i32
        %run_scoped3A_153 = arith.constant 0 : i32
        "tpu.region"() ({
          %run_scoped3A_154 = tpu.sem_alloc : memref<!tpu.dma_semaphore, #tpu.memory_space<semaphore_mem>>
          %dma_start3A_155 = arith.constant 0 : i32
          %dma_start3A_156 = arith.constant 0 : i32
          %dma_start3A_157 = tpu.memref_slice %arg11[%run_scoped3A_153, %dma_start3A_155, %dma_start3A_156] : memref<3x128x128xf32, #tpu.memory_space<vmem>> -> memref<1x80x128xf32, #tpu.memory_space<vmem>>
          %dma_start3A_158 = tpu.memref_squeeze %dma_start3A_157 : memref<1x80x128xf32, #tpu.memory_space<vmem>> -> memref<80x128xf32, #tpu.memory_space<vmem>>
          %dma_start3A_159 = arith.constant 0 : i32
          %dma_start3A_160 = tpu.memref_slice %arg12[%mul3A_152, %dma_start3A_159] : memref<10000x128xf32, #tpu.memory_space<vmem_shared>> -> memref<80x128xf32, #tpu.memory_space<vmem_shared>>
          %dma_start3A_161 = arith.constant 0 : i32
          %dma_start3A_162 = tpu.memref_slice %arg12[%mul3A_152, %dma_start3A_161] : memref<10000x128xf32, #tpu.memory_space<vmem_shared>> -> memref<80x128xf32, #tpu.memory_space<vmem_shared>>
          %dma_start3A_163 = arith.constant 0 : i32
          %dma_start3A_164 = arith.constant 0 : i32
          %dma_start3A_165 = tpu.memref_slice %arg11[%run_scoped3A_153, %dma_start3A_163, %dma_start3A_164] : memref<3x128x128xf32, #tpu.memory_space<vmem>> -> memref<1x80x128xf32, #tpu.memory_space<vmem>>
          %dma_start3A_166 = tpu.memref_squeeze %dma_start3A_165 : memref<1x80x128xf32, #tpu.memory_space<vmem>> -> memref<80x128xf32, #tpu.memory_space<vmem>>
          tpu.enqueue_dma source(%dma_start3A_166 : memref<80x128xf32, #tpu.memory_space<vmem>>) target(%dma_start3A_162 : memref<80x128xf32, #tpu.memory_space<vmem_shared>>) target_semaphore(%run_scoped3A_154 : memref<!tpu.dma_semaphore, #tpu.memory_space<semaphore_mem>>)
          %dma_wait3A_167 = arith.constant 0 : i32
          %dma_wait3A_168 = arith.constant 0 : i32
          %dma_wait3A_169 = tpu.memref_slice %arg11[%run_scoped3A_153, %dma_wait3A_167, %dma_wait3A_168] : memref<3x128x128xf32, #tpu.memory_space<vmem>> -> memref<1x80x128xf32, #tpu.memory_space<vmem>>
          %dma_wait3A_170 = tpu.memref_squeeze %dma_wait3A_169 : memref<1x80x128xf32, #tpu.memory_space<vmem>> -> memref<80x128xf32, #tpu.memory_space<vmem>>
          %dma_wait3A_171 = arith.constant 0 : i32
          %dma_wait3A_172 = tpu.memref_slice %arg12[%mul3A_152, %dma_wait3A_171] : memref<10000x128xf32, #tpu.memory_space<vmem_shared>> -> memref<80x128xf32, #tpu.memory_space<vmem_shared>>
          %dma_wait3A_173 = arith.constant 0 : i32
          %dma_wait3A_174 = tpu.memref_slice %arg12[%mul3A_152, %dma_wait3A_173] : memref<10000x128xf32, #tpu.memory_space<vmem_shared>> -> memref<80x128xf32, #tpu.memory_space<vmem_shared>>
          %dma_wait3A_175 = arith.constant 0 : i32
          %dma_wait3A_176 = arith.constant 0 : i32
          %dma_wait3A_177 = tpu.memref_slice %arg11[%run_scoped3A_153, %dma_wait3A_175, %dma_wait3A_176] : memref<3x128x128xf32, #tpu.memory_space<vmem>> -> memref<1x80x128xf32, #tpu.memory_space<vmem>>
          %dma_wait3A_178 = tpu.memref_squeeze %dma_wait3A_177 : memref<1x80x128xf32, #tpu.memory_space<vmem>> -> memref<80x128xf32, #tpu.memory_space<vmem>>
          tpu.wait_dma2 semaphore(%run_scoped3A_154 : memref<!tpu.dma_semaphore, #tpu.memory_space<semaphore_mem>>) src(%dma_wait3A_178 : memref<80x128xf32, #tpu.memory_space<vmem>>) dst(%dma_wait3A_174 : memref<80x128xf32, #tpu.memory_space<vmem_shared>>)
          tpu.yield
        }) : () -> ()
      } else {
      }
    }
    %scan3A_5 = arith.constant 8 : i32
    %mul3A_6 = arith.constant 10000 : i32
    %mul3A_7 = arith.muli %add3A, %mul3A_6 : i32
    %dma_start3A = arith.constant 0 : i32
    %dma_start3A_8 = arith.constant 0 : i32
    %dma_start3A_9 = tpu.memref_slice %arg7[%dma_start3A, %dma_start3A_8] : memref<4x128xi32, #tpu.memory_space<vmem>> -> memref<1x128xi32, #tpu.memory_space<vmem>>
    %dma_start3A_10 = tpu.memref_squeeze %dma_start3A_9 : memref<1x128xi32, #tpu.memory_space<vmem>> -> memref<128xi32, #tpu.memory_space<vmem>>
    %dma_start3A_11 = tpu.memref_slice %arg3[%mul3A_7] : memref<320000xi32, #tpu.memory_space<hbm>> -> memref<128xi32, #tpu.memory_space<hbm>>
    %dma_start3A_12 = arith.constant 0 : i32
    %dma_start3A_13 = tpu.memref_slice %arg7[%dma_start3A, %dma_start3A_12] : memref<4x128xi32, #tpu.memory_space<vmem>> -> memref<1x128xi32, #tpu.memory_space<vmem>>
    %dma_start3A_14 = tpu.memref_squeeze %dma_start3A_13 : memref<1x128xi32, #tpu.memory_space<vmem>> -> memref<128xi32, #tpu.memory_space<vmem>>
    %dma_start3A_15 = tpu.memref_slice %arg3[%mul3A_7] : memref<320000xi32, #tpu.memory_space<hbm>> -> memref<128xi32, #tpu.memory_space<hbm>>
    tpu.enqueue_dma source(%dma_start3A_15 : memref<128xi32, #tpu.memory_space<hbm>>) target(%dma_start3A_14 : memref<128xi32, #tpu.memory_space<vmem>>) target_semaphore(%arg13 : memref<!tpu.dma_semaphore, #tpu.memory_space<semaphore_mem>>)
    %dma_start3A_16 = arith.constant 0 : i32
    %dma_start3A_17 = arith.constant 0 : i32
    %dma_start3A_18 = tpu.memref_slice %arg8[%dma_start3A_16, %dma_start3A_17] : memref<4x128xi32, #tpu.memory_space<vmem>> -> memref<1x128xi32, #tpu.memory_space<vmem>>
    %dma_start3A_19 = tpu.memref_squeeze %dma_start3A_18 : memref<1x128xi32, #tpu.memory_space<vmem>> -> memref<128xi32, #tpu.memory_space<vmem>>
    %dma_start3A_20 = tpu.memref_slice %arg4[%mul3A_7] : memref<320000xi32, #tpu.memory_space<hbm>> -> memref<128xi32, #tpu.memory_space<hbm>>
    %dma_start3A_21 = arith.constant 0 : i32
    %dma_start3A_22 = tpu.memref_slice %arg8[%dma_start3A_16, %dma_start3A_21] : memref<4x128xi32, #tpu.memory_space<vmem>> -> memref<1x128xi32, #tpu.memory_space<vmem>>
    %dma_start3A_23 = tpu.memref_squeeze %dma_start3A_22 : memref<1x128xi32, #tpu.memory_space<vmem>> -> memref<128xi32, #tpu.memory_space<vmem>>
    %dma_start3A_24 = tpu.memref_slice %arg4[%mul3A_7] : memref<320000xi32, #tpu.memory_space<hbm>> -> memref<128xi32, #tpu.memory_space<hbm>>
    tpu.enqueue_dma source(%dma_start3A_24 : memref<128xi32, #tpu.memory_space<hbm>>) target(%dma_start3A_23 : memref<128xi32, #tpu.memory_space<vmem>>) target_semaphore(%arg13 : memref<!tpu.dma_semaphore, #tpu.memory_space<semaphore_mem>>)
    %add3A_25 = arith.constant 128 : i32
    %add3A_26 = arith.addi %mul3A_7, %add3A_25 : i32
    %dma_start3A_27 = arith.constant 1 : i32
    %dma_start3A_28 = arith.constant 0 : i32
    %dma_start3A_29 = tpu.memref_slice %arg7[%dma_start3A_27, %dma_start3A_28] : memref<4x128xi32, #tpu.memory_space<vmem>> -> memref<1x128xi32, #tpu.memory_space<vmem>>
    %dma_start3A_30 = tpu.memref_squeeze %dma_start3A_29 : memref<1x128xi32, #tpu.memory_space<vmem>> -> memref<128xi32, #tpu.memory_space<vmem>>
    %dma_start3A_31 = tpu.memref_slice %arg3[%add3A_26] : memref<320000xi32, #tpu.memory_space<hbm>> -> memref<128xi32, #tpu.memory_space<hbm>>
    %dma_start3A_32 = arith.constant 0 : i32
    %dma_start3A_33 = tpu.memref_slice %arg7[%dma_start3A_27, %dma_start3A_32] : memref<4x128xi32, #tpu.memory_space<vmem>> -> memref<1x128xi32, #tpu.memory_space<vmem>>
    %dma_start3A_34 = tpu.memref_squeeze %dma_start3A_33 : memref<1x128xi32, #tpu.memory_space<vmem>> -> memref<128xi32, #tpu.memory_space<vmem>>
    %dma_start3A_35 = tpu.memref_slice %arg3[%add3A_26] : memref<320000xi32, #tpu.memory_space<hbm>> -> memref<128xi32, #tpu.memory_space<hbm>>
    tpu.enqueue_dma source(%dma_start3A_35 : memref<128xi32, #tpu.memory_space<hbm>>) target(%dma_start3A_34 : memref<128xi32, #tpu.memory_space<vmem>>) target_semaphore(%arg13 : memref<!tpu.dma_semaphore, #tpu.memory_space<semaphore_mem>>)
    %add3A_36 = arith.constant 128 : i32
    %add3A_37 = arith.addi %mul3A_7, %add3A_36 : i32
    %dma_start3A_38 = arith.constant 1 : i32
    %dma_start3A_39 = arith.constant 0 : i32
    %dma_start3A_40 = tpu.memref_slice %arg8[%dma_start3A_38, %dma_start3A_39] : memref<4x128xi32, #tpu.memory_space<vmem>> -> memref<1x128xi32, #tpu.memory_space<vmem>>
    %dma_start3A_41 = tpu.memref_squeeze %dma_start3A_40 : memref<1x128xi32, #tpu.memory_space<vmem>> -> memref<128xi32, #tpu.memory_space<vmem>>
    %dma_start3A_42 = tpu.memref_slice %arg4[%add3A_37] : memref<320000xi32, #tpu.memory_space<hbm>> -> memref<128xi32, #tpu.memory_space<hbm>>
    %dma_start3A_43 = arith.constant 0 : i32
    %dma_start3A_44 = tpu.memref_slice %arg8[%dma_start3A_38, %dma_start3A_43] : memref<4x128xi32, #tpu.memory_space<vmem>> -> memref<1x128xi32, #tpu.memory_space<vmem>>
    %dma_start3A_45 = tpu.memref_squeeze %dma_start3A_44 : memref<1x128xi32, #tpu.memory_space<vmem>> -> memref<128xi32, #tpu.memory_space<vmem>>
    %dma_start3A_46 = tpu.memref_slice %arg4[%add3A_37] : memref<320000xi32, #tpu.memory_space<hbm>> -> memref<128xi32, #tpu.memory_space<hbm>>
    tpu.enqueue_dma source(%dma_start3A_46 : memref<128xi32, #tpu.memory_space<hbm>>) target(%dma_start3A_45 : memref<128xi32, #tpu.memory_space<vmem>>) target_semaphore(%arg13 : memref<!tpu.dma_semaphore, #tpu.memory_space<semaphore_mem>>)
    %dma_wait3A = arith.constant 0 : i32
    %dma_wait3A_47 = arith.constant 0 : i32
    %dma_wait3A_48 = tpu.memref_slice %arg7[%dma_wait3A, %dma_wait3A_47] : memref<4x128xi32, #tpu.memory_space<vmem>> -> memref<1x128xi32, #tpu.memory_space<vmem>>
    %dma_wait3A_49 = tpu.memref_squeeze %dma_wait3A_48 : memref<1x128xi32, #tpu.memory_space<vmem>> -> memref<128xi32, #tpu.memory_space<vmem>>
    %dma_wait3A_50 = tpu.memref_slice %arg3[%mul3A_7] : memref<320000xi32, #tpu.memory_space<hbm>> -> memref<128xi32, #tpu.memory_space<hbm>>
    %dma_wait3A_51 = arith.constant 0 : i32
    %dma_wait3A_52 = tpu.memref_slice %arg7[%dma_wait3A, %dma_wait3A_51] : memref<4x128xi32, #tpu.memory_space<vmem>> -> memref<1x128xi32, #tpu.memory_space<vmem>>
    %dma_wait3A_53 = tpu.memref_squeeze %dma_wait3A_52 : memref<1x128xi32, #tpu.memory_space<vmem>> -> memref<128xi32, #tpu.memory_space<vmem>>
    %dma_wait3A_54 = tpu.memref_slice %arg3[%mul3A_7] : memref<320000xi32, #tpu.memory_space<hbm>> -> memref<128xi32, #tpu.memory_space<hbm>>
    tpu.wait_dma2 semaphore(%arg13 : memref<!tpu.dma_semaphore, #tpu.memory_space<semaphore_mem>>) src(%dma_wait3A_54 : memref<128xi32, #tpu.memory_space<hbm>>) dst(%dma_wait3A_53 : memref<128xi32, #tpu.memory_space<vmem>>)
    %dma_wait3A_55 = arith.constant 0 : i32
    %dma_wait3A_56 = arith.constant 0 : i32
    %dma_wait3A_57 = tpu.memref_slice %arg8[%dma_wait3A_55, %dma_wait3A_56] : memref<4x128xi32, #tpu.memory_space<vmem>> -> memref<1x128xi32, #tpu.memory_space<vmem>>
    %dma_wait3A_58 = tpu.memref_squeeze %dma_wait3A_57 : memref<1x128xi32, #tpu.memory_space<vmem>> -> memref<128xi32, #tpu.memory_space<vmem>>
    %dma_wait3A_59 = tpu.memref_slice %arg4[%mul3A_7] : memref<320000xi32, #tpu.memory_space<hbm>> -> memref<128xi32, #tpu.memory_space<hbm>>
    %dma_wait3A_60 = arith.constant 0 : i32
    %dma_wait3A_61 = tpu.memref_slice %arg8[%dma_wait3A_55, %dma_wait3A_60] : memref<4x128xi32, #tpu.memory_space<vmem>> -> memref<1x128xi32, #tpu.memory_space<vmem>>
    %dma_wait3A_62 = tpu.memref_squeeze %dma_wait3A_61 : memref<1x128xi32, #tpu.memory_space<vmem>> -> memref<128xi32, #tpu.memory_space<vmem>>
    %dma_wait3A_63 = tpu.memref_slice %arg4[%mul3A_7] : memref<320000xi32, #tpu.memory_space<hbm>> -> memref<128xi32, #tpu.memory_space<hbm>>
    tpu.wait_dma2 semaphore(%arg13 : memref<!tpu.dma_semaphore, #tpu.memory_space<semaphore_mem>>) src(%dma_wait3A_63 : memref<128xi32, #tpu.memory_space<hbm>>) dst(%dma_wait3A_62 : memref<128xi32, #tpu.memory_space<vmem>>)
    %dma_start3A_64 = arith.constant 0 : i32
    %dma_start3A_65 = arith.constant 0 : i32
    %dma_start3A_66 = arith.constant 0 : i32
    %dma_start3A_67 = arith.constant 0 : i32
    %dma_start3A_68 = tpu.memref_slice %arg11[%dma_start3A_65, %dma_start3A_66, %dma_start3A_67] : memref<3x128x128xf32, #tpu.memory_space<vmem>> -> memref<1x128x128xf32, #tpu.memory_space<vmem>>
    %dma_start3A_69 = tpu.memref_squeeze %dma_start3A_68 : memref<1x128x128xf32, #tpu.memory_space<vmem>> -> memref<128x128xf32, #tpu.memory_space<vmem>>
    %dma_start3A_70 = arith.constant 0 : i32
    %dma_start3A_71 = tpu.memref_slice %arg7[%dma_start3A_64, %dma_start3A_70] : memref<4x128xi32, #tpu.memory_space<vmem>> -> memref<1x128xi32, #tpu.memory_space<vmem>>
    %dma_start3A_72 = tpu.memref_squeeze %dma_start3A_71 : memref<1x128xi32, #tpu.memory_space<vmem>> -> memref<128xi32, #tpu.memory_space<vmem>>
    %dma_start3A_73 = arith.constant 0 : i32
    %dma_start3A_74 = arith.constant 0 : i32
    %dma_start3A_75 = tpu.memref_slice %arg2[%dma_start3A_73, %dma_start3A_74] : memref<10000x128xf32, #tpu.memory_space<hbm>> -> memref<10000x128xf32, #tpu.memory_space<hbm>>
    tpu.enqueue_indirect_dma source(%dma_start3A_75 : memref<10000x128xf32, #tpu.memory_space<hbm>>) target(%dma_start3A_69 : memref<128x128xf32, #tpu.memory_space<vmem>>) offsets(%dma_start3A_72 : memref<128xi32, #tpu.memory_space<vmem>>) semaphore(%arg14 : memref<!tpu.dma_semaphore, #tpu.memory_space<semaphore_mem>>)
    %barrier3A = arith.constant 0 : index
    tpu.barrier barrier_id(%barrier3A)
    %scan3A_76 = arith.constant 0 : i32
    %scan3A_77 = arith.constant 0 : i32
    %scan3A_78 = arith.constant 78 : i32
    %scan3A_79 = arith.addi %scan3A_77, %scan3A_78 : i32
    %scan3A_80 = arith.constant 1 : i32
    scf.for %scan3A_143 = %scan3A_77 to %scan3A_79 step %scan3A_80  : i32 {
      %rem3A = arith.constant 3 : i32
      %rem3A_144 = arith.remsi %scan3A_143, %rem3A : i32
      %add3A_145 = arith.constant 1 : i32
      %add3A_146 = arith.addi %scan3A_143, %add3A_145 : i32
      %rem3A_147 = arith.constant 3 : i32
      %rem3A_148 = arith.remsi %add3A_146, %rem3A_147 : i32
      %rem3A_149 = arith.constant 4 : i32
      %rem3A_150 = arith.remsi %scan3A_143, %rem3A_149 : i32
      %add3A_151 = arith.constant 1 : i32
      %add3A_152 = arith.addi %scan3A_143, %add3A_151 : i32
      %rem3A_153 = arith.constant 4 : i32
      %rem3A_154 = arith.remsi %add3A_152, %rem3A_153 : i32
      %add3A_155 = arith.constant 2 : i32
      %add3A_156 = arith.addi %scan3A_143, %add3A_155 : i32
      %rem3A_157 = arith.constant 4 : i32
      %rem3A_158 = arith.remsi %add3A_156, %rem3A_157 : i32
      %ge3A_159 = arith.constant 2 : i32
      %ge3A_160 = arith.cmpi sge, %scan3A_143, %ge3A_159 : i32
      %convert_element_type3A_161 = arith.extui %ge3A_160 : i1 to i32
      %cond3A_162 = arith.constant 0 : i32
      %cond3A_163 = arith.cmpi ne, %convert_element_type3A_161, %cond3A_162 : i32
      scf.if %cond3A_163 {
        %dma_wait3A_197 = arith.constant 0 : i32
        %dma_wait3A_198 = arith.constant 0 : i32
        %dma_wait3A_199 = tpu.memref_slice %arg11[%rem3A_148, %dma_wait3A_197, %dma_wait3A_198] : memref<3x128x128xf32, #tpu.memory_space<vmem>> -> memref<1x128x128xf32, #tpu.memory_space<vmem>>
        %dma_wait3A_200 = tpu.memref_squeeze %dma_wait3A_199 : memref<1x128x128xf32, #tpu.memory_space<vmem>> -> memref<128x128xf32, #tpu.memory_space<vmem>>
        %dma_wait3A_201 = arith.constant 0 : i32
        %dma_wait3A_202 = arith.constant 0 : i32
        %dma_wait3A_203 = tpu.memref_slice %arg12[%dma_wait3A_201, %dma_wait3A_202] : memref<10000x128xf32, #tpu.memory_space<vmem_shared>> -> memref<128x128xf32, #tpu.memory_space<vmem_shared>>
        %dma_wait3A_204 = arith.constant 0 : i32
        %dma_wait3A_205 = arith.constant 0 : i32
        %dma_wait3A_206 = tpu.memref_slice %arg12[%dma_wait3A_204, %dma_wait3A_205] : memref<10000x128xf32, #tpu.memory_space<vmem_shared>> -> memref<128x128xf32, #tpu.memory_space<vmem_shared>>
        %dma_wait3A_207 = arith.constant 0 : i32
        %dma_wait3A_208 = arith.constant 0 : i32
        %dma_wait3A_209 = tpu.memref_slice %arg11[%rem3A_148, %dma_wait3A_207, %dma_wait3A_208] : memref<3x128x128xf32, #tpu.memory_space<vmem>> -> memref<1x128x128xf32, #tpu.memory_space<vmem>>
        %dma_wait3A_210 = tpu.memref_squeeze %dma_wait3A_209 : memref<1x128x128xf32, #tpu.memory_space<vmem>> -> memref<128x128xf32, #tpu.memory_space<vmem>>
        tpu.wait_dma2 semaphore(%arg15 : memref<!tpu.dma_semaphore, #tpu.memory_space<semaphore_mem>>) src(%dma_wait3A_210 : memref<128x128xf32, #tpu.memory_space<vmem>>) dst(%dma_wait3A_206 : memref<128x128xf32, #tpu.memory_space<vmem_shared>>)
      } else {
      }
      %add3A_164 = arith.constant 1 : i32
      %add3A_165 = arith.addi %scan3A_143, %add3A_164 : i32
      %lt3A = arith.constant 78 : i32
      %lt3A_166 = arith.cmpi slt, %add3A_165, %lt3A : i32
      %convert_element_type3A_167 = arith.extui %lt3A_166 : i1 to i32
      %cond3A_168 = arith.constant 0 : i32
      %cond3A_169 = arith.cmpi ne, %convert_element_type3A_167, %cond3A_168 : i32
      scf.if %cond3A_169 {
        %dma_wait3A_197 = arith.constant 0 : i32
        %dma_wait3A_198 = tpu.memref_slice %arg7[%rem3A_154, %dma_wait3A_197] : memref<4x128xi32, #tpu.memory_space<vmem>> -> memref<1x128xi32, #tpu.memory_space<vmem>>
        %dma_wait3A_199 = tpu.memref_squeeze %dma_wait3A_198 : memref<1x128xi32, #tpu.memory_space<vmem>> -> memref<128xi32, #tpu.memory_space<vmem>>
        %dma_wait3A_200 = tpu.memref_slice %arg3[%mul3A_7] : memref<320000xi32, #tpu.memory_space<hbm>> -> memref<128xi32, #tpu.memory_space<hbm>>
        %dma_wait3A_201 = arith.constant 0 : i32
        %dma_wait3A_202 = tpu.memref_slice %arg7[%rem3A_154, %dma_wait3A_201] : memref<4x128xi32, #tpu.memory_space<vmem>> -> memref<1x128xi32, #tpu.memory_space<vmem>>
        %dma_wait3A_203 = tpu.memref_squeeze %dma_wait3A_202 : memref<1x128xi32, #tpu.memory_space<vmem>> -> memref<128xi32, #tpu.memory_space<vmem>>
        %dma_wait3A_204 = tpu.memref_slice %arg3[%mul3A_7] : memref<320000xi32, #tpu.memory_space<hbm>> -> memref<128xi32, #tpu.memory_space<hbm>>
        tpu.wait_dma2 semaphore(%arg13 : memref<!tpu.dma_semaphore, #tpu.memory_space<semaphore_mem>>) src(%dma_wait3A_204 : memref<128xi32, #tpu.memory_space<hbm>>) dst(%dma_wait3A_203 : memref<128xi32, #tpu.memory_space<vmem>>)
        %dma_wait3A_205 = arith.constant 0 : i32
        %dma_wait3A_206 = tpu.memref_slice %arg8[%rem3A_154, %dma_wait3A_205] : memref<4x128xi32, #tpu.memory_space<vmem>> -> memref<1x128xi32, #tpu.memory_space<vmem>>
        %dma_wait3A_207 = tpu.memref_squeeze %dma_wait3A_206 : memref<1x128xi32, #tpu.memory_space<vmem>> -> memref<128xi32, #tpu.memory_space<vmem>>
        %dma_wait3A_208 = tpu.memref_slice %arg4[%mul3A_7] : memref<320000xi32, #tpu.memory_space<hbm>> -> memref<128xi32, #tpu.memory_space<hbm>>
        %dma_wait3A_209 = arith.constant 0 : i32
        %dma_wait3A_210 = tpu.memref_slice %arg8[%rem3A_154, %dma_wait3A_209] : memref<4x128xi32, #tpu.memory_space<vmem>> -> memref<1x128xi32, #tpu.memory_space<vmem>>
        %dma_wait3A_211 = tpu.memref_squeeze %dma_wait3A_210 : memref<1x128xi32, #tpu.memory_space<vmem>> -> memref<128xi32, #tpu.memory_space<vmem>>
        %dma_wait3A_212 = tpu.memref_slice %arg4[%mul3A_7] : memref<320000xi32, #tpu.memory_space<hbm>> -> memref<128xi32, #tpu.memory_space<hbm>>
        tpu.wait_dma2 semaphore(%arg13 : memref<!tpu.dma_semaphore, #tpu.memory_space<semaphore_mem>>) src(%dma_wait3A_212 : memref<128xi32, #tpu.memory_space<hbm>>) dst(%dma_wait3A_211 : memref<128xi32, #tpu.memory_space<vmem>>)
        %dma_start3A_213 = arith.constant 0 : i32
        %dma_start3A_214 = arith.constant 0 : i32
        %dma_start3A_215 = tpu.memref_slice %arg11[%rem3A_148, %dma_start3A_213, %dma_start3A_214] : memref<3x128x128xf32, #tpu.memory_space<vmem>> -> memref<1x128x128xf32, #tpu.memory_space<vmem>>
        %dma_start3A_216 = tpu.memref_squeeze %dma_start3A_215 : memref<1x128x128xf32, #tpu.memory_space<vmem>> -> memref<128x128xf32, #tpu.memory_space<vmem>>
        %dma_start3A_217 = arith.constant 0 : i32
        %dma_start3A_218 = tpu.memref_slice %arg7[%rem3A_154, %dma_start3A_217] : memref<4x128xi32, #tpu.memory_space<vmem>> -> memref<1x128xi32, #tpu.memory_space<vmem>>
        %dma_start3A_219 = tpu.memref_squeeze %dma_start3A_218 : memref<1x128xi32, #tpu.memory_space<vmem>> -> memref<128xi32, #tpu.memory_space<vmem>>
        %dma_start3A_220 = arith.constant 0 : i32
        %dma_start3A_221 = arith.constant 0 : i32
        %dma_start3A_222 = tpu.memref_slice %arg2[%dma_start3A_220, %dma_start3A_221] : memref<10000x128xf32, #tpu.memory_space<hbm>> -> memref<10000x128xf32, #tpu.memory_space<hbm>>
        tpu.enqueue_indirect_dma source(%dma_start3A_222 : memref<10000x128xf32, #tpu.memory_space<hbm>>) target(%dma_start3A_216 : memref<128x128xf32, #tpu.memory_space<vmem>>) offsets(%dma_start3A_219 : memref<128xi32, #tpu.memory_space<vmem>>) semaphore(%arg14 : memref<!tpu.dma_semaphore, #tpu.memory_space<semaphore_mem>>)
      } else {
      }
      %add3A_170 = arith.constant 2 : i32
      %add3A_171 = arith.addi %scan3A_143, %add3A_170 : i32
      %lt3A_172 = arith.constant 78 : i32
      %lt3A_173 = arith.cmpi slt, %add3A_171, %lt3A_172 : i32
      %convert_element_type3A_174 = arith.extui %lt3A_173 : i1 to i32
      %cond3A_175 = arith.constant 0 : i32
      %cond3A_176 = arith.cmpi ne, %convert_element_type3A_174, %cond3A_175 : i32
      scf.if %cond3A_176 {
        %add3A_197 = arith.constant 2 : i32
        %add3A_198 = arith.addi %scan3A_143, %add3A_197 : i32
        %mul3A_199 = arith.constant 128 : i32
        %mul3A_200 = arith.muli %add3A_198, %mul3A_199 : i32
        %add3A_201 = arith.addi %mul3A_7, %mul3A_200 : i32
        %dma_start3A_202 = arith.constant 0 : i32
        %dma_start3A_203 = tpu.memref_slice %arg7[%rem3A_158, %dma_start3A_202] : memref<4x128xi32, #tpu.memory_space<vmem>> -> memref<1x128xi32, #tpu.memory_space<vmem>>
        %dma_start3A_204 = tpu.memref_squeeze %dma_start3A_203 : memref<1x128xi32, #tpu.memory_space<vmem>> -> memref<128xi32, #tpu.memory_space<vmem>>
        %dma_start3A_205 = tpu.memref_slice %arg3[%add3A_201] : memref<320000xi32, #tpu.memory_space<hbm>> -> memref<128xi32, #tpu.memory_space<hbm>>
        %dma_start3A_206 = arith.constant 0 : i32
        %dma_start3A_207 = tpu.memref_slice %arg7[%rem3A_158, %dma_start3A_206] : memref<4x128xi32, #tpu.memory_space<vmem>> -> memref<1x128xi32, #tpu.memory_space<vmem>>
        %dma_start3A_208 = tpu.memref_squeeze %dma_start3A_207 : memref<1x128xi32, #tpu.memory_space<vmem>> -> memref<128xi32, #tpu.memory_space<vmem>>
        %dma_start3A_209 = tpu.memref_slice %arg3[%add3A_201] : memref<320000xi32, #tpu.memory_space<hbm>> -> memref<128xi32, #tpu.memory_space<hbm>>
        tpu.enqueue_dma source(%dma_start3A_209 : memref<128xi32, #tpu.memory_space<hbm>>) target(%dma_start3A_208 : memref<128xi32, #tpu.memory_space<vmem>>) target_semaphore(%arg13 : memref<!tpu.dma_semaphore, #tpu.memory_space<semaphore_mem>>)
        %dma_start3A_210 = arith.constant 0 : i32
        %dma_start3A_211 = tpu.memref_slice %arg8[%rem3A_158, %dma_start3A_210] : memref<4x128xi32, #tpu.memory_space<vmem>> -> memref<1x128xi32, #tpu.memory_space<vmem>>
        %dma_start3A_212 = tpu.memref_squeeze %dma_start3A_211 : memref<1x128xi32, #tpu.memory_space<vmem>> -> memref<128xi32, #tpu.memory_space<vmem>>
        %dma_start3A_213 = tpu.memref_slice %arg4[%add3A_201] : memref<320000xi32, #tpu.memory_space<hbm>> -> memref<128xi32, #tpu.memory_space<hbm>>
        %dma_start3A_214 = arith.constant 0 : i32
        %dma_start3A_215 = tpu.memref_slice %arg8[%rem3A_158, %dma_start3A_214] : memref<4x128xi32, #tpu.memory_space<vmem>> -> memref<1x128xi32, #tpu.memory_space<vmem>>
        %dma_start3A_216 = tpu.memref_squeeze %dma_start3A_215 : memref<1x128xi32, #tpu.memory_space<vmem>> -> memref<128xi32, #tpu.memory_space<vmem>>
        %dma_start3A_217 = tpu.memref_slice %arg4[%add3A_201] : memref<320000xi32, #tpu.memory_space<hbm>> -> memref<128xi32, #tpu.memory_space<hbm>>
        tpu.enqueue_dma source(%dma_start3A_217 : memref<128xi32, #tpu.memory_space<hbm>>) target(%dma_start3A_216 : memref<128xi32, #tpu.memory_space<vmem>>) target_semaphore(%arg13 : memref<!tpu.dma_semaphore, #tpu.memory_space<semaphore_mem>>)
      } else {
      }
      %dma_wait3A_177 = arith.constant 0 : i32
      %dma_wait3A_178 = arith.constant 0 : i32
      %dma_wait3A_179 = tpu.memref_slice %arg11[%rem3A_144, %dma_wait3A_177, %dma_wait3A_178] : memref<3x128x128xf32, #tpu.memory_space<vmem>> -> memref<1x128x128xf32, #tpu.memory_space<vmem>>
      %dma_wait3A_180 = tpu.memref_squeeze %dma_wait3A_179 : memref<1x128x128xf32, #tpu.memory_space<vmem>> -> memref<128x128xf32, #tpu.memory_space<vmem>>
      %dma_wait3A_181 = arith.constant 0 : i32
      %dma_wait3A_182 = tpu.memref_slice %arg7[%rem3A_150, %dma_wait3A_181] : memref<4x128xi32, #tpu.memory_space<vmem>> -> memref<1x128xi32, #tpu.memory_space<vmem>>
      %dma_wait3A_183 = tpu.memref_squeeze %dma_wait3A_182 : memref<1x128xi32, #tpu.memory_space<vmem>> -> memref<128xi32, #tpu.memory_space<vmem>>
      %dma_wait3A_184 = arith.constant 0 : i32
      %dma_wait3A_185 = arith.constant 0 : i32
      %dma_wait3A_186 = tpu.memref_slice %arg2[%dma_wait3A_184, %dma_wait3A_185] : memref<10000x128xf32, #tpu.memory_space<hbm>> -> memref<10000x128xf32, #tpu.memory_space<hbm>>
      tpu.wait_indirect_dma semaphore(%arg14 : memref<!tpu.dma_semaphore, #tpu.memory_space<semaphore_mem>>) src(%dma_wait3A_186 : memref<10000x128xf32, #tpu.memory_space<hbm>>) dst(%dma_wait3A_180 : memref<128x128xf32, #tpu.memory_space<vmem>>)
      %dma_start3A_187 = arith.constant 0 : i32
      %dma_start3A_188 = arith.constant 0 : i32
      %dma_start3A_189 = tpu.memref_slice %arg11[%rem3A_144, %dma_start3A_187, %dma_start3A_188] : memref<3x128x128xf32, #tpu.memory_space<vmem>> -> memref<1x128x128xf32, #tpu.memory_space<vmem>>
      %dma_start3A_190 = tpu.memref_squeeze %dma_start3A_189 : memref<1x128x128xf32, #tpu.memory_space<vmem>> -> memref<128x128xf32, #tpu.memory_space<vmem>>
      %dma_start3A_191 = arith.constant 0 : i32
      %dma_start3A_192 = tpu.memref_slice %arg8[%rem3A_150, %dma_start3A_191] : memref<4x128xi32, #tpu.memory_space<vmem>> -> memref<1x128xi32, #tpu.memory_space<vmem>>
      %dma_start3A_193 = tpu.memref_squeeze %dma_start3A_192 : memref<1x128xi32, #tpu.memory_space<vmem>> -> memref<128xi32, #tpu.memory_space<vmem>>
      %dma_start3A_194 = arith.constant 0 : i32
      %dma_start3A_195 = arith.constant 0 : i32
      %dma_start3A_196 = tpu.memref_slice %arg12[%dma_start3A_194, %dma_start3A_195] : memref<10000x128xf32, #tpu.memory_space<vmem_shared>> -> memref<10000x128xf32, #tpu.memory_space<vmem_shared>>
      tpu.enqueue_indirect_dma source(%dma_start3A_190 : memref<128x128xf32, #tpu.memory_space<vmem>>) target(%dma_start3A_196 : memref<10000x128xf32, #tpu.memory_space<vmem_shared>>) offsets(%dma_start3A_193 : memref<128xi32, #tpu.memory_space<vmem>>) semaphore(%arg15 : memref<!tpu.dma_semaphore, #tpu.memory_space<semaphore_mem>>) {add = true}
    }
    %scan3A_81 = arith.constant 78 : i32
    %dma_wait3A_82 = arith.constant 1 : i32
    %dma_wait3A_83 = arith.constant 0 : i32
    %dma_wait3A_84 = arith.constant 0 : i32
    %dma_wait3A_85 = tpu.memref_slice %arg11[%dma_wait3A_82, %dma_wait3A_83, %dma_wait3A_84] : memref<3x128x128xf32, #tpu.memory_space<vmem>> -> memref<1x128x128xf32, #tpu.memory_space<vmem>>
    %dma_wait3A_86 = tpu.memref_squeeze %dma_wait3A_85 : memref<1x128x128xf32, #tpu.memory_space<vmem>> -> memref<128x128xf32, #tpu.memory_space<vmem>>
    %dma_wait3A_87 = arith.constant 0 : i32
    %dma_wait3A_88 = arith.constant 0 : i32
    %dma_wait3A_89 = tpu.memref_slice %arg12[%dma_wait3A_87, %dma_wait3A_88] : memref<10000x128xf32, #tpu.memory_space<vmem_shared>> -> memref<128x128xf32, #tpu.memory_space<vmem_shared>>
    %dma_wait3A_90 = arith.constant 0 : i32
    %dma_wait3A_91 = arith.constant 0 : i32
    %dma_wait3A_92 = tpu.memref_slice %arg12[%dma_wait3A_90, %dma_wait3A_91] : memref<10000x128xf32, #tpu.memory_space<vmem_shared>> -> memref<128x128xf32, #tpu.memory_space<vmem_shared>>
    %dma_wait3A_93 = arith.constant 0 : i32
    %dma_wait3A_94 = arith.constant 0 : i32
    %dma_wait3A_95 = tpu.memref_slice %arg11[%dma_wait3A_82, %dma_wait3A_93, %dma_wait3A_94] : memref<3x128x128xf32, #tpu.memory_space<vmem>> -> memref<1x128x128xf32, #tpu.memory_space<vmem>>
    %dma_wait3A_96 = tpu.memref_squeeze %dma_wait3A_95 : memref<1x128x128xf32, #tpu.memory_space<vmem>> -> memref<128x128xf32, #tpu.memory_space<vmem>>
    tpu.wait_dma2 semaphore(%arg15 : memref<!tpu.dma_semaphore, #tpu.memory_space<semaphore_mem>>) src(%dma_wait3A_96 : memref<128x128xf32, #tpu.memory_space<vmem>>) dst(%dma_wait3A_92 : memref<128x128xf32, #tpu.memory_space<vmem_shared>>)
    %dma_wait3A_97 = arith.constant 2 : i32
    %dma_wait3A_98 = arith.constant 0 : i32
    %dma_wait3A_99 = arith.constant 0 : i32
    %dma_wait3A_100 = tpu.memref_slice %arg11[%dma_wait3A_97, %dma_wait3A_98, %dma_wait3A_99] : memref<3x128x128xf32, #tpu.memory_space<vmem>> -> memref<1x128x128xf32, #tpu.memory_space<vmem>>
    %dma_wait3A_101 = tpu.memref_squeeze %dma_wait3A_100 : memref<1x128x128xf32, #tpu.memory_space<vmem>> -> memref<128x128xf32, #tpu.memory_space<vmem>>
    %dma_wait3A_102 = arith.constant 0 : i32
    %dma_wait3A_103 = arith.constant 0 : i32
    %dma_wait3A_104 = tpu.memref_slice %arg12[%dma_wait3A_102, %dma_wait3A_103] : memref<10000x128xf32, #tpu.memory_space<vmem_shared>> -> memref<128x128xf32, #tpu.memory_space<vmem_shared>>
    %dma_wait3A_105 = arith.constant 0 : i32
    %dma_wait3A_106 = arith.constant 0 : i32
    %dma_wait3A_107 = tpu.memref_slice %arg12[%dma_wait3A_105, %dma_wait3A_106] : memref<10000x128xf32, #tpu.memory_space<vmem_shared>> -> memref<128x128xf32, #tpu.memory_space<vmem_shared>>
    %dma_wait3A_108 = arith.constant 0 : i32
    %dma_wait3A_109 = arith.constant 0 : i32
    %dma_wait3A_110 = tpu.memref_slice %arg11[%dma_wait3A_97, %dma_wait3A_108, %dma_wait3A_109] : memref<3x128x128xf32, #tpu.memory_space<vmem>> -> memref<1x128x128xf32, #tpu.memory_space<vmem>>
    %dma_wait3A_111 = tpu.memref_squeeze %dma_wait3A_110 : memref<1x128x128xf32, #tpu.memory_space<vmem>> -> memref<128x128xf32, #tpu.memory_space<vmem>>
    tpu.wait_dma2 semaphore(%arg15 : memref<!tpu.dma_semaphore, #tpu.memory_space<semaphore_mem>>) src(%dma_wait3A_111 : memref<128x128xf32, #tpu.memory_space<vmem>>) dst(%dma_wait3A_107 : memref<128x128xf32, #tpu.memory_space<vmem_shared>>)
    %add3A_112 = arith.constant 9984 : i32
    %add3A_113 = arith.addi %mul3A_7, %add3A_112 : i32
    "tpu.region"() ({
      %run_scoped3A_143 = tpu.sem_alloc : memref<!tpu.dma_semaphore, #tpu.memory_space<semaphore_mem>>
      %dma_start3A_144 = tpu.memref_slice %arg3[%add3A_113] : memref<320000xi32, #tpu.memory_space<hbm>> -> memref<16xi32, #tpu.memory_space<hbm>>
      %dma_start3A_145 = tpu.memref_slice %arg3[%add3A_113] : memref<320000xi32, #tpu.memory_space<hbm>> -> memref<16xi32, #tpu.memory_space<hbm>>
      tpu.enqueue_dma source(%dma_start3A_145 : memref<16xi32, #tpu.memory_space<hbm>>) target(%arg9 : memref<16xi32, #tpu.memory_space<vmem>>) target_semaphore(%run_scoped3A_143 : memref<!tpu.dma_semaphore, #tpu.memory_space<semaphore_mem>>)
      %dma_wait3A_146 = tpu.memref_slice %arg3[%add3A_113] : memref<320000xi32, #tpu.memory_space<hbm>> -> memref<16xi32, #tpu.memory_space<hbm>>
      %dma_wait3A_147 = tpu.memref_slice %arg3[%add3A_113] : memref<320000xi32, #tpu.memory_space<hbm>> -> memref<16xi32, #tpu.memory_space<hbm>>
      tpu.wait_dma2 semaphore(%run_scoped3A_143 : memref<!tpu.dma_semaphore, #tpu.memory_space<semaphore_mem>>) src(%dma_wait3A_147 : memref<16xi32, #tpu.memory_space<hbm>>) dst(%arg9 : memref<16xi32, #tpu.memory_space<vmem>>)
      tpu.yield
    }) : () -> ()
    "tpu.region"() ({
      %run_scoped3A_143 = tpu.sem_alloc : memref<!tpu.dma_semaphore, #tpu.memory_space<semaphore_mem>>
      %dma_start3A_144 = tpu.memref_slice %arg4[%add3A_113] : memref<320000xi32, #tpu.memory_space<hbm>> -> memref<16xi32, #tpu.memory_space<hbm>>
      %dma_start3A_145 = tpu.memref_slice %arg4[%add3A_113] : memref<320000xi32, #tpu.memory_space<hbm>> -> memref<16xi32, #tpu.memory_space<hbm>>
      tpu.enqueue_dma source(%dma_start3A_145 : memref<16xi32, #tpu.memory_space<hbm>>) target(%arg10 : memref<16xi32, #tpu.memory_space<vmem>>) target_semaphore(%run_scoped3A_143 : memref<!tpu.dma_semaphore, #tpu.memory_space<semaphore_mem>>)
      %dma_wait3A_146 = tpu.memref_slice %arg4[%add3A_113] : memref<320000xi32, #tpu.memory_space<hbm>> -> memref<16xi32, #tpu.memory_space<hbm>>
      %dma_wait3A_147 = tpu.memref_slice %arg4[%add3A_113] : memref<320000xi32, #tpu.memory_space<hbm>> -> memref<16xi32, #tpu.memory_space<hbm>>
      tpu.wait_dma2 semaphore(%run_scoped3A_143 : memref<!tpu.dma_semaphore, #tpu.memory_space<semaphore_mem>>) src(%dma_wait3A_147 : memref<16xi32, #tpu.memory_space<hbm>>) dst(%arg10 : memref<16xi32, #tpu.memory_space<vmem>>)
      tpu.yield
    }) : () -> ()
    %dma_start3A_114 = arith.constant 0 : i32
    %dma_start3A_115 = arith.constant 0 : i32
    %dma_start3A_116 = arith.constant 0 : i32
    %dma_start3A_117 = tpu.memref_slice %arg11[%dma_start3A_114, %dma_start3A_115, %dma_start3A_116] : memref<3x128x128xf32, #tpu.memory_space<vmem>> -> memref<1x16x128xf32, #tpu.memory_space<vmem>>
    %dma_start3A_118 = tpu.memref_squeeze %dma_start3A_117 : memref<1x16x128xf32, #tpu.memory_space<vmem>> -> memref<16x128xf32, #tpu.memory_space<vmem>>
    %dma_start3A_119 = arith.constant 0 : i32
    %dma_start3A_120 = arith.constant 0 : i32
    %dma_start3A_121 = tpu.memref_slice %arg2[%dma_start3A_119, %dma_start3A_120] : memref<10000x128xf32, #tpu.memory_space<hbm>> -> memref<10000x128xf32, #tpu.memory_space<hbm>>
    tpu.enqueue_indirect_dma source(%dma_start3A_121 : memref<10000x128xf32, #tpu.memory_space<hbm>>) target(%dma_start3A_118 : memref<16x128xf32, #tpu.memory_space<vmem>>) offsets(%arg9 : memref<16xi32, #tpu.memory_space<vmem>>) semaphore(%arg14 : memref<!tpu.dma_semaphore, #tpu.memory_space<semaphore_mem>>)
    %dma_wait3A_122 = arith.constant 0 : i32
    %dma_wait3A_123 = arith.constant 0 : i32
    %dma_wait3A_124 = arith.constant 0 : i32
    %dma_wait3A_125 = tpu.memref_slice %arg11[%dma_wait3A_122, %dma_wait3A_123, %dma_wait3A_124] : memref<3x128x128xf32, #tpu.memory_space<vmem>> -> memref<1x16x128xf32, #tpu.memory_space<vmem>>
    %dma_wait3A_126 = tpu.memref_squeeze %dma_wait3A_125 : memref<1x16x128xf32, #tpu.memory_space<vmem>> -> memref<16x128xf32, #tpu.memory_space<vmem>>
    %dma_wait3A_127 = arith.constant 0 : i32
    %dma_wait3A_128 = arith.constant 0 : i32
    %dma_wait3A_129 = tpu.memref_slice %arg2[%dma_wait3A_127, %dma_wait3A_128] : memref<10000x128xf32, #tpu.memory_space<hbm>> -> memref<10000x128xf32, #tpu.memory_space<hbm>>
    tpu.wait_indirect_dma semaphore(%arg14 : memref<!tpu.dma_semaphore, #tpu.memory_space<semaphore_mem>>) src(%dma_wait3A_129 : memref<10000x128xf32, #tpu.memory_space<hbm>>) dst(%dma_wait3A_126 : memref<16x128xf32, #tpu.memory_space<vmem>>)
    %run_scoped3A_130 = arith.constant 0 : i32
    "tpu.region"() ({
      %run_scoped3A_143 = tpu.sem_alloc : memref<!tpu.dma_semaphore, #tpu.memory_space<semaphore_mem>>
      %dma_start3A_144 = arith.constant 0 : i32
      %dma_start3A_145 = arith.constant 0 : i32
      %dma_start3A_146 = tpu.memref_slice %arg11[%run_scoped3A_130, %dma_start3A_144, %dma_start3A_145] : memref<3x128x128xf32, #tpu.memory_space<vmem>> -> memref<1x16x128xf32, #tpu.memory_space<vmem>>
      %dma_start3A_147 = tpu.memref_squeeze %dma_start3A_146 : memref<1x16x128xf32, #tpu.memory_space<vmem>> -> memref<16x128xf32, #tpu.memory_space<vmem>>
      %dma_start3A_148 = arith.constant 0 : i32
      %dma_start3A_149 = arith.constant 0 : i32
      %dma_start3A_150 = tpu.memref_slice %arg12[%dma_start3A_148, %dma_start3A_149] : memref<10000x128xf32, #tpu.memory_space<vmem_shared>> -> memref<10000x128xf32, #tpu.memory_space<vmem_shared>>
      tpu.enqueue_indirect_dma source(%dma_start3A_147 : memref<16x128xf32, #tpu.memory_space<vmem>>) target(%dma_start3A_150 : memref<10000x128xf32, #tpu.memory_space<vmem_shared>>) offsets(%arg10 : memref<16xi32, #tpu.memory_space<vmem>>) semaphore(%run_scoped3A_143 : memref<!tpu.dma_semaphore, #tpu.memory_space<semaphore_mem>>) {add = true}
      %dma_wait3A_151 = arith.constant 0 : i32
      %dma_wait3A_152 = arith.constant 0 : i32
      %dma_wait3A_153 = tpu.memref_slice %arg11[%run_scoped3A_130, %dma_wait3A_151, %dma_wait3A_152] : memref<3x128x128xf32, #tpu.memory_space<vmem>> -> memref<1x16x128xf32, #tpu.memory_space<vmem>>
      %dma_wait3A_154 = tpu.memref_squeeze %dma_wait3A_153 : memref<1x16x128xf32, #tpu.memory_space<vmem>> -> memref<16x128xf32, #tpu.memory_space<vmem>>
      %dma_wait3A_155 = arith.constant 0 : i32
      %dma_wait3A_156 = arith.constant 0 : i32
      %dma_wait3A_157 = tpu.memref_slice %arg12[%dma_wait3A_155, %dma_wait3A_156] : memref<10000x128xf32, #tpu.memory_space<vmem_shared>> -> memref<10000x128xf32, #tpu.memory_space<vmem_shared>>
      tpu.wait_indirect_dma semaphore(%run_scoped3A_143 : memref<!tpu.dma_semaphore, #tpu.memory_space<semaphore_mem>>) src(%dma_wait3A_154 : memref<16x128xf32, #tpu.memory_space<vmem>>) dst(%dma_wait3A_157 : memref<10000x128xf32, #tpu.memory_space<vmem_shared>>)
      tpu.yield
    }) : () -> ()
    %barrier3A_131 = arith.constant 0 : index
    tpu.barrier barrier_id(%barrier3A_131)
    %mul3A_132 = arith.constant 8 : i32
    %mul3A_133 = arith.muli %arg1, %mul3A_132 : i32
    %sub3A = arith.constant 125 : i32
    %sub3A_134 = arith.subi %sub3A, %mul3A_133 : i32
    %scan3A_135 = arith.constant 0 : i32
    %scan3A_136 = arith.constant 0 : i32
    %scan3A_137 = arith.constant 8 : i32
    %scan3A_138 = arith.addi %scan3A_136, %scan3A_137 : i32
    %scan3A_139 = arith.constant 1 : i32
    scf.for %scan3A_143 = %scan3A_136 to %scan3A_138 step %scan3A_139  : i32 {
      %mul3A_144 = arith.constant 8 : i32
      %mul3A_145 = arith.muli %arg1, %mul3A_144 : i32
      %add3A_146 = arith.addi %mul3A_145, %scan3A_143 : i32
      %rem3A = arith.constant 2 : i32
      %rem3A_147 = arith.remsi %scan3A_143, %rem3A : i32
      %ge3A_148 = arith.constant 2 : i32
      %ge3A_149 = arith.cmpi sge, %scan3A_143, %ge3A_148 : i32
      %sub3A_150 = arith.constant 2 : i32
      %sub3A_151 = arith.subi %scan3A_143, %sub3A_150 : i32
      %lt3A = arith.cmpi slt, %sub3A_151, %sub3A_134 : i32
      %and3A = arith.andi %ge3A_149, %lt3A : i1
      %convert_element_type3A_152 = arith.extui %and3A : i1 to i32
      %cond3A_153 = arith.constant 0 : i32
      %cond3A_154 = arith.cmpi ne, %convert_element_type3A_152, %cond3A_153 : i32
      scf.if %cond3A_154 {
        %dma_wait3A_160 = arith.constant 0 : i32
        %dma_wait3A_161 = arith.constant 0 : i32
        %dma_wait3A_162 = tpu.memref_slice %arg11[%rem3A_147, %dma_wait3A_160, %dma_wait3A_161] : memref<3x128x128xf32, #tpu.memory_space<vmem>> -> memref<1x80x128xf32, #tpu.memory_space<vmem>>
        %dma_wait3A_163 = tpu.memref_squeeze %dma_wait3A_162 : memref<1x80x128xf32, #tpu.memory_space<vmem>> -> memref<80x128xf32, #tpu.memory_space<vmem>>
        %dma_wait3A_164 = arith.constant 0 : i32
        %dma_wait3A_165 = arith.constant 0 : i32
        %dma_wait3A_166 = tpu.memref_slice %arg6[%arg0, %dma_wait3A_164, %dma_wait3A_165] : memref<2x10000x128xf32, #tpu.memory_space<hbm>> -> memref<1x80x128xf32, #tpu.memory_space<hbm>>
        %dma_wait3A_167 = tpu.memref_squeeze %dma_wait3A_166 : memref<1x80x128xf32, #tpu.memory_space<hbm>> -> memref<80x128xf32, #tpu.memory_space<hbm>>
        %dma_wait3A_168 = arith.constant 0 : i32
        %dma_wait3A_169 = arith.constant 0 : i32
        %dma_wait3A_170 = tpu.memref_slice %arg6[%arg0, %dma_wait3A_168, %dma_wait3A_169] : memref<2x10000x128xf32, #tpu.memory_space<hbm>> -> memref<1x80x128xf32, #tpu.memory_space<hbm>>
        %dma_wait3A_171 = tpu.memref_squeeze %dma_wait3A_170 : memref<1x80x128xf32, #tpu.memory_space<hbm>> -> memref<80x128xf32, #tpu.memory_space<hbm>>
        %dma_wait3A_172 = arith.constant 0 : i32
        %dma_wait3A_173 = arith.constant 0 : i32
        %dma_wait3A_174 = tpu.memref_slice %arg11[%rem3A_147, %dma_wait3A_172, %dma_wait3A_173] : memref<3x128x128xf32, #tpu.memory_space<vmem>> -> memref<1x80x128xf32, #tpu.memory_space<vmem>>
        %dma_wait3A_175 = tpu.memref_squeeze %dma_wait3A_174 : memref<1x80x128xf32, #tpu.memory_space<vmem>> -> memref<80x128xf32, #tpu.memory_space<vmem>>
        tpu.wait_dma2 semaphore(%arg15 : memref<!tpu.dma_semaphore, #tpu.memory_space<semaphore_mem>>) src(%dma_wait3A_175 : memref<80x128xf32, #tpu.memory_space<vmem>>) dst(%dma_wait3A_171 : memref<80x128xf32, #tpu.memory_space<hbm>>)
      } else {
      }
      %lt3A_155 = arith.constant 125 : i32
      %lt3A_156 = arith.cmpi slt, %add3A_146, %lt3A_155 : i32
      %convert_element_type3A_157 = arith.extui %lt3A_156 : i1 to i32
      %cond3A_158 = arith.constant 0 : i32
      %cond3A_159 = arith.cmpi ne, %convert_element_type3A_157, %cond3A_158 : i32
      scf.if %cond3A_159 {
        %mul3A_160 = arith.constant 80 : i32
        %mul3A_161 = arith.muli %add3A_146, %mul3A_160 : i32
        "tpu.region"() ({
          %run_scoped3A_176 = tpu.sem_alloc : memref<!tpu.dma_semaphore, #tpu.memory_space<semaphore_mem>>
          %dma_start3A_177 = arith.constant 0 : i32
          %dma_start3A_178 = arith.constant 0 : i32
          %dma_start3A_179 = tpu.memref_slice %arg11[%rem3A_147, %dma_start3A_177, %dma_start3A_178] : memref<3x128x128xf32, #tpu.memory_space<vmem>> -> memref<1x80x128xf32, #tpu.memory_space<vmem>>
          %dma_start3A_180 = tpu.memref_squeeze %dma_start3A_179 : memref<1x80x128xf32, #tpu.memory_space<vmem>> -> memref<80x128xf32, #tpu.memory_space<vmem>>
          %dma_start3A_181 = arith.constant 0 : i32
          %dma_start3A_182 = tpu.memref_slice %arg12[%mul3A_161, %dma_start3A_181] : memref<10000x128xf32, #tpu.memory_space<vmem_shared>> -> memref<80x128xf32, #tpu.memory_space<vmem_shared>>
          %dma_start3A_183 = arith.constant 0 : i32
          %dma_start3A_184 = arith.constant 0 : i32
          %dma_start3A_185 = tpu.memref_slice %arg11[%rem3A_147, %dma_start3A_183, %dma_start3A_184] : memref<3x128x128xf32, #tpu.memory_space<vmem>> -> memref<1x80x128xf32, #tpu.memory_space<vmem>>
          %dma_start3A_186 = tpu.memref_squeeze %dma_start3A_185 : memref<1x80x128xf32, #tpu.memory_space<vmem>> -> memref<80x128xf32, #tpu.memory_space<vmem>>
          %dma_start3A_187 = arith.constant 0 : i32
          %dma_start3A_188 = tpu.memref_slice %arg12[%mul3A_161, %dma_start3A_187] : memref<10000x128xf32, #tpu.memory_space<vmem_shared>> -> memref<80x128xf32, #tpu.memory_space<vmem_shared>>
          tpu.enqueue_dma source(%dma_start3A_188 : memref<80x128xf32, #tpu.memory_space<vmem_shared>>) target(%dma_start3A_186 : memref<80x128xf32, #tpu.memory_space<vmem>>) target_semaphore(%run_scoped3A_176 : memref<!tpu.dma_semaphore, #tpu.memory_space<semaphore_mem>>)
          %dma_wait3A_189 = arith.constant 0 : i32
          %dma_wait3A_190 = arith.constant 0 : i32
          %dma_wait3A_191 = tpu.memref_slice %arg11[%rem3A_147, %dma_wait3A_189, %dma_wait3A_190] : memref<3x128x128xf32, #tpu.memory_space<vmem>> -> memref<1x80x128xf32, #tpu.memory_space<vmem>>
          %dma_wait3A_192 = tpu.memref_squeeze %dma_wait3A_191 : memref<1x80x128xf32, #tpu.memory_space<vmem>> -> memref<80x128xf32, #tpu.memory_space<vmem>>
          %dma_wait3A_193 = arith.constant 0 : i32
          %dma_wait3A_194 = tpu.memref_slice %arg12[%mul3A_161, %dma_wait3A_193] : memref<10000x128xf32, #tpu.memory_space<vmem_shared>> -> memref<80x128xf32, #tpu.memory_space<vmem_shared>>
          %dma_wait3A_195 = arith.constant 0 : i32
          %dma_wait3A_196 = arith.constant 0 : i32
          %dma_wait3A_197 = tpu.memref_slice %arg11[%rem3A_147, %dma_wait3A_195, %dma_wait3A_196] : memref<3x128x128xf32, #tpu.memory_space<vmem>> -> memref<1x80x128xf32, #tpu.memory_space<vmem>>
          %dma_wait3A_198 = tpu.memref_squeeze %dma_wait3A_197 : memref<1x80x128xf32, #tpu.memory_space<vmem>> -> memref<80x128xf32, #tpu.memory_space<vmem>>
          %dma_wait3A_199 = arith.constant 0 : i32
          %dma_wait3A_200 = tpu.memref_slice %arg12[%mul3A_161, %dma_wait3A_199] : memref<10000x128xf32, #tpu.memory_space<vmem_shared>> -> memref<80x128xf32, #tpu.memory_space<vmem_shared>>
          tpu.wait_dma2 semaphore(%run_scoped3A_176 : memref<!tpu.dma_semaphore, #tpu.memory_space<semaphore_mem>>) src(%dma_wait3A_200 : memref<80x128xf32, #tpu.memory_space<vmem_shared>>) dst(%dma_wait3A_198 : memref<80x128xf32, #tpu.memory_space<vmem>>)
          tpu.yield
        }) : () -> ()
        %dma_start3A_162 = arith.constant 0 : i32
        %dma_start3A_163 = arith.constant 0 : i32
        %dma_start3A_164 = tpu.memref_slice %arg11[%rem3A_147, %dma_start3A_162, %dma_start3A_163] : memref<3x128x128xf32, #tpu.memory_space<vmem>> -> memref<1x80x128xf32, #tpu.memory_space<vmem>>
        %dma_start3A_165 = tpu.memref_squeeze %dma_start3A_164 : memref<1x80x128xf32, #tpu.memory_space<vmem>> -> memref<80x128xf32, #tpu.memory_space<vmem>>
        %dma_start3A_166 = arith.constant 0 : i32
        %dma_start3A_167 = tpu.memref_slice %arg6[%arg0, %mul3A_161, %dma_start3A_166] : memref<2x10000x128xf32, #tpu.memory_space<hbm>> -> memref<1x80x128xf32, #tpu.memory_space<hbm>>
        %dma_start3A_168 = tpu.memref_squeeze %dma_start3A_167 : memref<1x80x128xf32, #tpu.memory_space<hbm>> -> memref<80x128xf32, #tpu.memory_space<hbm>>
        %dma_start3A_169 = arith.constant 0 : i32
        %dma_start3A_170 = tpu.memref_slice %arg6[%arg0, %mul3A_161, %dma_start3A_169] : memref<2x10000x128xf32, #tpu.memory_space<hbm>> -> memref<1x80x128xf32, #tpu.memory_space<hbm>>
        %dma_start3A_171 = tpu.memref_squeeze %dma_start3A_170 : memref<1x80x128xf32, #tpu.memory_space<hbm>> -> memref<80x128xf32, #tpu.memory_space<hbm>>
        %dma_start3A_172 = arith.constant 0 : i32
        %dma_start3A_173 = arith.constant 0 : i32
        %dma_start3A_174 = tpu.memref_slice %arg11[%rem3A_147, %dma_start3A_172, %dma_start3A_173] : memref<3x128x128xf32, #tpu.memory_space<vmem>> -> memref<1x80x128xf32, #tpu.memory_space<vmem>>
        %dma_start3A_175 = tpu.memref_squeeze %dma_start3A_174 : memref<1x80x128xf32, #tpu.memory_space<vmem>> -> memref<80x128xf32, #tpu.memory_space<vmem>>
        tpu.enqueue_dma source(%dma_start3A_175 : memref<80x128xf32, #tpu.memory_space<vmem>>) target(%dma_start3A_171 : memref<80x128xf32, #tpu.memory_space<hbm>>) target_semaphore(%arg15 : memref<!tpu.dma_semaphore, #tpu.memory_space<semaphore_mem>>)
      } else {
      }
    }
    %scan3A_140 = arith.constant 8 : i32
    %ge3A = arith.constant 8 : i32
    %ge3A_141 = arith.cmpi sge, %sub3A_134, %ge3A : i32
    %convert_element_type3A = arith.extui %ge3A_141 : i1 to i32
    %cond3A = arith.constant 0 : i32
    %cond3A_142 = arith.cmpi ne, %convert_element_type3A, %cond3A : i32
    scf.if %cond3A_142 {
      %dma_wait3A_143 = arith.constant 0 : i32
      %dma_wait3A_144 = arith.constant 0 : i32
      %dma_wait3A_145 = arith.constant 0 : i32
      %dma_wait3A_146 = tpu.memref_slice %arg11[%dma_wait3A_143, %dma_wait3A_144, %dma_wait3A_145] : memref<3x128x128xf32, #tpu.memory_space<vmem>> -> memref<1x80x128xf32, #tpu.memory_space<vmem>>
      %dma_wait3A_147 = tpu.memref_squeeze %dma_wait3A_146 : memref<1x80x128xf32, #tpu.memory_space<vmem>> -> memref<80x128xf32, #tpu.memory_space<vmem>>
      %dma_wait3A_148 = arith.constant 0 : i32
      %dma_wait3A_149 = arith.constant 0 : i32
      %dma_wait3A_150 = tpu.memref_slice %arg6[%arg0, %dma_wait3A_148, %dma_wait3A_149] : memref<2x10000x128xf32, #tpu.memory_space<hbm>> -> memref<1x80x128xf32, #tpu.memory_space<hbm>>
      %dma_wait3A_151 = tpu.memref_squeeze %dma_wait3A_150 : memref<1x80x128xf32, #tpu.memory_space<hbm>> -> memref<80x128xf32, #tpu.memory_space<hbm>>
      %dma_wait3A_152 = arith.constant 0 : i32
      %dma_wait3A_153 = arith.constant 0 : i32
      %dma_wait3A_154 = tpu.memref_slice %arg6[%arg0, %dma_wait3A_152, %dma_wait3A_153] : memref<2x10000x128xf32, #tpu.memory_space<hbm>> -> memref<1x80x128xf32, #tpu.memory_space<hbm>>
      %dma_wait3A_155 = tpu.memref_squeeze %dma_wait3A_154 : memref<1x80x128xf32, #tpu.memory_space<hbm>> -> memref<80x128xf32, #tpu.memory_space<hbm>>
      %dma_wait3A_156 = arith.constant 0 : i32
      %dma_wait3A_157 = arith.constant 0 : i32
      %dma_wait3A_158 = tpu.memref_slice %arg11[%dma_wait3A_143, %dma_wait3A_156, %dma_wait3A_157] : memref<3x128x128xf32, #tpu.memory_space<vmem>> -> memref<1x80x128xf32, #tpu.memory_space<vmem>>
      %dma_wait3A_159 = tpu.memref_squeeze %dma_wait3A_158 : memref<1x80x128xf32, #tpu.memory_space<vmem>> -> memref<80x128xf32, #tpu.memory_space<vmem>>
      tpu.wait_dma2 semaphore(%arg15 : memref<!tpu.dma_semaphore, #tpu.memory_space<semaphore_mem>>) src(%dma_wait3A_159 : memref<80x128xf32, #tpu.memory_space<vmem>>) dst(%dma_wait3A_155 : memref<80x128xf32, #tpu.memory_space<hbm>>)
      %dma_wait3A_160 = arith.constant 1 : i32
      %dma_wait3A_161 = arith.constant 0 : i32
      %dma_wait3A_162 = arith.constant 0 : i32
      %dma_wait3A_163 = tpu.memref_slice %arg11[%dma_wait3A_160, %dma_wait3A_161, %dma_wait3A_162] : memref<3x128x128xf32, #tpu.memory_space<vmem>> -> memref<1x80x128xf32, #tpu.memory_space<vmem>>
      %dma_wait3A_164 = tpu.memref_squeeze %dma_wait3A_163 : memref<1x80x128xf32, #tpu.memory_space<vmem>> -> memref<80x128xf32, #tpu.memory_space<vmem>>
      %dma_wait3A_165 = arith.constant 0 : i32
      %dma_wait3A_166 = arith.constant 0 : i32
      %dma_wait3A_167 = tpu.memref_slice %arg6[%arg0, %dma_wait3A_165, %dma_wait3A_166] : memref<2x10000x128xf32, #tpu.memory_space<hbm>> -> memref<1x80x128xf32, #tpu.memory_space<hbm>>
      %dma_wait3A_168 = tpu.memref_squeeze %dma_wait3A_167 : memref<1x80x128xf32, #tpu.memory_space<hbm>> -> memref<80x128xf32, #tpu.memory_space<hbm>>
      %dma_wait3A_169 = arith.constant 0 : i32
      %dma_wait3A_170 = arith.constant 0 : i32
      %dma_wait3A_171 = tpu.memref_slice %arg6[%arg0, %dma_wait3A_169, %dma_wait3A_170] : memref<2x10000x128xf32, #tpu.memory_space<hbm>> -> memref<1x80x128xf32, #tpu.memory_space<hbm>>
      %dma_wait3A_172 = tpu.memref_squeeze %dma_wait3A_171 : memref<1x80x128xf32, #tpu.memory_space<hbm>> -> memref<80x128xf32, #tpu.memory_space<hbm>>
      %dma_wait3A_173 = arith.constant 0 : i32
      %dma_wait3A_174 = arith.constant 0 : i32
      %dma_wait3A_175 = tpu.memref_slice %arg11[%dma_wait3A_160, %dma_wait3A_173, %dma_wait3A_174] : memref<3x128x128xf32, #tpu.memory_space<vmem>> -> memref<1x80x128xf32, #tpu.memory_space<vmem>>
      %dma_wait3A_176 = tpu.memref_squeeze %dma_wait3A_175 : memref<1x80x128xf32, #tpu.memory_space<vmem>> -> memref<80x128xf32, #tpu.memory_space<vmem>>
      tpu.wait_dma2 semaphore(%arg15 : memref<!tpu.dma_semaphore, #tpu.memory_space<semaphore_mem>>) src(%dma_wait3A_176 : memref<80x128xf32, #tpu.memory_space<vmem>>) dst(%dma_wait3A_172 : memref<80x128xf32, #tpu.memory_space<hbm>>)
    } else {
    }
    return
  }
}

#map = affine_map<(d0, d1) -> (0)>
#map1 = affine_map<(d0, d1) -> (0, 0)>
#map2 = affine_map<(d0, d1) -> (0, 0, 0)>
module attributes {stable_mosaic.version = 14 : i64} {
  func.func @sc_deg(%arg0: i32, %arg1: i32, %arg2: memref<320000xi32, #tpu.memory_space<hbm>>, %arg3: memref<80x128xf32, #tpu.memory_space<hbm>>, %arg4: memref<80x128xf32, #tpu.memory_space<hbm>>, %arg5: memref<2x10000x128xf32, #tpu.memory_space<hbm>>, %arg6: memref<2x80xi32, #tpu.memory_space<vmem>>, %arg7: memref<80x128xf32, #tpu.memory_space<vmem>>, %arg8: memref<2x80x128xf32, #tpu.memory_space<vmem>>, %arg9: memref<10000x128xf32, #tpu.memory_space<vmem_shared>>, %arg10: memref<!tpu.dma_semaphore, #tpu.memory_space<semaphore_mem>>, %arg11: memref<!tpu.dma_semaphore, #tpu.memory_space<semaphore_mem>>) attributes {dimension_semantics = [#tpu.dimension_semantics<core_parallel>, #tpu.dimension_semantics<subcore_parallel>], iteration_bounds = array<i64: 2, 16>, scalar_prefetch = 0 : i64, scratch_operands = 6 : i64, tpu.core_type = #tpu.core_type<sc_vector_subcore>, window_params = [{transform_indices = #map}, {transform_indices = #map1}, {transform_indices = #map1}, {transform_indices = #map2}]} {
    %mul3A = arith.constant 2 : i32
    %mul3A_0 = arith.muli %arg1, %mul3A : i32
    %add3A = arith.addi %mul3A_0, %arg0 : i32
    "tpu.region"() ({
      %run_scoped3A = tpu.sem_alloc : memref<!tpu.dma_semaphore, #tpu.memory_space<semaphore_mem>>
      tpu.enqueue_dma source(%arg3 : memref<80x128xf32, #tpu.memory_space<hbm>>) target(%arg7 : memref<80x128xf32, #tpu.memory_space<vmem>>) target_semaphore(%run_scoped3A : memref<!tpu.dma_semaphore, #tpu.memory_space<semaphore_mem>>)
      tpu.wait_dma2 semaphore(%run_scoped3A : memref<!tpu.dma_semaphore, #tpu.memory_space<semaphore_mem>>) src(%arg3 : memref<80x128xf32, #tpu.memory_space<hbm>>) dst(%arg7 : memref<80x128xf32, #tpu.memory_space<vmem>>)
      tpu.yield
    }) : () -> ()
    %scan3A = arith.constant 0 : i32
    %scan3A_1 = arith.constant 0 : i32
    %scan3A_2 = arith.constant 8 : i32
    %scan3A_3 = arith.addi %scan3A_1, %scan3A_2 : i32
    %scan3A_4 = arith.constant 1 : i32
    scf.for %scan3A_45 = %scan3A_1 to %scan3A_3 step %scan3A_4  : i32 {
      %mul3A_46 = arith.constant 8 : i32
      %mul3A_47 = arith.muli %arg1, %mul3A_46 : i32
      %add3A_48 = arith.addi %mul3A_47, %scan3A_45 : i32
      %lt3A = arith.constant 125 : i32
      %lt3A_49 = arith.cmpi slt, %add3A_48, %lt3A : i32
      %convert_element_type3A_50 = arith.extui %lt3A_49 : i1 to i32
      %cond3A_51 = arith.constant 0 : i32
      %cond3A_52 = arith.cmpi ne, %convert_element_type3A_50, %cond3A_51 : i32
      scf.if %cond3A_52 {
        %mul3A_53 = arith.constant 80 : i32
        %mul3A_54 = arith.muli %add3A_48, %mul3A_53 : i32
        "tpu.region"() ({
          %run_scoped3A = tpu.sem_alloc : memref<!tpu.dma_semaphore, #tpu.memory_space<semaphore_mem>>
          %dma_start3A_55 = arith.constant 0 : i32
          %dma_start3A_56 = tpu.memref_slice %arg9[%mul3A_54, %dma_start3A_55] : memref<10000x128xf32, #tpu.memory_space<vmem_shared>> -> memref<80x128xf32, #tpu.memory_space<vmem_shared>>
          %dma_start3A_57 = arith.constant 0 : i32
          %dma_start3A_58 = tpu.memref_slice %arg9[%mul3A_54, %dma_start3A_57] : memref<10000x128xf32, #tpu.memory_space<vmem_shared>> -> memref<80x128xf32, #tpu.memory_space<vmem_shared>>
          tpu.enqueue_dma source(%arg7 : memref<80x128xf32, #tpu.memory_space<vmem>>) target(%dma_start3A_58 : memref<80x128xf32, #tpu.memory_space<vmem_shared>>) target_semaphore(%run_scoped3A : memref<!tpu.dma_semaphore, #tpu.memory_space<semaphore_mem>>)
          %dma_wait3A_59 = arith.constant 0 : i32
          %dma_wait3A_60 = tpu.memref_slice %arg9[%mul3A_54, %dma_wait3A_59] : memref<10000x128xf32, #tpu.memory_space<vmem_shared>> -> memref<80x128xf32, #tpu.memory_space<vmem_shared>>
          %dma_wait3A_61 = arith.constant 0 : i32
          %dma_wait3A_62 = tpu.memref_slice %arg9[%mul3A_54, %dma_wait3A_61] : memref<10000x128xf32, #tpu.memory_space<vmem_shared>> -> memref<80x128xf32, #tpu.memory_space<vmem_shared>>
          tpu.wait_dma2 semaphore(%run_scoped3A : memref<!tpu.dma_semaphore, #tpu.memory_space<semaphore_mem>>) src(%arg7 : memref<80x128xf32, #tpu.memory_space<vmem>>) dst(%dma_wait3A_62 : memref<80x128xf32, #tpu.memory_space<vmem_shared>>)
          tpu.yield
        }) : () -> ()
      } else {
      }
    }
    %scan3A_5 = arith.constant 8 : i32
    "tpu.region"() ({
      %run_scoped3A = tpu.sem_alloc : memref<!tpu.dma_semaphore, #tpu.memory_space<semaphore_mem>>
      tpu.enqueue_dma source(%arg4 : memref<80x128xf32, #tpu.memory_space<hbm>>) target(%arg7 : memref<80x128xf32, #tpu.memory_space<vmem>>) target_semaphore(%run_scoped3A : memref<!tpu.dma_semaphore, #tpu.memory_space<semaphore_mem>>)
      tpu.wait_dma2 semaphore(%run_scoped3A : memref<!tpu.dma_semaphore, #tpu.memory_space<semaphore_mem>>) src(%arg4 : memref<80x128xf32, #tpu.memory_space<hbm>>) dst(%arg7 : memref<80x128xf32, #tpu.memory_space<vmem>>)
      tpu.yield
    }) : () -> ()
    %mul3A_6 = arith.constant 10000 : i32
    %mul3A_7 = arith.muli %add3A, %mul3A_6 : i32
    %dma_start3A = arith.constant 0 : i32
    %dma_start3A_8 = arith.constant 0 : i32
    %dma_start3A_9 = tpu.memref_slice %arg6[%dma_start3A, %dma_start3A_8] : memref<2x80xi32, #tpu.memory_space<vmem>> -> memref<1x80xi32, #tpu.memory_space<vmem>>
    %dma_start3A_10 = tpu.memref_squeeze %dma_start3A_9 : memref<1x80xi32, #tpu.memory_space<vmem>> -> memref<80xi32, #tpu.memory_space<vmem>>
    %dma_start3A_11 = tpu.memref_slice %arg2[%mul3A_7] : memref<320000xi32, #tpu.memory_space<hbm>> -> memref<80xi32, #tpu.memory_space<hbm>>
    %dma_start3A_12 = arith.constant 0 : i32
    %dma_start3A_13 = tpu.memref_slice %arg6[%dma_start3A, %dma_start3A_12] : memref<2x80xi32, #tpu.memory_space<vmem>> -> memref<1x80xi32, #tpu.memory_space<vmem>>
    %dma_start3A_14 = tpu.memref_squeeze %dma_start3A_13 : memref<1x80xi32, #tpu.memory_space<vmem>> -> memref<80xi32, #tpu.memory_space<vmem>>
    %dma_start3A_15 = tpu.memref_slice %arg2[%mul3A_7] : memref<320000xi32, #tpu.memory_space<hbm>> -> memref<80xi32, #tpu.memory_space<hbm>>
    tpu.enqueue_dma source(%dma_start3A_15 : memref<80xi32, #tpu.memory_space<hbm>>) target(%dma_start3A_14 : memref<80xi32, #tpu.memory_space<vmem>>) target_semaphore(%arg10 : memref<!tpu.dma_semaphore, #tpu.memory_space<semaphore_mem>>)
    %barrier3A = arith.constant 0 : index
    tpu.barrier barrier_id(%barrier3A)
    %scan3A_16 = arith.constant 0 : i32
    %scan3A_17 = arith.constant 0 : i32
    %scan3A_18 = arith.constant 125 : i32
    %scan3A_19 = arith.addi %scan3A_17, %scan3A_18 : i32
    %scan3A_20 = arith.constant 1 : i32
    scf.for %scan3A_45 = %scan3A_17 to %scan3A_19 step %scan3A_20  : i32 {
      %rem3A = arith.constant 2 : i32
      %rem3A_46 = arith.remsi %scan3A_45, %rem3A : i32
      %ge3A_47 = arith.constant 2 : i32
      %ge3A_48 = arith.cmpi sge, %scan3A_45, %ge3A_47 : i32
      %convert_element_type3A_49 = arith.extui %ge3A_48 : i1 to i32
      %cond3A_50 = arith.constant 0 : i32
      %cond3A_51 = arith.cmpi ne, %convert_element_type3A_49, %cond3A_50 : i32
      scf.if %cond3A_51 {
        %dma_wait3A_72 = arith.constant 0 : i32
        %dma_wait3A_73 = arith.constant 0 : i32
        %dma_wait3A_74 = tpu.memref_slice %arg9[%dma_wait3A_72, %dma_wait3A_73] : memref<10000x128xf32, #tpu.memory_space<vmem_shared>> -> memref<80x128xf32, #tpu.memory_space<vmem_shared>>
        %dma_wait3A_75 = arith.constant 0 : i32
        %dma_wait3A_76 = arith.constant 0 : i32
        %dma_wait3A_77 = tpu.memref_slice %arg9[%dma_wait3A_75, %dma_wait3A_76] : memref<10000x128xf32, #tpu.memory_space<vmem_shared>> -> memref<80x128xf32, #tpu.memory_space<vmem_shared>>
        tpu.wait_dma2 semaphore(%arg11 : memref<!tpu.dma_semaphore, #tpu.memory_space<semaphore_mem>>) src(%arg7 : memref<80x128xf32, #tpu.memory_space<vmem>>) dst(%dma_wait3A_77 : memref<80x128xf32, #tpu.memory_space<vmem_shared>>)
      } else {
      }
      %dma_wait3A_52 = arith.constant 0 : i32
      %dma_wait3A_53 = tpu.memref_slice %arg6[%rem3A_46, %dma_wait3A_52] : memref<2x80xi32, #tpu.memory_space<vmem>> -> memref<1x80xi32, #tpu.memory_space<vmem>>
      %dma_wait3A_54 = tpu.memref_squeeze %dma_wait3A_53 : memref<1x80xi32, #tpu.memory_space<vmem>> -> memref<80xi32, #tpu.memory_space<vmem>>
      %dma_wait3A_55 = tpu.memref_slice %arg2[%mul3A_7] : memref<320000xi32, #tpu.memory_space<hbm>> -> memref<80xi32, #tpu.memory_space<hbm>>
      %dma_wait3A_56 = arith.constant 0 : i32
      %dma_wait3A_57 = tpu.memref_slice %arg6[%rem3A_46, %dma_wait3A_56] : memref<2x80xi32, #tpu.memory_space<vmem>> -> memref<1x80xi32, #tpu.memory_space<vmem>>
      %dma_wait3A_58 = tpu.memref_squeeze %dma_wait3A_57 : memref<1x80xi32, #tpu.memory_space<vmem>> -> memref<80xi32, #tpu.memory_space<vmem>>
      %dma_wait3A_59 = tpu.memref_slice %arg2[%mul3A_7] : memref<320000xi32, #tpu.memory_space<hbm>> -> memref<80xi32, #tpu.memory_space<hbm>>
      tpu.wait_dma2 semaphore(%arg10 : memref<!tpu.dma_semaphore, #tpu.memory_space<semaphore_mem>>) src(%dma_wait3A_59 : memref<80xi32, #tpu.memory_space<hbm>>) dst(%dma_wait3A_58 : memref<80xi32, #tpu.memory_space<vmem>>)
      %add3A_60 = arith.constant 1 : i32
      %add3A_61 = arith.addi %scan3A_45, %add3A_60 : i32
      %lt3A = arith.constant 125 : i32
      %lt3A_62 = arith.cmpi slt, %add3A_61, %lt3A : i32
      %convert_element_type3A_63 = arith.extui %lt3A_62 : i1 to i32
      %cond3A_64 = arith.constant 0 : i32
      %cond3A_65 = arith.cmpi ne, %convert_element_type3A_63, %cond3A_64 : i32
      scf.if %cond3A_65 {
        %add3A_72 = arith.constant 1 : i32
        %add3A_73 = arith.addi %scan3A_45, %add3A_72 : i32
        %mul3A_74 = arith.constant 80 : i32
        %mul3A_75 = arith.muli %add3A_73, %mul3A_74 : i32
        %add3A_76 = arith.addi %mul3A_7, %mul3A_75 : i32
        %sub3A_77 = arith.constant 1 : i32
        %sub3A_78 = arith.subi %sub3A_77, %rem3A_46 : i32
        %dma_start3A_79 = arith.constant 0 : i32
        %dma_start3A_80 = tpu.memref_slice %arg6[%sub3A_78, %dma_start3A_79] : memref<2x80xi32, #tpu.memory_space<vmem>> -> memref<1x80xi32, #tpu.memory_space<vmem>>
        %dma_start3A_81 = tpu.memref_squeeze %dma_start3A_80 : memref<1x80xi32, #tpu.memory_space<vmem>> -> memref<80xi32, #tpu.memory_space<vmem>>
        %dma_start3A_82 = tpu.memref_slice %arg2[%add3A_76] : memref<320000xi32, #tpu.memory_space<hbm>> -> memref<80xi32, #tpu.memory_space<hbm>>
        %dma_start3A_83 = arith.constant 0 : i32
        %dma_start3A_84 = tpu.memref_slice %arg6[%sub3A_78, %dma_start3A_83] : memref<2x80xi32, #tpu.memory_space<vmem>> -> memref<1x80xi32, #tpu.memory_space<vmem>>
        %dma_start3A_85 = tpu.memref_squeeze %dma_start3A_84 : memref<1x80xi32, #tpu.memory_space<vmem>> -> memref<80xi32, #tpu.memory_space<vmem>>
        %dma_start3A_86 = tpu.memref_slice %arg2[%add3A_76] : memref<320000xi32, #tpu.memory_space<hbm>> -> memref<80xi32, #tpu.memory_space<hbm>>
        tpu.enqueue_dma source(%dma_start3A_86 : memref<80xi32, #tpu.memory_space<hbm>>) target(%dma_start3A_85 : memref<80xi32, #tpu.memory_space<vmem>>) target_semaphore(%arg10 : memref<!tpu.dma_semaphore, #tpu.memory_space<semaphore_mem>>)
      } else {
      }
      %dma_start3A_66 = arith.constant 0 : i32
      %dma_start3A_67 = tpu.memref_slice %arg6[%rem3A_46, %dma_start3A_66] : memref<2x80xi32, #tpu.memory_space<vmem>> -> memref<1x80xi32, #tpu.memory_space<vmem>>
      %dma_start3A_68 = tpu.memref_squeeze %dma_start3A_67 : memref<1x80xi32, #tpu.memory_space<vmem>> -> memref<80xi32, #tpu.memory_space<vmem>>
      %dma_start3A_69 = arith.constant 0 : i32
      %dma_start3A_70 = arith.constant 0 : i32
      %dma_start3A_71 = tpu.memref_slice %arg9[%dma_start3A_69, %dma_start3A_70] : memref<10000x128xf32, #tpu.memory_space<vmem_shared>> -> memref<10000x128xf32, #tpu.memory_space<vmem_shared>>
      tpu.enqueue_indirect_dma source(%arg7 : memref<80x128xf32, #tpu.memory_space<vmem>>) target(%dma_start3A_71 : memref<10000x128xf32, #tpu.memory_space<vmem_shared>>) offsets(%dma_start3A_68 : memref<80xi32, #tpu.memory_space<vmem>>) semaphore(%arg11 : memref<!tpu.dma_semaphore, #tpu.memory_space<semaphore_mem>>) {add = true}
    }
    %scan3A_21 = arith.constant 125 : i32
    %dma_wait3A = arith.constant 0 : i32
    %dma_wait3A_22 = arith.constant 0 : i32
    %dma_wait3A_23 = tpu.memref_slice %arg9[%dma_wait3A, %dma_wait3A_22] : memref<10000x128xf32, #tpu.memory_space<vmem_shared>> -> memref<80x128xf32, #tpu.memory_space<vmem_shared>>
    %dma_wait3A_24 = arith.constant 0 : i32
    %dma_wait3A_25 = arith.constant 0 : i32
    %dma_wait3A_26 = tpu.memref_slice %arg9[%dma_wait3A_24, %dma_wait3A_25] : memref<10000x128xf32, #tpu.memory_space<vmem_shared>> -> memref<80x128xf32, #tpu.memory_space<vmem_shared>>
    tpu.wait_dma2 semaphore(%arg11 : memref<!tpu.dma_semaphore, #tpu.memory_space<semaphore_mem>>) src(%arg7 : memref<80x128xf32, #tpu.memory_space<vmem>>) dst(%dma_wait3A_26 : memref<80x128xf32, #tpu.memory_space<vmem_shared>>)
    %dma_wait3A_27 = arith.constant 0 : i32
    %dma_wait3A_28 = arith.constant 0 : i32
    %dma_wait3A_29 = tpu.memref_slice %arg9[%dma_wait3A_27, %dma_wait3A_28] : memref<10000x128xf32, #tpu.memory_space<vmem_shared>> -> memref<80x128xf32, #tpu.memory_space<vmem_shared>>
    %dma_wait3A_30 = arith.constant 0 : i32
    %dma_wait3A_31 = arith.constant 0 : i32
    %dma_wait3A_32 = tpu.memref_slice %arg9[%dma_wait3A_30, %dma_wait3A_31] : memref<10000x128xf32, #tpu.memory_space<vmem_shared>> -> memref<80x128xf32, #tpu.memory_space<vmem_shared>>
    tpu.wait_dma2 semaphore(%arg11 : memref<!tpu.dma_semaphore, #tpu.memory_space<semaphore_mem>>) src(%arg7 : memref<80x128xf32, #tpu.memory_space<vmem>>) dst(%dma_wait3A_32 : memref<80x128xf32, #tpu.memory_space<vmem_shared>>)
    %barrier3A_33 = arith.constant 0 : index
    tpu.barrier barrier_id(%barrier3A_33)
    %mul3A_34 = arith.constant 8 : i32
    %mul3A_35 = arith.muli %arg1, %mul3A_34 : i32
    %sub3A = arith.constant 125 : i32
    %sub3A_36 = arith.subi %sub3A, %mul3A_35 : i32
    %scan3A_37 = arith.constant 0 : i32
    %scan3A_38 = arith.constant 0 : i32
    %scan3A_39 = arith.constant 8 : i32
    %scan3A_40 = arith.addi %scan3A_38, %scan3A_39 : i32
    %scan3A_41 = arith.constant 1 : i32
    scf.for %scan3A_45 = %scan3A_38 to %scan3A_40 step %scan3A_41  : i32 {
      %mul3A_46 = arith.constant 8 : i32
      %mul3A_47 = arith.muli %arg1, %mul3A_46 : i32
      %add3A_48 = arith.addi %mul3A_47, %scan3A_45 : i32
      %rem3A = arith.constant 2 : i32
      %rem3A_49 = arith.remsi %scan3A_45, %rem3A : i32
      %ge3A_50 = arith.constant 2 : i32
      %ge3A_51 = arith.cmpi sge, %scan3A_45, %ge3A_50 : i32
      %sub3A_52 = arith.constant 2 : i32
      %sub3A_53 = arith.subi %scan3A_45, %sub3A_52 : i32
      %lt3A = arith.cmpi slt, %sub3A_53, %sub3A_36 : i32
      %and3A = arith.andi %ge3A_51, %lt3A : i1
      %convert_element_type3A_54 = arith.extui %and3A : i1 to i32
      %cond3A_55 = arith.constant 0 : i32
      %cond3A_56 = arith.cmpi ne, %convert_element_type3A_54, %cond3A_55 : i32
      scf.if %cond3A_56 {
        %dma_wait3A_62 = arith.constant 0 : i32
        %dma_wait3A_63 = arith.constant 0 : i32
        %dma_wait3A_64 = tpu.memref_slice %arg8[%rem3A_49, %dma_wait3A_62, %dma_wait3A_63] : memref<2x80x128xf32, #tpu.memory_space<vmem>> -> memref<1x80x128xf32, #tpu.memory_space<vmem>>
        %dma_wait3A_65 = tpu.memref_squeeze %dma_wait3A_64 : memref<1x80x128xf32, #tpu.memory_space<vmem>> -> memref<80x128xf32, #tpu.memory_space<vmem>>
        %dma_wait3A_66 = arith.constant 0 : i32
        %dma_wait3A_67 = arith.constant 0 : i32
        %dma_wait3A_68 = tpu.memref_slice %arg5[%arg0, %dma_wait3A_66, %dma_wait3A_67] : memref<2x10000x128xf32, #tpu.memory_space<hbm>> -> memref<1x80x128xf32, #tpu.memory_space<hbm>>
        %dma_wait3A_69 = tpu.memref_squeeze %dma_wait3A_68 : memref<1x80x128xf32, #tpu.memory_space<hbm>> -> memref<80x128xf32, #tpu.memory_space<hbm>>
        %dma_wait3A_70 = arith.constant 0 : i32
        %dma_wait3A_71 = arith.constant 0 : i32
        %dma_wait3A_72 = tpu.memref_slice %arg5[%arg0, %dma_wait3A_70, %dma_wait3A_71] : memref<2x10000x128xf32, #tpu.memory_space<hbm>> -> memref<1x80x128xf32, #tpu.memory_space<hbm>>
        %dma_wait3A_73 = tpu.memref_squeeze %dma_wait3A_72 : memref<1x80x128xf32, #tpu.memory_space<hbm>> -> memref<80x128xf32, #tpu.memory_space<hbm>>
        %dma_wait3A_74 = arith.constant 0 : i32
        %dma_wait3A_75 = arith.constant 0 : i32
        %dma_wait3A_76 = tpu.memref_slice %arg8[%rem3A_49, %dma_wait3A_74, %dma_wait3A_75] : memref<2x80x128xf32, #tpu.memory_space<vmem>> -> memref<1x80x128xf32, #tpu.memory_space<vmem>>
        %dma_wait3A_77 = tpu.memref_squeeze %dma_wait3A_76 : memref<1x80x128xf32, #tpu.memory_space<vmem>> -> memref<80x128xf32, #tpu.memory_space<vmem>>
        tpu.wait_dma2 semaphore(%arg11 : memref<!tpu.dma_semaphore, #tpu.memory_space<semaphore_mem>>) src(%dma_wait3A_77 : memref<80x128xf32, #tpu.memory_space<vmem>>) dst(%dma_wait3A_73 : memref<80x128xf32, #tpu.memory_space<hbm>>)
      } else {
      }
      %lt3A_57 = arith.constant 125 : i32
      %lt3A_58 = arith.cmpi slt, %add3A_48, %lt3A_57 : i32
      %convert_element_type3A_59 = arith.extui %lt3A_58 : i1 to i32
      %cond3A_60 = arith.constant 0 : i32
      %cond3A_61 = arith.cmpi ne, %convert_element_type3A_59, %cond3A_60 : i32
      scf.if %cond3A_61 {
        %mul3A_62 = arith.constant 80 : i32
        %mul3A_63 = arith.muli %add3A_48, %mul3A_62 : i32
        "tpu.region"() ({
          %run_scoped3A = tpu.sem_alloc : memref<!tpu.dma_semaphore, #tpu.memory_space<semaphore_mem>>
          %dma_start3A_78 = arith.constant 0 : i32
          %dma_start3A_79 = arith.constant 0 : i32
          %dma_start3A_80 = tpu.memref_slice %arg8[%rem3A_49, %dma_start3A_78, %dma_start3A_79] : memref<2x80x128xf32, #tpu.memory_space<vmem>> -> memref<1x80x128xf32, #tpu.memory_space<vmem>>
          %dma_start3A_81 = tpu.memref_squeeze %dma_start3A_80 : memref<1x80x128xf32, #tpu.memory_space<vmem>> -> memref<80x128xf32, #tpu.memory_space<vmem>>
          %dma_start3A_82 = arith.constant 0 : i32
          %dma_start3A_83 = tpu.memref_slice %arg9[%mul3A_63, %dma_start3A_82] : memref<10000x128xf32, #tpu.memory_space<vmem_shared>> -> memref<80x128xf32, #tpu.memory_space<vmem_shared>>
          %dma_start3A_84 = arith.constant 0 : i32
          %dma_start3A_85 = arith.constant 0 : i32
          %dma_start3A_86 = tpu.memref_slice %arg8[%rem3A_49, %dma_start3A_84, %dma_start3A_85] : memref<2x80x128xf32, #tpu.memory_space<vmem>> -> memref<1x80x128xf32, #tpu.memory_space<vmem>>
          %dma_start3A_87 = tpu.memref_squeeze %dma_start3A_86 : memref<1x80x128xf32, #tpu.memory_space<vmem>> -> memref<80x128xf32, #tpu.memory_space<vmem>>
          %dma_start3A_88 = arith.constant 0 : i32
          %dma_start3A_89 = tpu.memref_slice %arg9[%mul3A_63, %dma_start3A_88] : memref<10000x128xf32, #tpu.memory_space<vmem_shared>> -> memref<80x128xf32, #tpu.memory_space<vmem_shared>>
          tpu.enqueue_dma source(%dma_start3A_89 : memref<80x128xf32, #tpu.memory_space<vmem_shared>>) target(%dma_start3A_87 : memref<80x128xf32, #tpu.memory_space<vmem>>) target_semaphore(%run_scoped3A : memref<!tpu.dma_semaphore, #tpu.memory_space<semaphore_mem>>)
          %dma_wait3A_90 = arith.constant 0 : i32
          %dma_wait3A_91 = arith.constant 0 : i32
          %dma_wait3A_92 = tpu.memref_slice %arg8[%rem3A_49, %dma_wait3A_90, %dma_wait3A_91] : memref<2x80x128xf32, #tpu.memory_space<vmem>> -> memref<1x80x128xf32, #tpu.memory_space<vmem>>
          %dma_wait3A_93 = tpu.memref_squeeze %dma_wait3A_92 : memref<1x80x128xf32, #tpu.memory_space<vmem>> -> memref<80x128xf32, #tpu.memory_space<vmem>>
          %dma_wait3A_94 = arith.constant 0 : i32
          %dma_wait3A_95 = tpu.memref_slice %arg9[%mul3A_63, %dma_wait3A_94] : memref<10000x128xf32, #tpu.memory_space<vmem_shared>> -> memref<80x128xf32, #tpu.memory_space<vmem_shared>>
          %dma_wait3A_96 = arith.constant 0 : i32
          %dma_wait3A_97 = arith.constant 0 : i32
          %dma_wait3A_98 = tpu.memref_slice %arg8[%rem3A_49, %dma_wait3A_96, %dma_wait3A_97] : memref<2x80x128xf32, #tpu.memory_space<vmem>> -> memref<1x80x128xf32, #tpu.memory_space<vmem>>
          %dma_wait3A_99 = tpu.memref_squeeze %dma_wait3A_98 : memref<1x80x128xf32, #tpu.memory_space<vmem>> -> memref<80x128xf32, #tpu.memory_space<vmem>>
          %dma_wait3A_100 = arith.constant 0 : i32
          %dma_wait3A_101 = tpu.memref_slice %arg9[%mul3A_63, %dma_wait3A_100] : memref<10000x128xf32, #tpu.memory_space<vmem_shared>> -> memref<80x128xf32, #tpu.memory_space<vmem_shared>>
          tpu.wait_dma2 semaphore(%run_scoped3A : memref<!tpu.dma_semaphore, #tpu.memory_space<semaphore_mem>>) src(%dma_wait3A_101 : memref<80x128xf32, #tpu.memory_space<vmem_shared>>) dst(%dma_wait3A_99 : memref<80x128xf32, #tpu.memory_space<vmem>>)
          tpu.yield
        }) : () -> ()
        %dma_start3A_64 = arith.constant 0 : i32
        %dma_start3A_65 = arith.constant 0 : i32
        %dma_start3A_66 = tpu.memref_slice %arg8[%rem3A_49, %dma_start3A_64, %dma_start3A_65] : memref<2x80x128xf32, #tpu.memory_space<vmem>> -> memref<1x80x128xf32, #tpu.memory_space<vmem>>
        %dma_start3A_67 = tpu.memref_squeeze %dma_start3A_66 : memref<1x80x128xf32, #tpu.memory_space<vmem>> -> memref<80x128xf32, #tpu.memory_space<vmem>>
        %dma_start3A_68 = arith.constant 0 : i32
        %dma_start3A_69 = tpu.memref_slice %arg5[%arg0, %mul3A_63, %dma_start3A_68] : memref<2x10000x128xf32, #tpu.memory_space<hbm>> -> memref<1x80x128xf32, #tpu.memory_space<hbm>>
        %dma_start3A_70 = tpu.memref_squeeze %dma_start3A_69 : memref<1x80x128xf32, #tpu.memory_space<hbm>> -> memref<80x128xf32, #tpu.memory_space<hbm>>
        %dma_start3A_71 = arith.constant 0 : i32
        %dma_start3A_72 = tpu.memref_slice %arg5[%arg0, %mul3A_63, %dma_start3A_71] : memref<2x10000x128xf32, #tpu.memory_space<hbm>> -> memref<1x80x128xf32, #tpu.memory_space<hbm>>
        %dma_start3A_73 = tpu.memref_squeeze %dma_start3A_72 : memref<1x80x128xf32, #tpu.memory_space<hbm>> -> memref<80x128xf32, #tpu.memory_space<hbm>>
        %dma_start3A_74 = arith.constant 0 : i32
        %dma_start3A_75 = arith.constant 0 : i32
        %dma_start3A_76 = tpu.memref_slice %arg8[%rem3A_49, %dma_start3A_74, %dma_start3A_75] : memref<2x80x128xf32, #tpu.memory_space<vmem>> -> memref<1x80x128xf32, #tpu.memory_space<vmem>>
        %dma_start3A_77 = tpu.memref_squeeze %dma_start3A_76 : memref<1x80x128xf32, #tpu.memory_space<vmem>> -> memref<80x128xf32, #tpu.memory_space<vmem>>
        tpu.enqueue_dma source(%dma_start3A_77 : memref<80x128xf32, #tpu.memory_space<vmem>>) target(%dma_start3A_73 : memref<80x128xf32, #tpu.memory_space<hbm>>) target_semaphore(%arg11 : memref<!tpu.dma_semaphore, #tpu.memory_space<semaphore_mem>>)
      } else {
      }
    }
    %scan3A_42 = arith.constant 8 : i32
    %ge3A = arith.constant 8 : i32
    %ge3A_43 = arith.cmpi sge, %sub3A_36, %ge3A : i32
    %convert_element_type3A = arith.extui %ge3A_43 : i1 to i32
    %cond3A = arith.constant 0 : i32
    %cond3A_44 = arith.cmpi ne, %convert_element_type3A, %cond3A : i32
    scf.if %cond3A_44 {
      %dma_wait3A_45 = arith.constant 0 : i32
      %dma_wait3A_46 = arith.constant 0 : i32
      %dma_wait3A_47 = arith.constant 0 : i32
      %dma_wait3A_48 = tpu.memref_slice %arg8[%dma_wait3A_45, %dma_wait3A_46, %dma_wait3A_47] : memref<2x80x128xf32, #tpu.memory_space<vmem>> -> memref<1x80x128xf32, #tpu.memory_space<vmem>>
      %dma_wait3A_49 = tpu.memref_squeeze %dma_wait3A_48 : memref<1x80x128xf32, #tpu.memory_space<vmem>> -> memref<80x128xf32, #tpu.memory_space<vmem>>
      %dma_wait3A_50 = arith.constant 0 : i32
      %dma_wait3A_51 = arith.constant 0 : i32
      %dma_wait3A_52 = tpu.memref_slice %arg5[%arg0, %dma_wait3A_50, %dma_wait3A_51] : memref<2x10000x128xf32, #tpu.memory_space<hbm>> -> memref<1x80x128xf32, #tpu.memory_space<hbm>>
      %dma_wait3A_53 = tpu.memref_squeeze %dma_wait3A_52 : memref<1x80x128xf32, #tpu.memory_space<hbm>> -> memref<80x128xf32, #tpu.memory_space<hbm>>
      %dma_wait3A_54 = arith.constant 0 : i32
      %dma_wait3A_55 = arith.constant 0 : i32
      %dma_wait3A_56 = tpu.memref_slice %arg5[%arg0, %dma_wait3A_54, %dma_wait3A_55] : memref<2x10000x128xf32, #tpu.memory_space<hbm>> -> memref<1x80x128xf32, #tpu.memory_space<hbm>>
      %dma_wait3A_57 = tpu.memref_squeeze %dma_wait3A_56 : memref<1x80x128xf32, #tpu.memory_space<hbm>> -> memref<80x128xf32, #tpu.memory_space<hbm>>
      %dma_wait3A_58 = arith.constant 0 : i32
      %dma_wait3A_59 = arith.constant 0 : i32
      %dma_wait3A_60 = tpu.memref_slice %arg8[%dma_wait3A_45, %dma_wait3A_58, %dma_wait3A_59] : memref<2x80x128xf32, #tpu.memory_space<vmem>> -> memref<1x80x128xf32, #tpu.memory_space<vmem>>
      %dma_wait3A_61 = tpu.memref_squeeze %dma_wait3A_60 : memref<1x80x128xf32, #tpu.memory_space<vmem>> -> memref<80x128xf32, #tpu.memory_space<vmem>>
      tpu.wait_dma2 semaphore(%arg11 : memref<!tpu.dma_semaphore, #tpu.memory_space<semaphore_mem>>) src(%dma_wait3A_61 : memref<80x128xf32, #tpu.memory_space<vmem>>) dst(%dma_wait3A_57 : memref<80x128xf32, #tpu.memory_space<hbm>>)
      %dma_wait3A_62 = arith.constant 1 : i32
      %dma_wait3A_63 = arith.constant 0 : i32
      %dma_wait3A_64 = arith.constant 0 : i32
      %dma_wait3A_65 = tpu.memref_slice %arg8[%dma_wait3A_62, %dma_wait3A_63, %dma_wait3A_64] : memref<2x80x128xf32, #tpu.memory_space<vmem>> -> memref<1x80x128xf32, #tpu.memory_space<vmem>>
      %dma_wait3A_66 = tpu.memref_squeeze %dma_wait3A_65 : memref<1x80x128xf32, #tpu.memory_space<vmem>> -> memref<80x128xf32, #tpu.memory_space<vmem>>
      %dma_wait3A_67 = arith.constant 0 : i32
      %dma_wait3A_68 = arith.constant 0 : i32
      %dma_wait3A_69 = tpu.memref_slice %arg5[%arg0, %dma_wait3A_67, %dma_wait3A_68] : memref<2x10000x128xf32, #tpu.memory_space<hbm>> -> memref<1x80x128xf32, #tpu.memory_space<hbm>>
      %dma_wait3A_70 = tpu.memref_squeeze %dma_wait3A_69 : memref<1x80x128xf32, #tpu.memory_space<hbm>> -> memref<80x128xf32, #tpu.memory_space<hbm>>
      %dma_wait3A_71 = arith.constant 0 : i32
      %dma_wait3A_72 = arith.constant 0 : i32
      %dma_wait3A_73 = tpu.memref_slice %arg5[%arg0, %dma_wait3A_71, %dma_wait3A_72] : memref<2x10000x128xf32, #tpu.memory_space<hbm>> -> memref<1x80x128xf32, #tpu.memory_space<hbm>>
      %dma_wait3A_74 = tpu.memref_squeeze %dma_wait3A_73 : memref<1x80x128xf32, #tpu.memory_space<hbm>> -> memref<80x128xf32, #tpu.memory_space<hbm>>
      %dma_wait3A_75 = arith.constant 0 : i32
      %dma_wait3A_76 = arith.constant 0 : i32
      %dma_wait3A_77 = tpu.memref_slice %arg8[%dma_wait3A_62, %dma_wait3A_75, %dma_wait3A_76] : memref<2x80x128xf32, #tpu.memory_space<vmem>> -> memref<1x80x128xf32, #tpu.memory_space<vmem>>
      %dma_wait3A_78 = tpu.memref_squeeze %dma_wait3A_77 : memref<1x80x128xf32, #tpu.memory_space<vmem>> -> memref<80x128xf32, #tpu.memory_space<vmem>>
      tpu.wait_dma2 semaphore(%arg11 : memref<!tpu.dma_semaphore, #tpu.memory_space<semaphore_mem>>) src(%dma_wait3A_78 : memref<80x128xf32, #tpu.memory_space<vmem>>) dst(%dma_wait3A_74 : memref<80x128xf32, #tpu.memory_space<hbm>>)
    } else {
    }
    return
  }
}

#map = affine_map<(d0, d1) -> (0, 0)>
#map1 = affine_map<(d0, d1) -> (0)>
#map2 = affine_map<(d0, d1) -> (0, 0, 0)>
module attributes {stable_mosaic.version = 14 : i64} {
  func.func @sc_agg(%arg0: i32, %arg1: i32, %arg2: memref<10000x128xf32, #tpu.memory_space<hbm>>, %arg3: memref<320000xi32, #tpu.memory_space<hbm>>, %arg4: memref<320000xi32, #tpu.memory_space<hbm>>, %arg5: memref<80x128xf32, #tpu.memory_space<hbm>>, %arg6: memref<2x10000x128xf32, #tpu.memory_space<hbm>>, %arg7: memref<4x128xi32, #tpu.memory_space<vmem>>, %arg8: memref<4x128xi32, #tpu.memory_space<vmem>>, %arg9: memref<16xi32, #tpu.memory_space<vmem>>, %arg10: memref<16xi32, #tpu.memory_space<vmem>>, %arg11: memref<3x128x128xf32, #tpu.memory_space<vmem>>, %arg12: memref<10000x128xf32, #tpu.memory_space<vmem_shared>>, %arg13: memref<!tpu.dma_semaphore, #tpu.memory_space<semaphore_mem>>, %arg14: memref<!tpu.dma_semaphore, #tpu.memory_space<semaphore_mem>>, %arg15: memref<!tpu.dma_semaphore, #tpu.memory_space<semaphore_mem>>) attributes {dimension_semantics = [#tpu.dimension_semantics<core_parallel>, #tpu.dimension_semantics<subcore_parallel>], iteration_bounds = array<i64: 2, 16>, scalar_prefetch = 0 : i64, scratch_operands = 9 : i64, tpu.core_type = #tpu.core_type<sc_vector_subcore>, window_params = [{transform_indices = #map}, {transform_indices = #map1}, {transform_indices = #map1}, {transform_indices = #map}, {transform_indices = #map2}]} {
    %mul3A = arith.constant 2 : i32
    %mul3A_0 = arith.muli %arg1, %mul3A : i32
    %add3A = arith.addi %mul3A_0, %arg0 : i32
    %run_scoped3A = arith.constant 0 : i32
    "tpu.region"() ({
      %run_scoped3A_143 = tpu.sem_alloc : memref<!tpu.dma_semaphore, #tpu.memory_space<semaphore_mem>>
      %dma_start3A_144 = arith.constant 0 : i32
      %dma_start3A_145 = arith.constant 0 : i32
      %dma_start3A_146 = tpu.memref_slice %arg11[%run_scoped3A, %dma_start3A_144, %dma_start3A_145] : memref<3x128x128xf32, #tpu.memory_space<vmem>> -> memref<1x80x128xf32, #tpu.memory_space<vmem>>
      %dma_start3A_147 = tpu.memref_squeeze %dma_start3A_146 : memref<1x80x128xf32, #tpu.memory_space<vmem>> -> memref<80x128xf32, #tpu.memory_space<vmem>>
      %dma_start3A_148 = arith.constant 0 : i32
      %dma_start3A_149 = arith.constant 0 : i32
      %dma_start3A_150 = tpu.memref_slice %arg11[%run_scoped3A, %dma_start3A_148, %dma_start3A_149] : memref<3x128x128xf32, #tpu.memory_space<vmem>> -> memref<1x80x128xf32, #tpu.memory_space<vmem>>
      %dma_start3A_151 = tpu.memref_squeeze %dma_start3A_150 : memref<1x80x128xf32, #tpu.memory_space<vmem>> -> memref<80x128xf32, #tpu.memory_space<vmem>>
      tpu.enqueue_dma source(%arg5 : memref<80x128xf32, #tpu.memory_space<hbm>>) target(%dma_start3A_151 : memref<80x128xf32, #tpu.memory_space<vmem>>) target_semaphore(%run_scoped3A_143 : memref<!tpu.dma_semaphore, #tpu.memory_space<semaphore_mem>>)
      %dma_wait3A_152 = arith.constant 0 : i32
      %dma_wait3A_153 = arith.constant 0 : i32
      %dma_wait3A_154 = tpu.memref_slice %arg11[%run_scoped3A, %dma_wait3A_152, %dma_wait3A_153] : memref<3x128x128xf32, #tpu.memory_space<vmem>> -> memref<1x80x128xf32, #tpu.memory_space<vmem>>
      %dma_wait3A_155 = tpu.memref_squeeze %dma_wait3A_154 : memref<1x80x128xf32, #tpu.memory_space<vmem>> -> memref<80x128xf32, #tpu.memory_space<vmem>>
      %dma_wait3A_156 = arith.constant 0 : i32
      %dma_wait3A_157 = arith.constant 0 : i32
      %dma_wait3A_158 = tpu.memref_slice %arg11[%run_scoped3A, %dma_wait3A_156, %dma_wait3A_157] : memref<3x128x128xf32, #tpu.memory_space<vmem>> -> memref<1x80x128xf32, #tpu.memory_space<vmem>>
      %dma_wait3A_159 = tpu.memref_squeeze %dma_wait3A_158 : memref<1x80x128xf32, #tpu.memory_space<vmem>> -> memref<80x128xf32, #tpu.memory_space<vmem>>
      tpu.wait_dma2 semaphore(%run_scoped3A_143 : memref<!tpu.dma_semaphore, #tpu.memory_space<semaphore_mem>>) src(%arg5 : memref<80x128xf32, #tpu.memory_space<hbm>>) dst(%dma_wait3A_159 : memref<80x128xf32, #tpu.memory_space<vmem>>)
      tpu.yield
    }) : () -> ()
    %scan3A = arith.constant 0 : i32
    %scan3A_1 = arith.constant 0 : i32
    %scan3A_2 = arith.constant 8 : i32
    %scan3A_3 = arith.addi %scan3A_1, %scan3A_2 : i32
    %scan3A_4 = arith.constant 1 : i32
    scf.for %scan3A_143 = %scan3A_1 to %scan3A_3 step %scan3A_4  : i32 {
      %mul3A_144 = arith.constant 8 : i32
      %mul3A_145 = arith.muli %arg1, %mul3A_144 : i32
      %add3A_146 = arith.addi %mul3A_145, %scan3A_143 : i32
      %lt3A = arith.constant 125 : i32
      %lt3A_147 = arith.cmpi slt, %add3A_146, %lt3A : i32
      %convert_element_type3A_148 = arith.extui %lt3A_147 : i1 to i32
      %cond3A_149 = arith.constant 0 : i32
      %cond3A_150 = arith.cmpi ne, %convert_element_type3A_148, %cond3A_149 : i32
      scf.if %cond3A_150 {
        %mul3A_151 = arith.constant 80 : i32
        %mul3A_152 = arith.muli %add3A_146, %mul3A_151 : i32
        %run_scoped3A_153 = arith.constant 0 : i32
        "tpu.region"() ({
          %run_scoped3A_154 = tpu.sem_alloc : memref<!tpu.dma_semaphore, #tpu.memory_space<semaphore_mem>>
          %dma_start3A_155 = arith.constant 0 : i32
          %dma_start3A_156 = arith.constant 0 : i32
          %dma_start3A_157 = tpu.memref_slice %arg11[%run_scoped3A_153, %dma_start3A_155, %dma_start3A_156] : memref<3x128x128xf32, #tpu.memory_space<vmem>> -> memref<1x80x128xf32, #tpu.memory_space<vmem>>
          %dma_start3A_158 = tpu.memref_squeeze %dma_start3A_157 : memref<1x80x128xf32, #tpu.memory_space<vmem>> -> memref<80x128xf32, #tpu.memory_space<vmem>>
          %dma_start3A_159 = arith.constant 0 : i32
          %dma_start3A_160 = tpu.memref_slice %arg12[%mul3A_152, %dma_start3A_159] : memref<10000x128xf32, #tpu.memory_space<vmem_shared>> -> memref<80x128xf32, #tpu.memory_space<vmem_shared>>
          %dma_start3A_161 = arith.constant 0 : i32
          %dma_start3A_162 = tpu.memref_slice %arg12[%mul3A_152, %dma_start3A_161] : memref<10000x128xf32, #tpu.memory_space<vmem_shared>> -> memref<80x128xf32, #tpu.memory_space<vmem_shared>>
          %dma_start3A_163 = arith.constant 0 : i32
          %dma_start3A_164 = arith.constant 0 : i32
          %dma_start3A_165 = tpu.memref_slice %arg11[%run_scoped3A_153, %dma_start3A_163, %dma_start3A_164] : memref<3x128x128xf32, #tpu.memory_space<vmem>> -> memref<1x80x128xf32, #tpu.memory_space<vmem>>
          %dma_start3A_166 = tpu.memref_squeeze %dma_start3A_165 : memref<1x80x128xf32, #tpu.memory_space<vmem>> -> memref<80x128xf32, #tpu.memory_space<vmem>>
          tpu.enqueue_dma source(%dma_start3A_166 : memref<80x128xf32, #tpu.memory_space<vmem>>) target(%dma_start3A_162 : memref<80x128xf32, #tpu.memory_space<vmem_shared>>) target_semaphore(%run_scoped3A_154 : memref<!tpu.dma_semaphore, #tpu.memory_space<semaphore_mem>>)
          %dma_wait3A_167 = arith.constant 0 : i32
          %dma_wait3A_168 = arith.constant 0 : i32
          %dma_wait3A_169 = tpu.memref_slice %arg11[%run_scoped3A_153, %dma_wait3A_167, %dma_wait3A_168] : memref<3x128x128xf32, #tpu.memory_space<vmem>> -> memref<1x80x128xf32, #tpu.memory_space<vmem>>
          %dma_wait3A_170 = tpu.memref_squeeze %dma_wait3A_169 : memref<1x80x128xf32, #tpu.memory_space<vmem>> -> memref<80x128xf32, #tpu.memory_space<vmem>>
          %dma_wait3A_171 = arith.constant 0 : i32
          %dma_wait3A_172 = tpu.memref_slice %arg12[%mul3A_152, %dma_wait3A_171] : memref<10000x128xf32, #tpu.memory_space<vmem_shared>> -> memref<80x128xf32, #tpu.memory_space<vmem_shared>>
          %dma_wait3A_173 = arith.constant 0 : i32
          %dma_wait3A_174 = tpu.memref_slice %arg12[%mul3A_152, %dma_wait3A_173] : memref<10000x128xf32, #tpu.memory_space<vmem_shared>> -> memref<80x128xf32, #tpu.memory_space<vmem_shared>>
          %dma_wait3A_175 = arith.constant 0 : i32
          %dma_wait3A_176 = arith.constant 0 : i32
          %dma_wait3A_177 = tpu.memref_slice %arg11[%run_scoped3A_153, %dma_wait3A_175, %dma_wait3A_176] : memref<3x128x128xf32, #tpu.memory_space<vmem>> -> memref<1x80x128xf32, #tpu.memory_space<vmem>>
          %dma_wait3A_178 = tpu.memref_squeeze %dma_wait3A_177 : memref<1x80x128xf32, #tpu.memory_space<vmem>> -> memref<80x128xf32, #tpu.memory_space<vmem>>
          tpu.wait_dma2 semaphore(%run_scoped3A_154 : memref<!tpu.dma_semaphore, #tpu.memory_space<semaphore_mem>>) src(%dma_wait3A_178 : memref<80x128xf32, #tpu.memory_space<vmem>>) dst(%dma_wait3A_174 : memref<80x128xf32, #tpu.memory_space<vmem_shared>>)
          tpu.yield
        }) : () -> ()
      } else {
      }
    }
    %scan3A_5 = arith.constant 8 : i32
    %mul3A_6 = arith.constant 10000 : i32
    %mul3A_7 = arith.muli %add3A, %mul3A_6 : i32
    %dma_start3A = arith.constant 0 : i32
    %dma_start3A_8 = arith.constant 0 : i32
    %dma_start3A_9 = tpu.memref_slice %arg7[%dma_start3A, %dma_start3A_8] : memref<4x128xi32, #tpu.memory_space<vmem>> -> memref<1x128xi32, #tpu.memory_space<vmem>>
    %dma_start3A_10 = tpu.memref_squeeze %dma_start3A_9 : memref<1x128xi32, #tpu.memory_space<vmem>> -> memref<128xi32, #tpu.memory_space<vmem>>
    %dma_start3A_11 = tpu.memref_slice %arg3[%mul3A_7] : memref<320000xi32, #tpu.memory_space<hbm>> -> memref<128xi32, #tpu.memory_space<hbm>>
    %dma_start3A_12 = arith.constant 0 : i32
    %dma_start3A_13 = tpu.memref_slice %arg7[%dma_start3A, %dma_start3A_12] : memref<4x128xi32, #tpu.memory_space<vmem>> -> memref<1x128xi32, #tpu.memory_space<vmem>>
    %dma_start3A_14 = tpu.memref_squeeze %dma_start3A_13 : memref<1x128xi32, #tpu.memory_space<vmem>> -> memref<128xi32, #tpu.memory_space<vmem>>
    %dma_start3A_15 = tpu.memref_slice %arg3[%mul3A_7] : memref<320000xi32, #tpu.memory_space<hbm>> -> memref<128xi32, #tpu.memory_space<hbm>>
    tpu.enqueue_dma source(%dma_start3A_15 : memref<128xi32, #tpu.memory_space<hbm>>) target(%dma_start3A_14 : memref<128xi32, #tpu.memory_space<vmem>>) target_semaphore(%arg13 : memref<!tpu.dma_semaphore, #tpu.memory_space<semaphore_mem>>)
    %dma_start3A_16 = arith.constant 0 : i32
    %dma_start3A_17 = arith.constant 0 : i32
    %dma_start3A_18 = tpu.memref_slice %arg8[%dma_start3A_16, %dma_start3A_17] : memref<4x128xi32, #tpu.memory_space<vmem>> -> memref<1x128xi32, #tpu.memory_space<vmem>>
    %dma_start3A_19 = tpu.memref_squeeze %dma_start3A_18 : memref<1x128xi32, #tpu.memory_space<vmem>> -> memref<128xi32, #tpu.memory_space<vmem>>
    %dma_start3A_20 = tpu.memref_slice %arg4[%mul3A_7] : memref<320000xi32, #tpu.memory_space<hbm>> -> memref<128xi32, #tpu.memory_space<hbm>>
    %dma_start3A_21 = arith.constant 0 : i32
    %dma_start3A_22 = tpu.memref_slice %arg8[%dma_start3A_16, %dma_start3A_21] : memref<4x128xi32, #tpu.memory_space<vmem>> -> memref<1x128xi32, #tpu.memory_space<vmem>>
    %dma_start3A_23 = tpu.memref_squeeze %dma_start3A_22 : memref<1x128xi32, #tpu.memory_space<vmem>> -> memref<128xi32, #tpu.memory_space<vmem>>
    %dma_start3A_24 = tpu.memref_slice %arg4[%mul3A_7] : memref<320000xi32, #tpu.memory_space<hbm>> -> memref<128xi32, #tpu.memory_space<hbm>>
    tpu.enqueue_dma source(%dma_start3A_24 : memref<128xi32, #tpu.memory_space<hbm>>) target(%dma_start3A_23 : memref<128xi32, #tpu.memory_space<vmem>>) target_semaphore(%arg13 : memref<!tpu.dma_semaphore, #tpu.memory_space<semaphore_mem>>)
    %add3A_25 = arith.constant 128 : i32
    %add3A_26 = arith.addi %mul3A_7, %add3A_25 : i32
    %dma_start3A_27 = arith.constant 1 : i32
    %dma_start3A_28 = arith.constant 0 : i32
    %dma_start3A_29 = tpu.memref_slice %arg7[%dma_start3A_27, %dma_start3A_28] : memref<4x128xi32, #tpu.memory_space<vmem>> -> memref<1x128xi32, #tpu.memory_space<vmem>>
    %dma_start3A_30 = tpu.memref_squeeze %dma_start3A_29 : memref<1x128xi32, #tpu.memory_space<vmem>> -> memref<128xi32, #tpu.memory_space<vmem>>
    %dma_start3A_31 = tpu.memref_slice %arg3[%add3A_26] : memref<320000xi32, #tpu.memory_space<hbm>> -> memref<128xi32, #tpu.memory_space<hbm>>
    %dma_start3A_32 = arith.constant 0 : i32
    %dma_start3A_33 = tpu.memref_slice %arg7[%dma_start3A_27, %dma_start3A_32] : memref<4x128xi32, #tpu.memory_space<vmem>> -> memref<1x128xi32, #tpu.memory_space<vmem>>
    %dma_start3A_34 = tpu.memref_squeeze %dma_start3A_33 : memref<1x128xi32, #tpu.memory_space<vmem>> -> memref<128xi32, #tpu.memory_space<vmem>>
    %dma_start3A_35 = tpu.memref_slice %arg3[%add3A_26] : memref<320000xi32, #tpu.memory_space<hbm>> -> memref<128xi32, #tpu.memory_space<hbm>>
    tpu.enqueue_dma source(%dma_start3A_35 : memref<128xi32, #tpu.memory_space<hbm>>) target(%dma_start3A_34 : memref<128xi32, #tpu.memory_space<vmem>>) target_semaphore(%arg13 : memref<!tpu.dma_semaphore, #tpu.memory_space<semaphore_mem>>)
    %add3A_36 = arith.constant 128 : i32
    %add3A_37 = arith.addi %mul3A_7, %add3A_36 : i32
    %dma_start3A_38 = arith.constant 1 : i32
    %dma_start3A_39 = arith.constant 0 : i32
    %dma_start3A_40 = tpu.memref_slice %arg8[%dma_start3A_38, %dma_start3A_39] : memref<4x128xi32, #tpu.memory_space<vmem>> -> memref<1x128xi32, #tpu.memory_space<vmem>>
    %dma_start3A_41 = tpu.memref_squeeze %dma_start3A_40 : memref<1x128xi32, #tpu.memory_space<vmem>> -> memref<128xi32, #tpu.memory_space<vmem>>
    %dma_start3A_42 = tpu.memref_slice %arg4[%add3A_37] : memref<320000xi32, #tpu.memory_space<hbm>> -> memref<128xi32, #tpu.memory_space<hbm>>
    %dma_start3A_43 = arith.constant 0 : i32
    %dma_start3A_44 = tpu.memref_slice %arg8[%dma_start3A_38, %dma_start3A_43] : memref<4x128xi32, #tpu.memory_space<vmem>> -> memref<1x128xi32, #tpu.memory_space<vmem>>
    %dma_start3A_45 = tpu.memref_squeeze %dma_start3A_44 : memref<1x128xi32, #tpu.memory_space<vmem>> -> memref<128xi32, #tpu.memory_space<vmem>>
    %dma_start3A_46 = tpu.memref_slice %arg4[%add3A_37] : memref<320000xi32, #tpu.memory_space<hbm>> -> memref<128xi32, #tpu.memory_space<hbm>>
    tpu.enqueue_dma source(%dma_start3A_46 : memref<128xi32, #tpu.memory_space<hbm>>) target(%dma_start3A_45 : memref<128xi32, #tpu.memory_space<vmem>>) target_semaphore(%arg13 : memref<!tpu.dma_semaphore, #tpu.memory_space<semaphore_mem>>)
    %dma_wait3A = arith.constant 0 : i32
    %dma_wait3A_47 = arith.constant 0 : i32
    %dma_wait3A_48 = tpu.memref_slice %arg7[%dma_wait3A, %dma_wait3A_47] : memref<4x128xi32, #tpu.memory_space<vmem>> -> memref<1x128xi32, #tpu.memory_space<vmem>>
    %dma_wait3A_49 = tpu.memref_squeeze %dma_wait3A_48 : memref<1x128xi32, #tpu.memory_space<vmem>> -> memref<128xi32, #tpu.memory_space<vmem>>
    %dma_wait3A_50 = tpu.memref_slice %arg3[%mul3A_7] : memref<320000xi32, #tpu.memory_space<hbm>> -> memref<128xi32, #tpu.memory_space<hbm>>
    %dma_wait3A_51 = arith.constant 0 : i32
    %dma_wait3A_52 = tpu.memref_slice %arg7[%dma_wait3A, %dma_wait3A_51] : memref<4x128xi32, #tpu.memory_space<vmem>> -> memref<1x128xi32, #tpu.memory_space<vmem>>
    %dma_wait3A_53 = tpu.memref_squeeze %dma_wait3A_52 : memref<1x128xi32, #tpu.memory_space<vmem>> -> memref<128xi32, #tpu.memory_space<vmem>>
    %dma_wait3A_54 = tpu.memref_slice %arg3[%mul3A_7] : memref<320000xi32, #tpu.memory_space<hbm>> -> memref<128xi32, #tpu.memory_space<hbm>>
    tpu.wait_dma2 semaphore(%arg13 : memref<!tpu.dma_semaphore, #tpu.memory_space<semaphore_mem>>) src(%dma_wait3A_54 : memref<128xi32, #tpu.memory_space<hbm>>) dst(%dma_wait3A_53 : memref<128xi32, #tpu.memory_space<vmem>>)
    %dma_wait3A_55 = arith.constant 0 : i32
    %dma_wait3A_56 = arith.constant 0 : i32
    %dma_wait3A_57 = tpu.memref_slice %arg8[%dma_wait3A_55, %dma_wait3A_56] : memref<4x128xi32, #tpu.memory_space<vmem>> -> memref<1x128xi32, #tpu.memory_space<vmem>>
    %dma_wait3A_58 = tpu.memref_squeeze %dma_wait3A_57 : memref<1x128xi32, #tpu.memory_space<vmem>> -> memref<128xi32, #tpu.memory_space<vmem>>
    %dma_wait3A_59 = tpu.memref_slice %arg4[%mul3A_7] : memref<320000xi32, #tpu.memory_space<hbm>> -> memref<128xi32, #tpu.memory_space<hbm>>
    %dma_wait3A_60 = arith.constant 0 : i32
    %dma_wait3A_61 = tpu.memref_slice %arg8[%dma_wait3A_55, %dma_wait3A_60] : memref<4x128xi32, #tpu.memory_space<vmem>> -> memref<1x128xi32, #tpu.memory_space<vmem>>
    %dma_wait3A_62 = tpu.memref_squeeze %dma_wait3A_61 : memref<1x128xi32, #tpu.memory_space<vmem>> -> memref<128xi32, #tpu.memory_space<vmem>>
    %dma_wait3A_63 = tpu.memref_slice %arg4[%mul3A_7] : memref<320000xi32, #tpu.memory_space<hbm>> -> memref<128xi32, #tpu.memory_space<hbm>>
    tpu.wait_dma2 semaphore(%arg13 : memref<!tpu.dma_semaphore, #tpu.memory_space<semaphore_mem>>) src(%dma_wait3A_63 : memref<128xi32, #tpu.memory_space<hbm>>) dst(%dma_wait3A_62 : memref<128xi32, #tpu.memory_space<vmem>>)
    %dma_start3A_64 = arith.constant 0 : i32
    %dma_start3A_65 = arith.constant 0 : i32
    %dma_start3A_66 = arith.constant 0 : i32
    %dma_start3A_67 = arith.constant 0 : i32
    %dma_start3A_68 = tpu.memref_slice %arg11[%dma_start3A_65, %dma_start3A_66, %dma_start3A_67] : memref<3x128x128xf32, #tpu.memory_space<vmem>> -> memref<1x128x128xf32, #tpu.memory_space<vmem>>
    %dma_start3A_69 = tpu.memref_squeeze %dma_start3A_68 : memref<1x128x128xf32, #tpu.memory_space<vmem>> -> memref<128x128xf32, #tpu.memory_space<vmem>>
    %dma_start3A_70 = arith.constant 0 : i32
    %dma_start3A_71 = tpu.memref_slice %arg7[%dma_start3A_64, %dma_start3A_70] : memref<4x128xi32, #tpu.memory_space<vmem>> -> memref<1x128xi32, #tpu.memory_space<vmem>>
    %dma_start3A_72 = tpu.memref_squeeze %dma_start3A_71 : memref<1x128xi32, #tpu.memory_space<vmem>> -> memref<128xi32, #tpu.memory_space<vmem>>
    %dma_start3A_73 = arith.constant 0 : i32
    %dma_start3A_74 = arith.constant 0 : i32
    %dma_start3A_75 = tpu.memref_slice %arg2[%dma_start3A_73, %dma_start3A_74] : memref<10000x128xf32, #tpu.memory_space<hbm>> -> memref<10000x128xf32, #tpu.memory_space<hbm>>
    tpu.enqueue_indirect_dma source(%dma_start3A_75 : memref<10000x128xf32, #tpu.memory_space<hbm>>) target(%dma_start3A_69 : memref<128x128xf32, #tpu.memory_space<vmem>>) offsets(%dma_start3A_72 : memref<128xi32, #tpu.memory_space<vmem>>) semaphore(%arg14 : memref<!tpu.dma_semaphore, #tpu.memory_space<semaphore_mem>>)
    %barrier3A = arith.constant 0 : index
    tpu.barrier barrier_id(%barrier3A)
    %scan3A_76 = arith.constant 0 : i32
    %scan3A_77 = arith.constant 0 : i32
    %scan3A_78 = arith.constant 78 : i32
    %scan3A_79 = arith.addi %scan3A_77, %scan3A_78 : i32
    %scan3A_80 = arith.constant 1 : i32
    scf.for %scan3A_143 = %scan3A_77 to %scan3A_79 step %scan3A_80  : i32 {
      %rem3A = arith.constant 3 : i32
      %rem3A_144 = arith.remsi %scan3A_143, %rem3A : i32
      %add3A_145 = arith.constant 1 : i32
      %add3A_146 = arith.addi %scan3A_143, %add3A_145 : i32
      %rem3A_147 = arith.constant 3 : i32
      %rem3A_148 = arith.remsi %add3A_146, %rem3A_147 : i32
      %rem3A_149 = arith.constant 4 : i32
      %rem3A_150 = arith.remsi %scan3A_143, %rem3A_149 : i32
      %add3A_151 = arith.constant 1 : i32
      %add3A_152 = arith.addi %scan3A_143, %add3A_151 : i32
      %rem3A_153 = arith.constant 4 : i32
      %rem3A_154 = arith.remsi %add3A_152, %rem3A_153 : i32
      %add3A_155 = arith.constant 2 : i32
      %add3A_156 = arith.addi %scan3A_143, %add3A_155 : i32
      %rem3A_157 = arith.constant 4 : i32
      %rem3A_158 = arith.remsi %add3A_156, %rem3A_157 : i32
      %ge3A_159 = arith.constant 2 : i32
      %ge3A_160 = arith.cmpi sge, %scan3A_143, %ge3A_159 : i32
      %convert_element_type3A_161 = arith.extui %ge3A_160 : i1 to i32
      %cond3A_162 = arith.constant 0 : i32
      %cond3A_163 = arith.cmpi ne, %convert_element_type3A_161, %cond3A_162 : i32
      scf.if %cond3A_163 {
        %dma_wait3A_197 = arith.constant 0 : i32
        %dma_wait3A_198 = arith.constant 0 : i32
        %dma_wait3A_199 = tpu.memref_slice %arg11[%rem3A_148, %dma_wait3A_197, %dma_wait3A_198] : memref<3x128x128xf32, #tpu.memory_space<vmem>> -> memref<1x128x128xf32, #tpu.memory_space<vmem>>
        %dma_wait3A_200 = tpu.memref_squeeze %dma_wait3A_199 : memref<1x128x128xf32, #tpu.memory_space<vmem>> -> memref<128x128xf32, #tpu.memory_space<vmem>>
        %dma_wait3A_201 = arith.constant 0 : i32
        %dma_wait3A_202 = arith.constant 0 : i32
        %dma_wait3A_203 = tpu.memref_slice %arg12[%dma_wait3A_201, %dma_wait3A_202] : memref<10000x128xf32, #tpu.memory_space<vmem_shared>> -> memref<128x128xf32, #tpu.memory_space<vmem_shared>>
        %dma_wait3A_204 = arith.constant 0 : i32
        %dma_wait3A_205 = arith.constant 0 : i32
        %dma_wait3A_206 = tpu.memref_slice %arg12[%dma_wait3A_204, %dma_wait3A_205] : memref<10000x128xf32, #tpu.memory_space<vmem_shared>> -> memref<128x128xf32, #tpu.memory_space<vmem_shared>>
        %dma_wait3A_207 = arith.constant 0 : i32
        %dma_wait3A_208 = arith.constant 0 : i32
        %dma_wait3A_209 = tpu.memref_slice %arg11[%rem3A_148, %dma_wait3A_207, %dma_wait3A_208] : memref<3x128x128xf32, #tpu.memory_space<vmem>> -> memref<1x128x128xf32, #tpu.memory_space<vmem>>
        %dma_wait3A_210 = tpu.memref_squeeze %dma_wait3A_209 : memref<1x128x128xf32, #tpu.memory_space<vmem>> -> memref<128x128xf32, #tpu.memory_space<vmem>>
        tpu.wait_dma2 semaphore(%arg15 : memref<!tpu.dma_semaphore, #tpu.memory_space<semaphore_mem>>) src(%dma_wait3A_210 : memref<128x128xf32, #tpu.memory_space<vmem>>) dst(%dma_wait3A_206 : memref<128x128xf32, #tpu.memory_space<vmem_shared>>)
      } else {
      }
      %add3A_164 = arith.constant 1 : i32
      %add3A_165 = arith.addi %scan3A_143, %add3A_164 : i32
      %lt3A = arith.constant 78 : i32
      %lt3A_166 = arith.cmpi slt, %add3A_165, %lt3A : i32
      %convert_element_type3A_167 = arith.extui %lt3A_166 : i1 to i32
      %cond3A_168 = arith.constant 0 : i32
      %cond3A_169 = arith.cmpi ne, %convert_element_type3A_167, %cond3A_168 : i32
      scf.if %cond3A_169 {
        %dma_wait3A_197 = arith.constant 0 : i32
        %dma_wait3A_198 = tpu.memref_slice %arg7[%rem3A_154, %dma_wait3A_197] : memref<4x128xi32, #tpu.memory_space<vmem>> -> memref<1x128xi32, #tpu.memory_space<vmem>>
        %dma_wait3A_199 = tpu.memref_squeeze %dma_wait3A_198 : memref<1x128xi32, #tpu.memory_space<vmem>> -> memref<128xi32, #tpu.memory_space<vmem>>
        %dma_wait3A_200 = tpu.memref_slice %arg3[%mul3A_7] : memref<320000xi32, #tpu.memory_space<hbm>> -> memref<128xi32, #tpu.memory_space<hbm>>
        %dma_wait3A_201 = arith.constant 0 : i32
        %dma_wait3A_202 = tpu.memref_slice %arg7[%rem3A_154, %dma_wait3A_201] : memref<4x128xi32, #tpu.memory_space<vmem>> -> memref<1x128xi32, #tpu.memory_space<vmem>>
        %dma_wait3A_203 = tpu.memref_squeeze %dma_wait3A_202 : memref<1x128xi32, #tpu.memory_space<vmem>> -> memref<128xi32, #tpu.memory_space<vmem>>
        %dma_wait3A_204 = tpu.memref_slice %arg3[%mul3A_7] : memref<320000xi32, #tpu.memory_space<hbm>> -> memref<128xi32, #tpu.memory_space<hbm>>
        tpu.wait_dma2 semaphore(%arg13 : memref<!tpu.dma_semaphore, #tpu.memory_space<semaphore_mem>>) src(%dma_wait3A_204 : memref<128xi32, #tpu.memory_space<hbm>>) dst(%dma_wait3A_203 : memref<128xi32, #tpu.memory_space<vmem>>)
        %dma_wait3A_205 = arith.constant 0 : i32
        %dma_wait3A_206 = tpu.memref_slice %arg8[%rem3A_154, %dma_wait3A_205] : memref<4x128xi32, #tpu.memory_space<vmem>> -> memref<1x128xi32, #tpu.memory_space<vmem>>
        %dma_wait3A_207 = tpu.memref_squeeze %dma_wait3A_206 : memref<1x128xi32, #tpu.memory_space<vmem>> -> memref<128xi32, #tpu.memory_space<vmem>>
        %dma_wait3A_208 = tpu.memref_slice %arg4[%mul3A_7] : memref<320000xi32, #tpu.memory_space<hbm>> -> memref<128xi32, #tpu.memory_space<hbm>>
        %dma_wait3A_209 = arith.constant 0 : i32
        %dma_wait3A_210 = tpu.memref_slice %arg8[%rem3A_154, %dma_wait3A_209] : memref<4x128xi32, #tpu.memory_space<vmem>> -> memref<1x128xi32, #tpu.memory_space<vmem>>
        %dma_wait3A_211 = tpu.memref_squeeze %dma_wait3A_210 : memref<1x128xi32, #tpu.memory_space<vmem>> -> memref<128xi32, #tpu.memory_space<vmem>>
        %dma_wait3A_212 = tpu.memref_slice %arg4[%mul3A_7] : memref<320000xi32, #tpu.memory_space<hbm>> -> memref<128xi32, #tpu.memory_space<hbm>>
        tpu.wait_dma2 semaphore(%arg13 : memref<!tpu.dma_semaphore, #tpu.memory_space<semaphore_mem>>) src(%dma_wait3A_212 : memref<128xi32, #tpu.memory_space<hbm>>) dst(%dma_wait3A_211 : memref<128xi32, #tpu.memory_space<vmem>>)
        %dma_start3A_213 = arith.constant 0 : i32
        %dma_start3A_214 = arith.constant 0 : i32
        %dma_start3A_215 = tpu.memref_slice %arg11[%rem3A_148, %dma_start3A_213, %dma_start3A_214] : memref<3x128x128xf32, #tpu.memory_space<vmem>> -> memref<1x128x128xf32, #tpu.memory_space<vmem>>
        %dma_start3A_216 = tpu.memref_squeeze %dma_start3A_215 : memref<1x128x128xf32, #tpu.memory_space<vmem>> -> memref<128x128xf32, #tpu.memory_space<vmem>>
        %dma_start3A_217 = arith.constant 0 : i32
        %dma_start3A_218 = tpu.memref_slice %arg7[%rem3A_154, %dma_start3A_217] : memref<4x128xi32, #tpu.memory_space<vmem>> -> memref<1x128xi32, #tpu.memory_space<vmem>>
        %dma_start3A_219 = tpu.memref_squeeze %dma_start3A_218 : memref<1x128xi32, #tpu.memory_space<vmem>> -> memref<128xi32, #tpu.memory_space<vmem>>
        %dma_start3A_220 = arith.constant 0 : i32
        %dma_start3A_221 = arith.constant 0 : i32
        %dma_start3A_222 = tpu.memref_slice %arg2[%dma_start3A_220, %dma_start3A_221] : memref<10000x128xf32, #tpu.memory_space<hbm>> -> memref<10000x128xf32, #tpu.memory_space<hbm>>
        tpu.enqueue_indirect_dma source(%dma_start3A_222 : memref<10000x128xf32, #tpu.memory_space<hbm>>) target(%dma_start3A_216 : memref<128x128xf32, #tpu.memory_space<vmem>>) offsets(%dma_start3A_219 : memref<128xi32, #tpu.memory_space<vmem>>) semaphore(%arg14 : memref<!tpu.dma_semaphore, #tpu.memory_space<semaphore_mem>>)
      } else {
      }
      %add3A_170 = arith.constant 2 : i32
      %add3A_171 = arith.addi %scan3A_143, %add3A_170 : i32
      %lt3A_172 = arith.constant 78 : i32
      %lt3A_173 = arith.cmpi slt, %add3A_171, %lt3A_172 : i32
      %convert_element_type3A_174 = arith.extui %lt3A_173 : i1 to i32
      %cond3A_175 = arith.constant 0 : i32
      %cond3A_176 = arith.cmpi ne, %convert_element_type3A_174, %cond3A_175 : i32
      scf.if %cond3A_176 {
        %add3A_197 = arith.constant 2 : i32
        %add3A_198 = arith.addi %scan3A_143, %add3A_197 : i32
        %mul3A_199 = arith.constant 128 : i32
        %mul3A_200 = arith.muli %add3A_198, %mul3A_199 : i32
        %add3A_201 = arith.addi %mul3A_7, %mul3A_200 : i32
        %dma_start3A_202 = arith.constant 0 : i32
        %dma_start3A_203 = tpu.memref_slice %arg7[%rem3A_158, %dma_start3A_202] : memref<4x128xi32, #tpu.memory_space<vmem>> -> memref<1x128xi32, #tpu.memory_space<vmem>>
        %dma_start3A_204 = tpu.memref_squeeze %dma_start3A_203 : memref<1x128xi32, #tpu.memory_space<vmem>> -> memref<128xi32, #tpu.memory_space<vmem>>
        %dma_start3A_205 = tpu.memref_slice %arg3[%add3A_201] : memref<320000xi32, #tpu.memory_space<hbm>> -> memref<128xi32, #tpu.memory_space<hbm>>
        %dma_start3A_206 = arith.constant 0 : i32
        %dma_start3A_207 = tpu.memref_slice %arg7[%rem3A_158, %dma_start3A_206] : memref<4x128xi32, #tpu.memory_space<vmem>> -> memref<1x128xi32, #tpu.memory_space<vmem>>
        %dma_start3A_208 = tpu.memref_squeeze %dma_start3A_207 : memref<1x128xi32, #tpu.memory_space<vmem>> -> memref<128xi32, #tpu.memory_space<vmem>>
        %dma_start3A_209 = tpu.memref_slice %arg3[%add3A_201] : memref<320000xi32, #tpu.memory_space<hbm>> -> memref<128xi32, #tpu.memory_space<hbm>>
        tpu.enqueue_dma source(%dma_start3A_209 : memref<128xi32, #tpu.memory_space<hbm>>) target(%dma_start3A_208 : memref<128xi32, #tpu.memory_space<vmem>>) target_semaphore(%arg13 : memref<!tpu.dma_semaphore, #tpu.memory_space<semaphore_mem>>)
        %dma_start3A_210 = arith.constant 0 : i32
        %dma_start3A_211 = tpu.memref_slice %arg8[%rem3A_158, %dma_start3A_210] : memref<4x128xi32, #tpu.memory_space<vmem>> -> memref<1x128xi32, #tpu.memory_space<vmem>>
        %dma_start3A_212 = tpu.memref_squeeze %dma_start3A_211 : memref<1x128xi32, #tpu.memory_space<vmem>> -> memref<128xi32, #tpu.memory_space<vmem>>
        %dma_start3A_213 = tpu.memref_slice %arg4[%add3A_201] : memref<320000xi32, #tpu.memory_space<hbm>> -> memref<128xi32, #tpu.memory_space<hbm>>
        %dma_start3A_214 = arith.constant 0 : i32
        %dma_start3A_215 = tpu.memref_slice %arg8[%rem3A_158, %dma_start3A_214] : memref<4x128xi32, #tpu.memory_space<vmem>> -> memref<1x128xi32, #tpu.memory_space<vmem>>
        %dma_start3A_216 = tpu.memref_squeeze %dma_start3A_215 : memref<1x128xi32, #tpu.memory_space<vmem>> -> memref<128xi32, #tpu.memory_space<vmem>>
        %dma_start3A_217 = tpu.memref_slice %arg4[%add3A_201] : memref<320000xi32, #tpu.memory_space<hbm>> -> memref<128xi32, #tpu.memory_space<hbm>>
        tpu.enqueue_dma source(%dma_start3A_217 : memref<128xi32, #tpu.memory_space<hbm>>) target(%dma_start3A_216 : memref<128xi32, #tpu.memory_space<vmem>>) target_semaphore(%arg13 : memref<!tpu.dma_semaphore, #tpu.memory_space<semaphore_mem>>)
      } else {
      }
      %dma_wait3A_177 = arith.constant 0 : i32
      %dma_wait3A_178 = arith.constant 0 : i32
      %dma_wait3A_179 = tpu.memref_slice %arg11[%rem3A_144, %dma_wait3A_177, %dma_wait3A_178] : memref<3x128x128xf32, #tpu.memory_space<vmem>> -> memref<1x128x128xf32, #tpu.memory_space<vmem>>
      %dma_wait3A_180 = tpu.memref_squeeze %dma_wait3A_179 : memref<1x128x128xf32, #tpu.memory_space<vmem>> -> memref<128x128xf32, #tpu.memory_space<vmem>>
      %dma_wait3A_181 = arith.constant 0 : i32
      %dma_wait3A_182 = tpu.memref_slice %arg7[%rem3A_150, %dma_wait3A_181] : memref<4x128xi32, #tpu.memory_space<vmem>> -> memref<1x128xi32, #tpu.memory_space<vmem>>
      %dma_wait3A_183 = tpu.memref_squeeze %dma_wait3A_182 : memref<1x128xi32, #tpu.memory_space<vmem>> -> memref<128xi32, #tpu.memory_space<vmem>>
      %dma_wait3A_184 = arith.constant 0 : i32
      %dma_wait3A_185 = arith.constant 0 : i32
      %dma_wait3A_186 = tpu.memref_slice %arg2[%dma_wait3A_184, %dma_wait3A_185] : memref<10000x128xf32, #tpu.memory_space<hbm>> -> memref<10000x128xf32, #tpu.memory_space<hbm>>
      tpu.wait_indirect_dma semaphore(%arg14 : memref<!tpu.dma_semaphore, #tpu.memory_space<semaphore_mem>>) src(%dma_wait3A_186 : memref<10000x128xf32, #tpu.memory_space<hbm>>) dst(%dma_wait3A_180 : memref<128x128xf32, #tpu.memory_space<vmem>>)
      %dma_start3A_187 = arith.constant 0 : i32
      %dma_start3A_188 = arith.constant 0 : i32
      %dma_start3A_189 = tpu.memref_slice %arg11[%rem3A_144, %dma_start3A_187, %dma_start3A_188] : memref<3x128x128xf32, #tpu.memory_space<vmem>> -> memref<1x128x128xf32, #tpu.memory_space<vmem>>
      %dma_start3A_190 = tpu.memref_squeeze %dma_start3A_189 : memref<1x128x128xf32, #tpu.memory_space<vmem>> -> memref<128x128xf32, #tpu.memory_space<vmem>>
      %dma_start3A_191 = arith.constant 0 : i32
      %dma_start3A_192 = tpu.memref_slice %arg8[%rem3A_150, %dma_start3A_191] : memref<4x128xi32, #tpu.memory_space<vmem>> -> memref<1x128xi32, #tpu.memory_space<vmem>>
      %dma_start3A_193 = tpu.memref_squeeze %dma_start3A_192 : memref<1x128xi32, #tpu.memory_space<vmem>> -> memref<128xi32, #tpu.memory_space<vmem>>
      %dma_start3A_194 = arith.constant 0 : i32
      %dma_start3A_195 = arith.constant 0 : i32
      %dma_start3A_196 = tpu.memref_slice %arg12[%dma_start3A_194, %dma_start3A_195] : memref<10000x128xf32, #tpu.memory_space<vmem_shared>> -> memref<10000x128xf32, #tpu.memory_space<vmem_shared>>
      tpu.enqueue_indirect_dma source(%dma_start3A_190 : memref<128x128xf32, #tpu.memory_space<vmem>>) target(%dma_start3A_196 : memref<10000x128xf32, #tpu.memory_space<vmem_shared>>) offsets(%dma_start3A_193 : memref<128xi32, #tpu.memory_space<vmem>>) semaphore(%arg15 : memref<!tpu.dma_semaphore, #tpu.memory_space<semaphore_mem>>) {add = true}
    }
    %scan3A_81 = arith.constant 78 : i32
    %dma_wait3A_82 = arith.constant 1 : i32
    %dma_wait3A_83 = arith.constant 0 : i32
    %dma_wait3A_84 = arith.constant 0 : i32
    %dma_wait3A_85 = tpu.memref_slice %arg11[%dma_wait3A_82, %dma_wait3A_83, %dma_wait3A_84] : memref<3x128x128xf32, #tpu.memory_space<vmem>> -> memref<1x128x128xf32, #tpu.memory_space<vmem>>
    %dma_wait3A_86 = tpu.memref_squeeze %dma_wait3A_85 : memref<1x128x128xf32, #tpu.memory_space<vmem>> -> memref<128x128xf32, #tpu.memory_space<vmem>>
    %dma_wait3A_87 = arith.constant 0 : i32
    %dma_wait3A_88 = arith.constant 0 : i32
    %dma_wait3A_89 = tpu.memref_slice %arg12[%dma_wait3A_87, %dma_wait3A_88] : memref<10000x128xf32, #tpu.memory_space<vmem_shared>> -> memref<128x128xf32, #tpu.memory_space<vmem_shared>>
    %dma_wait3A_90 = arith.constant 0 : i32
    %dma_wait3A_91 = arith.constant 0 : i32
    %dma_wait3A_92 = tpu.memref_slice %arg12[%dma_wait3A_90, %dma_wait3A_91] : memref<10000x128xf32, #tpu.memory_space<vmem_shared>> -> memref<128x128xf32, #tpu.memory_space<vmem_shared>>
    %dma_wait3A_93 = arith.constant 0 : i32
    %dma_wait3A_94 = arith.constant 0 : i32
    %dma_wait3A_95 = tpu.memref_slice %arg11[%dma_wait3A_82, %dma_wait3A_93, %dma_wait3A_94] : memref<3x128x128xf32, #tpu.memory_space<vmem>> -> memref<1x128x128xf32, #tpu.memory_space<vmem>>
    %dma_wait3A_96 = tpu.memref_squeeze %dma_wait3A_95 : memref<1x128x128xf32, #tpu.memory_space<vmem>> -> memref<128x128xf32, #tpu.memory_space<vmem>>
    tpu.wait_dma2 semaphore(%arg15 : memref<!tpu.dma_semaphore, #tpu.memory_space<semaphore_mem>>) src(%dma_wait3A_96 : memref<128x128xf32, #tpu.memory_space<vmem>>) dst(%dma_wait3A_92 : memref<128x128xf32, #tpu.memory_space<vmem_shared>>)
    %dma_wait3A_97 = arith.constant 2 : i32
    %dma_wait3A_98 = arith.constant 0 : i32
    %dma_wait3A_99 = arith.constant 0 : i32
    %dma_wait3A_100 = tpu.memref_slice %arg11[%dma_wait3A_97, %dma_wait3A_98, %dma_wait3A_99] : memref<3x128x128xf32, #tpu.memory_space<vmem>> -> memref<1x128x128xf32, #tpu.memory_space<vmem>>
    %dma_wait3A_101 = tpu.memref_squeeze %dma_wait3A_100 : memref<1x128x128xf32, #tpu.memory_space<vmem>> -> memref<128x128xf32, #tpu.memory_space<vmem>>
    %dma_wait3A_102 = arith.constant 0 : i32
    %dma_wait3A_103 = arith.constant 0 : i32
    %dma_wait3A_104 = tpu.memref_slice %arg12[%dma_wait3A_102, %dma_wait3A_103] : memref<10000x128xf32, #tpu.memory_space<vmem_shared>> -> memref<128x128xf32, #tpu.memory_space<vmem_shared>>
    %dma_wait3A_105 = arith.constant 0 : i32
    %dma_wait3A_106 = arith.constant 0 : i32
    %dma_wait3A_107 = tpu.memref_slice %arg12[%dma_wait3A_105, %dma_wait3A_106] : memref<10000x128xf32, #tpu.memory_space<vmem_shared>> -> memref<128x128xf32, #tpu.memory_space<vmem_shared>>
    %dma_wait3A_108 = arith.constant 0 : i32
    %dma_wait3A_109 = arith.constant 0 : i32
    %dma_wait3A_110 = tpu.memref_slice %arg11[%dma_wait3A_97, %dma_wait3A_108, %dma_wait3A_109] : memref<3x128x128xf32, #tpu.memory_space<vmem>> -> memref<1x128x128xf32, #tpu.memory_space<vmem>>
    %dma_wait3A_111 = tpu.memref_squeeze %dma_wait3A_110 : memref<1x128x128xf32, #tpu.memory_space<vmem>> -> memref<128x128xf32, #tpu.memory_space<vmem>>
    tpu.wait_dma2 semaphore(%arg15 : memref<!tpu.dma_semaphore, #tpu.memory_space<semaphore_mem>>) src(%dma_wait3A_111 : memref<128x128xf32, #tpu.memory_space<vmem>>) dst(%dma_wait3A_107 : memref<128x128xf32, #tpu.memory_space<vmem_shared>>)
    %add3A_112 = arith.constant 9984 : i32
    %add3A_113 = arith.addi %mul3A_7, %add3A_112 : i32
    "tpu.region"() ({
      %run_scoped3A_143 = tpu.sem_alloc : memref<!tpu.dma_semaphore, #tpu.memory_space<semaphore_mem>>
      %dma_start3A_144 = tpu.memref_slice %arg3[%add3A_113] : memref<320000xi32, #tpu.memory_space<hbm>> -> memref<16xi32, #tpu.memory_space<hbm>>
      %dma_start3A_145 = tpu.memref_slice %arg3[%add3A_113] : memref<320000xi32, #tpu.memory_space<hbm>> -> memref<16xi32, #tpu.memory_space<hbm>>
      tpu.enqueue_dma source(%dma_start3A_145 : memref<16xi32, #tpu.memory_space<hbm>>) target(%arg9 : memref<16xi32, #tpu.memory_space<vmem>>) target_semaphore(%run_scoped3A_143 : memref<!tpu.dma_semaphore, #tpu.memory_space<semaphore_mem>>)
      %dma_wait3A_146 = tpu.memref_slice %arg3[%add3A_113] : memref<320000xi32, #tpu.memory_space<hbm>> -> memref<16xi32, #tpu.memory_space<hbm>>
      %dma_wait3A_147 = tpu.memref_slice %arg3[%add3A_113] : memref<320000xi32, #tpu.memory_space<hbm>> -> memref<16xi32, #tpu.memory_space<hbm>>
      tpu.wait_dma2 semaphore(%run_scoped3A_143 : memref<!tpu.dma_semaphore, #tpu.memory_space<semaphore_mem>>) src(%dma_wait3A_147 : memref<16xi32, #tpu.memory_space<hbm>>) dst(%arg9 : memref<16xi32, #tpu.memory_space<vmem>>)
      tpu.yield
    }) : () -> ()
    "tpu.region"() ({
      %run_scoped3A_143 = tpu.sem_alloc : memref<!tpu.dma_semaphore, #tpu.memory_space<semaphore_mem>>
      %dma_start3A_144 = tpu.memref_slice %arg4[%add3A_113] : memref<320000xi32, #tpu.memory_space<hbm>> -> memref<16xi32, #tpu.memory_space<hbm>>
      %dma_start3A_145 = tpu.memref_slice %arg4[%add3A_113] : memref<320000xi32, #tpu.memory_space<hbm>> -> memref<16xi32, #tpu.memory_space<hbm>>
      tpu.enqueue_dma source(%dma_start3A_145 : memref<16xi32, #tpu.memory_space<hbm>>) target(%arg10 : memref<16xi32, #tpu.memory_space<vmem>>) target_semaphore(%run_scoped3A_143 : memref<!tpu.dma_semaphore, #tpu.memory_space<semaphore_mem>>)
      %dma_wait3A_146 = tpu.memref_slice %arg4[%add3A_113] : memref<320000xi32, #tpu.memory_space<hbm>> -> memref<16xi32, #tpu.memory_space<hbm>>
      %dma_wait3A_147 = tpu.memref_slice %arg4[%add3A_113] : memref<320000xi32, #tpu.memory_space<hbm>> -> memref<16xi32, #tpu.memory_space<hbm>>
      tpu.wait_dma2 semaphore(%run_scoped3A_143 : memref<!tpu.dma_semaphore, #tpu.memory_space<semaphore_mem>>) src(%dma_wait3A_147 : memref<16xi32, #tpu.memory_space<hbm>>) dst(%arg10 : memref<16xi32, #tpu.memory_space<vmem>>)
      tpu.yield
    }) : () -> ()
    %dma_start3A_114 = arith.constant 0 : i32
    %dma_start3A_115 = arith.constant 0 : i32
    %dma_start3A_116 = arith.constant 0 : i32
    %dma_start3A_117 = tpu.memref_slice %arg11[%dma_start3A_114, %dma_start3A_115, %dma_start3A_116] : memref<3x128x128xf32, #tpu.memory_space<vmem>> -> memref<1x16x128xf32, #tpu.memory_space<vmem>>
    %dma_start3A_118 = tpu.memref_squeeze %dma_start3A_117 : memref<1x16x128xf32, #tpu.memory_space<vmem>> -> memref<16x128xf32, #tpu.memory_space<vmem>>
    %dma_start3A_119 = arith.constant 0 : i32
    %dma_start3A_120 = arith.constant 0 : i32
    %dma_start3A_121 = tpu.memref_slice %arg2[%dma_start3A_119, %dma_start3A_120] : memref<10000x128xf32, #tpu.memory_space<hbm>> -> memref<10000x128xf32, #tpu.memory_space<hbm>>
    tpu.enqueue_indirect_dma source(%dma_start3A_121 : memref<10000x128xf32, #tpu.memory_space<hbm>>) target(%dma_start3A_118 : memref<16x128xf32, #tpu.memory_space<vmem>>) offsets(%arg9 : memref<16xi32, #tpu.memory_space<vmem>>) semaphore(%arg14 : memref<!tpu.dma_semaphore, #tpu.memory_space<semaphore_mem>>)
    %dma_wait3A_122 = arith.constant 0 : i32
    %dma_wait3A_123 = arith.constant 0 : i32
    %dma_wait3A_124 = arith.constant 0 : i32
    %dma_wait3A_125 = tpu.memref_slice %arg11[%dma_wait3A_122, %dma_wait3A_123, %dma_wait3A_124] : memref<3x128x128xf32, #tpu.memory_space<vmem>> -> memref<1x16x128xf32, #tpu.memory_space<vmem>>
    %dma_wait3A_126 = tpu.memref_squeeze %dma_wait3A_125 : memref<1x16x128xf32, #tpu.memory_space<vmem>> -> memref<16x128xf32, #tpu.memory_space<vmem>>
    %dma_wait3A_127 = arith.constant 0 : i32
    %dma_wait3A_128 = arith.constant 0 : i32
    %dma_wait3A_129 = tpu.memref_slice %arg2[%dma_wait3A_127, %dma_wait3A_128] : memref<10000x128xf32, #tpu.memory_space<hbm>> -> memref<10000x128xf32, #tpu.memory_space<hbm>>
    tpu.wait_indirect_dma semaphore(%arg14 : memref<!tpu.dma_semaphore, #tpu.memory_space<semaphore_mem>>) src(%dma_wait3A_129 : memref<10000x128xf32, #tpu.memory_space<hbm>>) dst(%dma_wait3A_126 : memref<16x128xf32, #tpu.memory_space<vmem>>)
    %run_scoped3A_130 = arith.constant 0 : i32
    "tpu.region"() ({
      %run_scoped3A_143 = tpu.sem_alloc : memref<!tpu.dma_semaphore, #tpu.memory_space<semaphore_mem>>
      %dma_start3A_144 = arith.constant 0 : i32
      %dma_start3A_145 = arith.constant 0 : i32
      %dma_start3A_146 = tpu.memref_slice %arg11[%run_scoped3A_130, %dma_start3A_144, %dma_start3A_145] : memref<3x128x128xf32, #tpu.memory_space<vmem>> -> memref<1x16x128xf32, #tpu.memory_space<vmem>>
      %dma_start3A_147 = tpu.memref_squeeze %dma_start3A_146 : memref<1x16x128xf32, #tpu.memory_space<vmem>> -> memref<16x128xf32, #tpu.memory_space<vmem>>
      %dma_start3A_148 = arith.constant 0 : i32
      %dma_start3A_149 = arith.constant 0 : i32
      %dma_start3A_150 = tpu.memref_slice %arg12[%dma_start3A_148, %dma_start3A_149] : memref<10000x128xf32, #tpu.memory_space<vmem_shared>> -> memref<10000x128xf32, #tpu.memory_space<vmem_shared>>
      tpu.enqueue_indirect_dma source(%dma_start3A_147 : memref<16x128xf32, #tpu.memory_space<vmem>>) target(%dma_start3A_150 : memref<10000x128xf32, #tpu.memory_space<vmem_shared>>) offsets(%arg10 : memref<16xi32, #tpu.memory_space<vmem>>) semaphore(%run_scoped3A_143 : memref<!tpu.dma_semaphore, #tpu.memory_space<semaphore_mem>>) {add = true}
      %dma_wait3A_151 = arith.constant 0 : i32
      %dma_wait3A_152 = arith.constant 0 : i32
      %dma_wait3A_153 = tpu.memref_slice %arg11[%run_scoped3A_130, %dma_wait3A_151, %dma_wait3A_152] : memref<3x128x128xf32, #tpu.memory_space<vmem>> -> memref<1x16x128xf32, #tpu.memory_space<vmem>>
      %dma_wait3A_154 = tpu.memref_squeeze %dma_wait3A_153 : memref<1x16x128xf32, #tpu.memory_space<vmem>> -> memref<16x128xf32, #tpu.memory_space<vmem>>
      %dma_wait3A_155 = arith.constant 0 : i32
      %dma_wait3A_156 = arith.constant 0 : i32
      %dma_wait3A_157 = tpu.memref_slice %arg12[%dma_wait3A_155, %dma_wait3A_156] : memref<10000x128xf32, #tpu.memory_space<vmem_shared>> -> memref<10000x128xf32, #tpu.memory_space<vmem_shared>>
      tpu.wait_indirect_dma semaphore(%run_scoped3A_143 : memref<!tpu.dma_semaphore, #tpu.memory_space<semaphore_mem>>) src(%dma_wait3A_154 : memref<16x128xf32, #tpu.memory_space<vmem>>) dst(%dma_wait3A_157 : memref<10000x128xf32, #tpu.memory_space<vmem_shared>>)
      tpu.yield
    }) : () -> ()
    %barrier3A_131 = arith.constant 0 : index
    tpu.barrier barrier_id(%barrier3A_131)
    %mul3A_132 = arith.constant 8 : i32
    %mul3A_133 = arith.muli %arg1, %mul3A_132 : i32
    %sub3A = arith.constant 125 : i32
    %sub3A_134 = arith.subi %sub3A, %mul3A_133 : i32
    %scan3A_135 = arith.constant 0 : i32
    %scan3A_136 = arith.constant 0 : i32
    %scan3A_137 = arith.constant 8 : i32
    %scan3A_138 = arith.addi %scan3A_136, %scan3A_137 : i32
    %scan3A_139 = arith.constant 1 : i32
    scf.for %scan3A_143 = %scan3A_136 to %scan3A_138 step %scan3A_139  : i32 {
      %mul3A_144 = arith.constant 8 : i32
      %mul3A_145 = arith.muli %arg1, %mul3A_144 : i32
      %add3A_146 = arith.addi %mul3A_145, %scan3A_143 : i32
      %rem3A = arith.constant 2 : i32
      %rem3A_147 = arith.remsi %scan3A_143, %rem3A : i32
      %ge3A_148 = arith.constant 2 : i32
      %ge3A_149 = arith.cmpi sge, %scan3A_143, %ge3A_148 : i32
      %sub3A_150 = arith.constant 2 : i32
      %sub3A_151 = arith.subi %scan3A_143, %sub3A_150 : i32
      %lt3A = arith.cmpi slt, %sub3A_151, %sub3A_134 : i32
      %and3A = arith.andi %ge3A_149, %lt3A : i1
      %convert_element_type3A_152 = arith.extui %and3A : i1 to i32
      %cond3A_153 = arith.constant 0 : i32
      %cond3A_154 = arith.cmpi ne, %convert_element_type3A_152, %cond3A_153 : i32
      scf.if %cond3A_154 {
        %dma_wait3A_160 = arith.constant 0 : i32
        %dma_wait3A_161 = arith.constant 0 : i32
        %dma_wait3A_162 = tpu.memref_slice %arg11[%rem3A_147, %dma_wait3A_160, %dma_wait3A_161] : memref<3x128x128xf32, #tpu.memory_space<vmem>> -> memref<1x80x128xf32, #tpu.memory_space<vmem>>
        %dma_wait3A_163 = tpu.memref_squeeze %dma_wait3A_162 : memref<1x80x128xf32, #tpu.memory_space<vmem>> -> memref<80x128xf32, #tpu.memory_space<vmem>>
        %dma_wait3A_164 = arith.constant 0 : i32
        %dma_wait3A_165 = arith.constant 0 : i32
        %dma_wait3A_166 = tpu.memref_slice %arg6[%arg0, %dma_wait3A_164, %dma_wait3A_165] : memref<2x10000x128xf32, #tpu.memory_space<hbm>> -> memref<1x80x128xf32, #tpu.memory_space<hbm>>
        %dma_wait3A_167 = tpu.memref_squeeze %dma_wait3A_166 : memref<1x80x128xf32, #tpu.memory_space<hbm>> -> memref<80x128xf32, #tpu.memory_space<hbm>>
        %dma_wait3A_168 = arith.constant 0 : i32
        %dma_wait3A_169 = arith.constant 0 : i32
        %dma_wait3A_170 = tpu.memref_slice %arg6[%arg0, %dma_wait3A_168, %dma_wait3A_169] : memref<2x10000x128xf32, #tpu.memory_space<hbm>> -> memref<1x80x128xf32, #tpu.memory_space<hbm>>
        %dma_wait3A_171 = tpu.memref_squeeze %dma_wait3A_170 : memref<1x80x128xf32, #tpu.memory_space<hbm>> -> memref<80x128xf32, #tpu.memory_space<hbm>>
        %dma_wait3A_172 = arith.constant 0 : i32
        %dma_wait3A_173 = arith.constant 0 : i32
        %dma_wait3A_174 = tpu.memref_slice %arg11[%rem3A_147, %dma_wait3A_172, %dma_wait3A_173] : memref<3x128x128xf32, #tpu.memory_space<vmem>> -> memref<1x80x128xf32, #tpu.memory_space<vmem>>
        %dma_wait3A_175 = tpu.memref_squeeze %dma_wait3A_174 : memref<1x80x128xf32, #tpu.memory_space<vmem>> -> memref<80x128xf32, #tpu.memory_space<vmem>>
        tpu.wait_dma2 semaphore(%arg15 : memref<!tpu.dma_semaphore, #tpu.memory_space<semaphore_mem>>) src(%dma_wait3A_175 : memref<80x128xf32, #tpu.memory_space<vmem>>) dst(%dma_wait3A_171 : memref<80x128xf32, #tpu.memory_space<hbm>>)
      } else {
      }
      %lt3A_155 = arith.constant 125 : i32
      %lt3A_156 = arith.cmpi slt, %add3A_146, %lt3A_155 : i32
      %convert_element_type3A_157 = arith.extui %lt3A_156 : i1 to i32
      %cond3A_158 = arith.constant 0 : i32
      %cond3A_159 = arith.cmpi ne, %convert_element_type3A_157, %cond3A_158 : i32
      scf.if %cond3A_159 {
        %mul3A_160 = arith.constant 80 : i32
        %mul3A_161 = arith.muli %add3A_146, %mul3A_160 : i32
        "tpu.region"() ({
          %run_scoped3A_176 = tpu.sem_alloc : memref<!tpu.dma_semaphore, #tpu.memory_space<semaphore_mem>>
          %dma_start3A_177 = arith.constant 0 : i32
          %dma_start3A_178 = arith.constant 0 : i32
          %dma_start3A_179 = tpu.memref_slice %arg11[%rem3A_147, %dma_start3A_177, %dma_start3A_178] : memref<3x128x128xf32, #tpu.memory_space<vmem>> -> memref<1x80x128xf32, #tpu.memory_space<vmem>>
          %dma_start3A_180 = tpu.memref_squeeze %dma_start3A_179 : memref<1x80x128xf32, #tpu.memory_space<vmem>> -> memref<80x128xf32, #tpu.memory_space<vmem>>
          %dma_start3A_181 = arith.constant 0 : i32
          %dma_start3A_182 = tpu.memref_slice %arg12[%mul3A_161, %dma_start3A_181] : memref<10000x128xf32, #tpu.memory_space<vmem_shared>> -> memref<80x128xf32, #tpu.memory_space<vmem_shared>>
          %dma_start3A_183 = arith.constant 0 : i32
          %dma_start3A_184 = arith.constant 0 : i32
          %dma_start3A_185 = tpu.memref_slice %arg11[%rem3A_147, %dma_start3A_183, %dma_start3A_184] : memref<3x128x128xf32, #tpu.memory_space<vmem>> -> memref<1x80x128xf32, #tpu.memory_space<vmem>>
          %dma_start3A_186 = tpu.memref_squeeze %dma_start3A_185 : memref<1x80x128xf32, #tpu.memory_space<vmem>> -> memref<80x128xf32, #tpu.memory_space<vmem>>
          %dma_start3A_187 = arith.constant 0 : i32
          %dma_start3A_188 = tpu.memref_slice %arg12[%mul3A_161, %dma_start3A_187] : memref<10000x128xf32, #tpu.memory_space<vmem_shared>> -> memref<80x128xf32, #tpu.memory_space<vmem_shared>>
          tpu.enqueue_dma source(%dma_start3A_188 : memref<80x128xf32, #tpu.memory_space<vmem_shared>>) target(%dma_start3A_186 : memref<80x128xf32, #tpu.memory_space<vmem>>) target_semaphore(%run_scoped3A_176 : memref<!tpu.dma_semaphore, #tpu.memory_space<semaphore_mem>>)
          %dma_wait3A_189 = arith.constant 0 : i32
          %dma_wait3A_190 = arith.constant 0 : i32
          %dma_wait3A_191 = tpu.memref_slice %arg11[%rem3A_147, %dma_wait3A_189, %dma_wait3A_190] : memref<3x128x128xf32, #tpu.memory_space<vmem>> -> memref<1x80x128xf32, #tpu.memory_space<vmem>>
          %dma_wait3A_192 = tpu.memref_squeeze %dma_wait3A_191 : memref<1x80x128xf32, #tpu.memory_space<vmem>> -> memref<80x128xf32, #tpu.memory_space<vmem>>
          %dma_wait3A_193 = arith.constant 0 : i32
          %dma_wait3A_194 = tpu.memref_slice %arg12[%mul3A_161, %dma_wait3A_193] : memref<10000x128xf32, #tpu.memory_space<vmem_shared>> -> memref<80x128xf32, #tpu.memory_space<vmem_shared>>
          %dma_wait3A_195 = arith.constant 0 : i32
          %dma_wait3A_196 = arith.constant 0 : i32
          %dma_wait3A_197 = tpu.memref_slice %arg11[%rem3A_147, %dma_wait3A_195, %dma_wait3A_196] : memref<3x128x128xf32, #tpu.memory_space<vmem>> -> memref<1x80x128xf32, #tpu.memory_space<vmem>>
          %dma_wait3A_198 = tpu.memref_squeeze %dma_wait3A_197 : memref<1x80x128xf32, #tpu.memory_space<vmem>> -> memref<80x128xf32, #tpu.memory_space<vmem>>
          %dma_wait3A_199 = arith.constant 0 : i32
          %dma_wait3A_200 = tpu.memref_slice %arg12[%mul3A_161, %dma_wait3A_199] : memref<10000x128xf32, #tpu.memory_space<vmem_shared>> -> memref<80x128xf32, #tpu.memory_space<vmem_shared>>
          tpu.wait_dma2 semaphore(%run_scoped3A_176 : memref<!tpu.dma_semaphore, #tpu.memory_space<semaphore_mem>>) src(%dma_wait3A_200 : memref<80x128xf32, #tpu.memory_space<vmem_shared>>) dst(%dma_wait3A_198 : memref<80x128xf32, #tpu.memory_space<vmem>>)
          tpu.yield
        }) : () -> ()
        %dma_start3A_162 = arith.constant 0 : i32
        %dma_start3A_163 = arith.constant 0 : i32
        %dma_start3A_164 = tpu.memref_slice %arg11[%rem3A_147, %dma_start3A_162, %dma_start3A_163] : memref<3x128x128xf32, #tpu.memory_space<vmem>> -> memref<1x80x128xf32, #tpu.memory_space<vmem>>
        %dma_start3A_165 = tpu.memref_squeeze %dma_start3A_164 : memref<1x80x128xf32, #tpu.memory_space<vmem>> -> memref<80x128xf32, #tpu.memory_space<vmem>>
        %dma_start3A_166 = arith.constant 0 : i32
        %dma_start3A_167 = tpu.memref_slice %arg6[%arg0, %mul3A_161, %dma_start3A_166] : memref<2x10000x128xf32, #tpu.memory_space<hbm>> -> memref<1x80x128xf32, #tpu.memory_space<hbm>>
        %dma_start3A_168 = tpu.memref_squeeze %dma_start3A_167 : memref<1x80x128xf32, #tpu.memory_space<hbm>> -> memref<80x128xf32, #tpu.memory_space<hbm>>
        %dma_start3A_169 = arith.constant 0 : i32
        %dma_start3A_170 = tpu.memref_slice %arg6[%arg0, %mul3A_161, %dma_start3A_169] : memref<2x10000x128xf32, #tpu.memory_space<hbm>> -> memref<1x80x128xf32, #tpu.memory_space<hbm>>
        %dma_start3A_171 = tpu.memref_squeeze %dma_start3A_170 : memref<1x80x128xf32, #tpu.memory_space<hbm>> -> memref<80x128xf32, #tpu.memory_space<hbm>>
        %dma_start3A_172 = arith.constant 0 : i32
        %dma_start3A_173 = arith.constant 0 : i32
        %dma_start3A_174 = tpu.memref_slice %arg11[%rem3A_147, %dma_start3A_172, %dma_start3A_173] : memref<3x128x128xf32, #tpu.memory_space<vmem>> -> memref<1x80x128xf32, #tpu.memory_space<vmem>>
        %dma_start3A_175 = tpu.memref_squeeze %dma_start3A_174 : memref<1x80x128xf32, #tpu.memory_space<vmem>> -> memref<80x128xf32, #tpu.memory_space<vmem>>
        tpu.enqueue_dma source(%dma_start3A_175 : memref<80x128xf32, #tpu.memory_space<vmem>>) target(%dma_start3A_171 : memref<80x128xf32, #tpu.memory_space<hbm>>) target_semaphore(%arg15 : memref<!tpu.dma_semaphore, #tpu.memory_space<semaphore_mem>>)
      } else {
      }
    }
    %scan3A_140 = arith.constant 8 : i32
    %ge3A = arith.constant 8 : i32
    %ge3A_141 = arith.cmpi sge, %sub3A_134, %ge3A : i32
    %convert_element_type3A = arith.extui %ge3A_141 : i1 to i32
    %cond3A = arith.constant 0 : i32
    %cond3A_142 = arith.cmpi ne, %convert_element_type3A, %cond3A : i32
    scf.if %cond3A_142 {
      %dma_wait3A_143 = arith.constant 0 : i32
      %dma_wait3A_144 = arith.constant 0 : i32
      %dma_wait3A_145 = arith.constant 0 : i32
      %dma_wait3A_146 = tpu.memref_slice %arg11[%dma_wait3A_143, %dma_wait3A_144, %dma_wait3A_145] : memref<3x128x128xf32, #tpu.memory_space<vmem>> -> memref<1x80x128xf32, #tpu.memory_space<vmem>>
      %dma_wait3A_147 = tpu.memref_squeeze %dma_wait3A_146 : memref<1x80x128xf32, #tpu.memory_space<vmem>> -> memref<80x128xf32, #tpu.memory_space<vmem>>
      %dma_wait3A_148 = arith.constant 0 : i32
      %dma_wait3A_149 = arith.constant 0 : i32
      %dma_wait3A_150 = tpu.memref_slice %arg6[%arg0, %dma_wait3A_148, %dma_wait3A_149] : memref<2x10000x128xf32, #tpu.memory_space<hbm>> -> memref<1x80x128xf32, #tpu.memory_space<hbm>>
      %dma_wait3A_151 = tpu.memref_squeeze %dma_wait3A_150 : memref<1x80x128xf32, #tpu.memory_space<hbm>> -> memref<80x128xf32, #tpu.memory_space<hbm>>
      %dma_wait3A_152 = arith.constant 0 : i32
      %dma_wait3A_153 = arith.constant 0 : i32
      %dma_wait3A_154 = tpu.memref_slice %arg6[%arg0, %dma_wait3A_152, %dma_wait3A_153] : memref<2x10000x128xf32, #tpu.memory_space<hbm>> -> memref<1x80x128xf32, #tpu.memory_space<hbm>>
      %dma_wait3A_155 = tpu.memref_squeeze %dma_wait3A_154 : memref<1x80x128xf32, #tpu.memory_space<hbm>> -> memref<80x128xf32, #tpu.memory_space<hbm>>
      %dma_wait3A_156 = arith.constant 0 : i32
      %dma_wait3A_157 = arith.constant 0 : i32
      %dma_wait3A_158 = tpu.memref_slice %arg11[%dma_wait3A_143, %dma_wait3A_156, %dma_wait3A_157] : memref<3x128x128xf32, #tpu.memory_space<vmem>> -> memref<1x80x128xf32, #tpu.memory_space<vmem>>
      %dma_wait3A_159 = tpu.memref_squeeze %dma_wait3A_158 : memref<1x80x128xf32, #tpu.memory_space<vmem>> -> memref<80x128xf32, #tpu.memory_space<vmem>>
      tpu.wait_dma2 semaphore(%arg15 : memref<!tpu.dma_semaphore, #tpu.memory_space<semaphore_mem>>) src(%dma_wait3A_159 : memref<80x128xf32, #tpu.memory_space<vmem>>) dst(%dma_wait3A_155 : memref<80x128xf32, #tpu.memory_space<hbm>>)
      %dma_wait3A_160 = arith.constant 1 : i32
      %dma_wait3A_161 = arith.constant 0 : i32
      %dma_wait3A_162 = arith.constant 0 : i32
      %dma_wait3A_163 = tpu.memref_slice %arg11[%dma_wait3A_160, %dma_wait3A_161, %dma_wait3A_162] : memref<3x128x128xf32, #tpu.memory_space<vmem>> -> memref<1x80x128xf32, #tpu.memory_space<vmem>>
      %dma_wait3A_164 = tpu.memref_squeeze %dma_wait3A_163 : memref<1x80x128xf32, #tpu.memory_space<vmem>> -> memref<80x128xf32, #tpu.memory_space<vmem>>
      %dma_wait3A_165 = arith.constant 0 : i32
      %dma_wait3A_166 = arith.constant 0 : i32
      %dma_wait3A_167 = tpu.memref_slice %arg6[%arg0, %dma_wait3A_165, %dma_wait3A_166] : memref<2x10000x128xf32, #tpu.memory_space<hbm>> -> memref<1x80x128xf32, #tpu.memory_space<hbm>>
      %dma_wait3A_168 = tpu.memref_squeeze %dma_wait3A_167 : memref<1x80x128xf32, #tpu.memory_space<hbm>> -> memref<80x128xf32, #tpu.memory_space<hbm>>
      %dma_wait3A_169 = arith.constant 0 : i32
      %dma_wait3A_170 = arith.constant 0 : i32
      %dma_wait3A_171 = tpu.memref_slice %arg6[%arg0, %dma_wait3A_169, %dma_wait3A_170] : memref<2x10000x128xf32, #tpu.memory_space<hbm>> -> memref<1x80x128xf32, #tpu.memory_space<hbm>>
      %dma_wait3A_172 = tpu.memref_squeeze %dma_wait3A_171 : memref<1x80x128xf32, #tpu.memory_space<hbm>> -> memref<80x128xf32, #tpu.memory_space<hbm>>
      %dma_wait3A_173 = arith.constant 0 : i32
      %dma_wait3A_174 = arith.constant 0 : i32
      %dma_wait3A_175 = tpu.memref_slice %arg11[%dma_wait3A_160, %dma_wait3A_173, %dma_wait3A_174] : memref<3x128x128xf32, #tpu.memory_space<vmem>> -> memref<1x80x128xf32, #tpu.memory_space<vmem>>
      %dma_wait3A_176 = tpu.memref_squeeze %dma_wait3A_175 : memref<1x80x128xf32, #tpu.memory_space<vmem>> -> memref<80x128xf32, #tpu.memory_space<vmem>>
      tpu.wait_dma2 semaphore(%arg15 : memref<!tpu.dma_semaphore, #tpu.memory_space<semaphore_mem>>) src(%dma_wait3A_176 : memref<80x128xf32, #tpu.memory_space<vmem>>) dst(%dma_wait3A_172 : memref<80x128xf32, #tpu.memory_space<hbm>>)
    } else {
    }
    return
  }
}

module attributes {stable_mosaic.version = 14 : i64} {
  func.func @body(%arg0: i32, %arg1: memref<2x1000x128xf32, #tpu.memory_space<vmem>>, %arg2: memref<2x1000x128xf32, #tpu.memory_space<vmem>>, %arg3: memref<1000x128xf32, #tpu.memory_space<vmem>>, %arg4: memref<128x128xf32, #tpu.memory_space<vmem>>, %arg5: memref<128x128xf32, #tpu.memory_space<vmem>>, %arg6: memref<1x128xf32, #tpu.memory_space<vmem>>, %arg7: memref<1000x128xf32, #tpu.memory_space<vmem>>, %arg8: memref<1000x128xf32, #tpu.memory_space<vmem>>) attributes {dimension_semantics = [#tpu.dimension_semantics<arbitrary>], iteration_bounds = array<i64: 10>, scalar_prefetch = 0 : i64, scratch_operands = 0 : i64, tpu.core_type = #tpu.core_type<tc>, window_params = [{transform_indices = @transform_0, window_bounds = array<i64: 2, 1000, 128>}, {transform_indices = @transform_1, window_bounds = array<i64: 2, 1000, 128>}, {transform_indices = @transform_2, window_bounds = array<i64: 1000, 128>}, {pipeline_mode = #tpu.pipeline_mode<synchronous>, transform_indices = @transform_3, window_bounds = array<i64: 128, 128>}, {pipeline_mode = #tpu.pipeline_mode<synchronous>, transform_indices = @transform_4, window_bounds = array<i64: 128, 128>}, {pipeline_mode = #tpu.pipeline_mode<synchronous>, transform_indices = @transform_5, window_bounds = array<i64: 1, 128>}, {transform_indices = @transform_6, window_bounds = array<i64: 1000, 128>}, {transform_indices = @transform_7, window_bounds = array<i64: 1000, 128>}]} {
    %get3A = arith.constant 0 : index
    %get3A_0 = arith.constant 0 : index
    %get3A_1 = arith.constant 0 : index
    %get3A_2 = vector.load %arg2[%get3A, %get3A_0, %get3A_1] : memref<2x1000x128xf32, #tpu.memory_space<vmem>>, vector<2x1000x128xf32>
    %slice3A = vector.extract_strided_slice %get3A_2 {offsets = [0, 0, 0], sizes = [1, 1000, 1], strides = [1, 1, 1]} : vector<2x1000x128xf32> to vector<1x1000x1xf32>
    %squeeze3A = vector.shape_cast %slice3A : vector<1x1000x1xf32> to vector<1000x1xf32>
    %slice3A_3 = vector.extract_strided_slice %get3A_2 {offsets = [1, 0, 0], sizes = [1, 1000, 1], strides = [1, 1, 1]} : vector<2x1000x128xf32> to vector<1x1000x1xf32>
    %squeeze3A_4 = vector.shape_cast %slice3A_3 : vector<1x1000x1xf32> to vector<1000x1xf32>
    %add3A = arith.addf %squeeze3A, %squeeze3A_4 : vector<1000x1xf32>
    %max3A = arith.constant 1.000000e+00 : f32
    %max3A_5 = vector.broadcast %max3A : f32 to vector<1000x1xf32>
    %max3A_6 = arith.maximumf %add3A, %max3A_5 : vector<1000x1xf32>
    %div3A = arith.constant 1.000000e+00 : f32
    %div3A_7 = vector.broadcast %div3A : f32 to vector<1000x1xf32>
    %div3A_8 = arith.divf %div3A_7, %max3A_6 : vector<1000x1xf32>
    %get3A_9 = arith.constant 0 : index
    %get3A_10 = arith.constant 0 : index
    %get3A_11 = arith.constant 0 : index
    %get3A_12 = vector.load %arg1[%get3A_9, %get3A_10, %get3A_11] : memref<2x1000x128xf32, #tpu.memory_space<vmem>>, vector<2x1000x128xf32>
    %slice3A_13 = vector.extract_strided_slice %get3A_12 {offsets = [0, 0, 0], sizes = [1, 1000, 128], strides = [1, 1, 1]} : vector<2x1000x128xf32> to vector<1x1000x128xf32>
    %squeeze3A_14 = vector.shape_cast %slice3A_13 : vector<1x1000x128xf32> to vector<1000x128xf32>
    %slice3A_15 = vector.extract_strided_slice %get3A_12 {offsets = [1, 0, 0], sizes = [1, 1000, 128], strides = [1, 1, 1]} : vector<2x1000x128xf32> to vector<1x1000x128xf32>
    %squeeze3A_16 = vector.shape_cast %slice3A_15 : vector<1x1000x128xf32> to vector<1000x128xf32>
    %add3A_17 = arith.addf %squeeze3A_14, %squeeze3A_16 : vector<1000x128xf32>
    %mul3A = vector.broadcast %div3A_8 : vector<1000x1xf32> to vector<1000x128xf32>
    %mul3A_18 = arith.mulf %add3A_17, %mul3A : vector<1000x128xf32>
    %get3A_19 = arith.constant 0 : index
    %get3A_20 = arith.constant 0 : index
    %get3A_21 = vector.load %arg3[%get3A_19, %get3A_20] : memref<1000x128xf32, #tpu.memory_space<vmem>>, vector<1000x128xf32>
    %add3A_22 = arith.addf %mul3A_18, %get3A_21 : vector<1000x128xf32>
    %max3A_23 = arith.constant 0.000000e+00 : f32
    %max3A_24 = vector.broadcast %max3A_23 : f32 to vector<1000x128xf32>
    %max3A_25 = arith.maximumf %add3A_22, %max3A_24 : vector<1000x128xf32>
    %get3A_26 = arith.constant 0 : index
    %get3A_27 = arith.constant 0 : index
    %get3A_28 = vector.load %arg4[%get3A_26, %get3A_27] : memref<128x128xf32, #tpu.memory_space<vmem>>, vector<128x128xf32>
    %dot_general3A = arith.constant dense<0.000000e+00> : vector<1000x128xf32>
    %dot_general3A_29 = tpu.matmul %max3A_25, %get3A_28, %dot_general3A {dimension_numbers = #tpu.dot_dimension_numbers<[1], [0], [0], [1], [0, 0, 1, 1], [], []>, transpose_lhs_hint = false} : vector<1000x128xf32>, vector<128x128xf32>, vector<1000x128xf32> -> vector<1000x128xf32>
    %swap3A = arith.constant 0 : index
    %swap3A_30 = arith.constant 0 : index
    %swap3A_31 = vector.load %arg7[%swap3A, %swap3A_30] : memref<1000x128xf32, #tpu.memory_space<vmem>>, vector<1000x128xf32>
    tpu.vector_store %arg7[%swap3A, %swap3A_30], %dot_general3A_29 {strides = array<i32>} : memref<1000x128xf32, #tpu.memory_space<vmem>>, vector<1000x128xf32>,
    %get3A_32 = arith.constant 0 : index
    %get3A_33 = arith.constant 0 : index
    %get3A_34 = vector.load %arg5[%get3A_32, %get3A_33] : memref<128x128xf32, #tpu.memory_space<vmem>>, vector<128x128xf32>
    %dot_general3A_35 = arith.constant dense<0.000000e+00> : vector<1000x128xf32>
    %dot_general3A_36 = tpu.matmul %max3A_25, %get3A_34, %dot_general3A_35 {dimension_numbers = #tpu.dot_dimension_numbers<[1], [0], [0], [1], [0, 0, 1, 1], [], []>, transpose_lhs_hint = false} : vector<1000x128xf32>, vector<128x128xf32>, vector<1000x128xf32> -> vector<1000x128xf32>
    %get3A_37 = arith.constant 0 : index
    %get3A_38 = arith.constant 0 : index
    %get3A_39 = vector.load %arg6[%get3A_37, %get3A_38] : memref<1x128xf32, #tpu.memory_space<vmem>>, vector<1x128xf32>
    %add3A_40 = vector.broadcast %get3A_39 : vector<1x128xf32> to vector<1000x128xf32>
    %add3A_41 = arith.addf %dot_general3A_36, %add3A_40 : vector<1000x128xf32>
    %swap3A_42 = arith.constant 0 : index
    %swap3A_43 = arith.constant 0 : index
    %swap3A_44 = vector.load %arg8[%swap3A_42, %swap3A_43] : memref<1000x128xf32, #tpu.memory_space<vmem>>, vector<1000x128xf32>
    tpu.vector_store %arg8[%swap3A_42, %swap3A_43], %add3A_41 {strides = array<i32>} : memref<1000x128xf32, #tpu.memory_space<vmem>>, vector<1000x128xf32>,
    return
  }
  func.func @transform_0(%arg0: i32) -> (i32, i32, i32) {
    %c0_i32 = arith.constant 0 : i32
    %c0_i32_0 = arith.constant 0 : i32
    %c0_i32_1 = arith.constant 0 : i32
    return %c0_i32, %arg0, %c0_i32_0 : i32, i32, i32
  }
  func.func @transform_1(%arg0: i32) -> (i32, i32, i32) {
    %c0_i32 = arith.constant 0 : i32
    %c0_i32_0 = arith.constant 0 : i32
    %c0_i32_1 = arith.constant 0 : i32
    return %c0_i32, %arg0, %c0_i32_0 : i32, i32, i32
  }
  func.func @transform_2(%arg0: i32) -> (i32, i32) {
    %c0_i32 = arith.constant 0 : i32
    %c0_i32_0 = arith.constant 0 : i32
    return %arg0, %c0_i32 : i32, i32
  }
  func.func @transform_3(%arg0: i32) -> (i32, i32) {
    %c0_i32 = arith.constant 0 : i32
    %c0_i32_0 = arith.constant 0 : i32
    %c0_i32_1 = arith.constant 0 : i32
    return %c0_i32, %c0_i32_0 : i32, i32
  }
  func.func @transform_4(%arg0: i32) -> (i32, i32) {
    %c0_i32 = arith.constant 0 : i32
    %c0_i32_0 = arith.constant 0 : i32
    %c0_i32_1 = arith.constant 0 : i32
    return %c0_i32, %c0_i32_0 : i32, i32
  }
  func.func @transform_5(%arg0: i32) -> (i32, i32) {
    %c0_i32 = arith.constant 0 : i32
    %c0_i32_0 = arith.constant 0 : i32
    %c0_i32_1 = arith.constant 0 : i32
    return %c0_i32, %c0_i32_0 : i32, i32
  }
  func.func @transform_6(%arg0: i32) -> (i32, i32) {
    %c0_i32 = arith.constant 0 : i32
    %c0_i32_0 = arith.constant 0 : i32
    return %arg0, %c0_i32 : i32, i32
  }
  func.func @transform_7(%arg0: i32) -> (i32, i32) {
    %c0_i32 = arith.constant 0 : i32
    %c0_i32_0 = arith.constant 0 : i32
    return %arg0, %c0_i32 : i32, i32
  }
}

module attributes {stable_mosaic.version = 14 : i64} {
  func.func @body(%arg0: memref<10000x128xf32, #tpu.memory_space<vmem>>, %arg1: memref<128x128xf32, #tpu.memory_space<vmem>>, %arg2: memref<128x128xf32, #tpu.memory_space<vmem>>, %arg3: memref<1x128xf32, #tpu.memory_space<vmem>>, %arg4: memref<10000x128xf32, #tpu.memory_space<vmem>>, %arg5: memref<10000x128xf32, #tpu.memory_space<vmem>>) attributes {dimension_semantics = [], scalar_prefetch = 0 : i64, scratch_operands = 0 : i64, tpu.core_type = #tpu.core_type<tc>} {
    %get3A = arith.constant 0 : index
    %get3A_0 = arith.constant 0 : index
    %get3A_1 = vector.load %arg0[%get3A, %get3A_0] : memref<10000x128xf32, #tpu.memory_space<vmem>>, vector<10000x128xf32>
    %get3A_2 = arith.constant 0 : index
    %get3A_3 = arith.constant 0 : index
    %get3A_4 = vector.load %arg1[%get3A_2, %get3A_3] : memref<128x128xf32, #tpu.memory_space<vmem>>, vector<128x128xf32>
    %dot_general3A = arith.constant dense<0.000000e+00> : vector<10000x128xf32>
    %dot_general3A_5 = tpu.matmul %get3A_1, %get3A_4, %dot_general3A {dimension_numbers = #tpu.dot_dimension_numbers<[1], [0], [0], [1], [0, 0, 1, 1], [], []>, transpose_lhs_hint = false} : vector<10000x128xf32>, vector<128x128xf32>, vector<10000x128xf32> -> vector<10000x128xf32>
    %swap3A = arith.constant 0 : index
    %swap3A_6 = arith.constant 0 : index
    %swap3A_7 = vector.load %arg4[%swap3A, %swap3A_6] : memref<10000x128xf32, #tpu.memory_space<vmem>>, vector<10000x128xf32>
    tpu.vector_store %arg4[%swap3A, %swap3A_6], %dot_general3A_5 {strides = array<i32>} : memref<10000x128xf32, #tpu.memory_space<vmem>>, vector<10000x128xf32>,
    %get3A_8 = arith.constant 0 : index
    %get3A_9 = arith.constant 0 : index
    %get3A_10 = vector.load %arg2[%get3A_8, %get3A_9] : memref<128x128xf32, #tpu.memory_space<vmem>>, vector<128x128xf32>
    %dot_general3A_11 = arith.constant dense<0.000000e+00> : vector<10000x128xf32>
    %dot_general3A_12 = tpu.matmul %get3A_1, %get3A_10, %dot_general3A_11 {dimension_numbers = #tpu.dot_dimension_numbers<[1], [0], [0], [1], [0, 0, 1, 1], [], []>, transpose_lhs_hint = false} : vector<10000x128xf32>, vector<128x128xf32>, vector<10000x128xf32> -> vector<10000x128xf32>
    %get3A_13 = arith.constant 0 : index
    %get3A_14 = arith.constant 0 : index
    %get3A_15 = vector.load %arg3[%get3A_13, %get3A_14] : memref<1x128xf32, #tpu.memory_space<vmem>>, vector<1x128xf32>
    %add3A = vector.broadcast %get3A_15 : vector<1x128xf32> to vector<10000x128xf32>
    %add3A_16 = arith.addf %dot_general3A_12, %add3A : vector<10000x128xf32>
    %swap3A_17 = arith.constant 0 : index
    %swap3A_18 = arith.constant 0 : index
    %swap3A_19 = vector.load %arg5[%swap3A_17, %swap3A_18] : memref<10000x128xf32, #tpu.memory_space<vmem>>, vector<10000x128xf32>
    tpu.vector_store %arg5[%swap3A_17, %swap3A_18], %add3A_16 {strides = array<i32>} : memref<10000x128xf32, #tpu.memory_space<vmem>>, vector<10000x128xf32>,
    return
  }
}

module attributes {stable_mosaic.version = 14 : i64} {
  func.func @body(%arg0: memref<2x10000x128xf32, #tpu.memory_space<vmem>>, %arg1: memref<2x10000x128xf32, #tpu.memory_space<vmem>>, %arg2: memref<10000x128xf32, #tpu.memory_space<vmem>>, %arg3: memref<1x10000xi32, #tpu.memory_space<vmem>>, %arg4: memref<64x128xf32, #tpu.memory_space<vmem>>) attributes {dimension_semantics = [], scalar_prefetch = 0 : i64, scratch_operands = 0 : i64, tpu.core_type = #tpu.core_type<tc>} {
    %get3A = arith.constant 0 : index
    %get3A_0 = arith.constant 0 : index
    %get3A_1 = arith.constant 0 : index
    %get3A_2 = vector.load %arg1[%get3A, %get3A_0, %get3A_1] : memref<2x10000x128xf32, #tpu.memory_space<vmem>>, vector<2x10000x128xf32>
    %slice3A = vector.extract_strided_slice %get3A_2 {offsets = [0, 0, 0], sizes = [1, 10000, 1], strides = [1, 1, 1]} : vector<2x10000x128xf32> to vector<1x10000x1xf32>
    %squeeze3A = vector.shape_cast %slice3A : vector<1x10000x1xf32> to vector<10000x1xf32>
    %slice3A_3 = vector.extract_strided_slice %get3A_2 {offsets = [1, 0, 0], sizes = [1, 10000, 1], strides = [1, 1, 1]} : vector<2x10000x128xf32> to vector<1x10000x1xf32>
    %squeeze3A_4 = vector.shape_cast %slice3A_3 : vector<1x10000x1xf32> to vector<10000x1xf32>
    %add3A = arith.addf %squeeze3A, %squeeze3A_4 : vector<10000x1xf32>
    %max3A = arith.constant 1.000000e+00 : f32
    %max3A_5 = vector.broadcast %max3A : f32 to vector<10000x1xf32>
    %max3A_6 = arith.maximumf %add3A, %max3A_5 : vector<10000x1xf32>
    %div3A = arith.constant 1.000000e+00 : f32
    %div3A_7 = vector.broadcast %div3A : f32 to vector<10000x1xf32>
    %div3A_8 = arith.divf %div3A_7, %max3A_6 : vector<10000x1xf32>
    %get3A_9 = arith.constant 0 : index
    %get3A_10 = arith.constant 0 : index
    %get3A_11 = arith.constant 0 : index
    %get3A_12 = vector.load %arg0[%get3A_9, %get3A_10, %get3A_11] : memref<2x10000x128xf32, #tpu.memory_space<vmem>>, vector<2x10000x128xf32>
    %slice3A_13 = vector.extract_strided_slice %get3A_12 {offsets = [0, 0, 0], sizes = [1, 10000, 128], strides = [1, 1, 1]} : vector<2x10000x128xf32> to vector<1x10000x128xf32>
    %squeeze3A_14 = vector.shape_cast %slice3A_13 : vector<1x10000x128xf32> to vector<10000x128xf32>
    %slice3A_15 = vector.extract_strided_slice %get3A_12 {offsets = [1, 0, 0], sizes = [1, 10000, 128], strides = [1, 1, 1]} : vector<2x10000x128xf32> to vector<1x10000x128xf32>
    %squeeze3A_16 = vector.shape_cast %slice3A_15 : vector<1x10000x128xf32> to vector<10000x128xf32>
    %add3A_17 = arith.addf %squeeze3A_14, %squeeze3A_16 : vector<10000x128xf32>
    %mul3A = vector.broadcast %div3A_8 : vector<10000x1xf32> to vector<10000x128xf32>
    %mul3A_18 = arith.mulf %add3A_17, %mul3A : vector<10000x128xf32>
    %get3A_19 = arith.constant 0 : index
    %get3A_20 = arith.constant 0 : index
    %get3A_21 = vector.load %arg2[%get3A_19, %get3A_20] : memref<10000x128xf32, #tpu.memory_space<vmem>>, vector<10000x128xf32>
    %add3A_22 = arith.addf %mul3A_18, %get3A_21 : vector<10000x128xf32>
    %iota3A = tpu.iota {dimensions = array<i32: 0>} : vector<64x10000xi32>
    %get3A_23 = arith.constant 0 : index
    %get3A_24 = arith.constant 0 : index
    %get3A_25 = vector.load %arg3[%get3A_23, %get3A_24] : memref<1x10000xi32, #tpu.memory_space<vmem>>, vector<1x10000xi32>
    %eq3A = vector.broadcast %get3A_25 : vector<1x10000xi32> to vector<64x10000xi32>
    %eq3A_26 = arith.cmpi eq, %eq3A, %iota3A : vector<64x10000xi32>
    %convert_element_type3A = arith.extui %eq3A_26 : vector<64x10000xi1> to vector<64x10000xi32>
    %convert_element_type3A_27 = arith.sitofp %convert_element_type3A : vector<64x10000xi32> to vector<64x10000xf32>
    %dot_general3A = arith.constant dense<0.000000e+00> : vector<64x128xf32>
    %dot_general3A_28 = tpu.matmul %convert_element_type3A_27, %add3A_22, %dot_general3A {dimension_numbers = #tpu.dot_dimension_numbers<[1], [0], [0], [1], [0, 0, 1, 1], [], []>, transpose_lhs_hint = false} : vector<64x10000xf32>, vector<10000x128xf32>, vector<64x128xf32> -> vector<64x128xf32>
    %reduce_sum3A = arith.constant dense<0.000000e+00> : vector<64xf32>
    %reduce_sum3A_29 = vector.multi_reduction <add>, %convert_element_type3A_27, %reduce_sum3A [1] : vector<64x10000xf32> to vector<64xf32>
    %broadcast_in_dim3A = vector.shape_cast %reduce_sum3A_29 : vector<64xf32> to vector<64x1xf32>
    %max3A_30 = arith.constant 1.000000e+00 : f32
    %max3A_31 = vector.broadcast %max3A_30 : f32 to vector<64x1xf32>
    %max3A_32 = arith.maximumf %broadcast_in_dim3A, %max3A_31 : vector<64x1xf32>
    %div3A_33 = vector.broadcast %max3A_32 : vector<64x1xf32> to vector<64x128xf32>
    %div3A_34 = arith.divf %dot_general3A_28, %div3A_33 : vector<64x128xf32>
    %swap3A = arith.constant 0 : index
    %swap3A_35 = arith.constant 0 : index
    %swap3A_36 = vector.load %arg4[%swap3A, %swap3A_35] : memref<64x128xf32, #tpu.memory_space<vmem>>, vector<64x128xf32>
    tpu.vector_store %arg4[%swap3A, %swap3A_35], %div3A_34 {strides = array<i32>} : memref<64x128xf32, #tpu.memory_space<vmem>>, vector<64x128xf32>,
    return
  }
}

</mosaic_0001>

<sc_bundles>
// kernel: kernel.11.cloned.1.call-start
scs
__scs_entry_jumppad:
0x0: {  	(pc) =	sbr.rel $0x88, $3  }
0x1: {  	(tag) =	ssettag $0x0;
	lr =	simm.s32 $0x1  }
0x2: {  	[smem:$0x3F98] =	sst lr;
	_ =	strace $0xD0000000  }
0x3: {  	_ = 	snop  }
0x4: {  	_ = 	snop  }
0x5: {  	_ = 	snop  }
0x6: {  	_ = 	snop  }
0x7: {  	_ = 	snop  }
__scs_overlays_trampoline_lowered:
0x8: {  	[smem:$0x3FA7] =	sst s0  }
0x9: {  	[smem:$0x3FA8] =	sst s1  }
0xa: {  	[smem:$0x3FA9] =	sst s2  }
0xb: {  	[smem:$0x3FAA] =	sst s3  }
0xc: {  	[smem:$0x3FAB] =	sst s4  }
0xd: {  	[smem:$0x3FAC] =	sst s5  }
0xe: {  	[smem:$0x3FAD] =	sst s6  }
0xf: {  	[smem:$0x3FAE] =	sst s7  }
0x10: {  	[smem:$0x3FAF] =	sst s8  }
0x11: {  	[smem:$0x3FB0] =	sst s9;
	s0 =	simm.s32 @!p0 $0x0  }
0x12: {  	s1 =	sld [smem:$0x3F96];
	s0 =	simm.s32 @p0 $0x1  }
0x13: {  	[smem:$0x3FB1] =	sst s0;
	s0 =	simm.s32 @!p1 $0x0  }
0x14: {  	s2 =	sld [smem:$0x3F95];
	s0 =	simm.s32 @p1 $0x1  }
0x15: {  	[smem:$0x3FB2] =	sst s0;
	s0 =	simm.s32 @!p2 $0x0  }
0x16: {  	s3 =	sld [smem:$0x3FDB];
	s0 =	simm.s32 @p2 $0x1  }
0x17: {  	s4 =	simm.s32 $0x1BF5;
	[smem:$0x3FB4] =	sst s0  }
0x18: {  	s0 =	sld [smem:$0x3F97];
	_ =	swait.ge [sflag:s4], $0x0  }
0x19: {  	s7 =	sld [smem:$0x3F98]  }
0x1a: {  	s8 =	sadd.s32 $0xFFFFE003, lr  }
0x1b: {  	s9 =	sadd.s32 $0xFFFFFEF7, lr;
	s5 =	simm.s32 $0xFFFFFFFF;
	p2 =	slt.u32 s8, $0xFFFFF086  }
0x1c: {  	p1 =	slt.u32 s9, $0xF7A;
	s5 =	simm.s32 @!p2 $0x0  }
0x1d: {  	s5 =	simm.s32 @p1 $0x1;
	p0 =	seq.s32 s7, s2  }
0x1e: {  	s7 =	smul.u32 @!p0 $0xF7A, s2;
	p2 =	seq.s32 @!p0 s5, $0x0  }
0x1f: {  	s9 =	smul.u32 $0xF7A, s1;
	s8 =	simm.s32 @!p0 $0x1BF5;
	p2 =	por !p2, p0  }
0x20: {  	[sflag:s8] =	ssyncset.s32 @!p0 $0xFFFFF086;
	s6 =	sadd.s32 @!p0 s3, s7;
	s7 =	simm.s32 @!p0 $0x108  }
0x21: {  	s3 =	sadd.s32 s3, s9;
	s6 =	sadd.s32 @!p0 $0x88, s6;
	s7 =	simm.s32 @p2 $0x1082  }
0x22: {  	[simem:s7], [sflag:s8] =	dma.local @!p0 [hbm:s6], $0xF7A  }
0x23: {  	s9 =	sor.u32 $0xD0000000, s2;
	s6 =	simm.s32 $0x108;
	_ =	swait.ge @!p0 [sflag:s8], $0x0  }
0x24: {  	s3 =	sadd.s32 $0x88, s3;
	s6 =	simm.s32 @!p1 $0x1082;
	[sflag:s4] =	ssyncset.s32 $0xFFFFF086  }
0x25: {  	[simem:s6], [sflag:s4] =	dma.local [hbm:s3], $0xF7A  }
0x26: {  	[smem:$0x3F98] =	sst s1;
	(tag) =	ssettag s2;
	_ =	strace s9  }
0x27: {  	s1 =	sld [smem:$0x3FA8]  }
0x28: {  	s2 =	sld [smem:$0x3FA9]  }
0x29: {  	s4 =	sld [smem:$0x3FAB]  }
0x2a: {  	p0 =	seq.s32 s5, $0x0;
	s5 =	sld [smem:$0x3FAC]  }
0x2b: {  	s6 =	sld [smem:$0x3FAD]  }
0x2c: {  	s7 =	sld [smem:$0x3FAE]  }
0x2d: {  	s3 =	simm.s32 $0x108;
	s8 =	sld [smem:$0x3FAF]  }
0x2e: {  	s3 =	simm.s32 @!p0 $0x1082;
	s9 =	sld [smem:$0x3FB0]  }
0x2f: {  	lr =	sadd.s32 s0, s3;
	s0 =	sld [smem:$0x3FA7]  }
0x30: {  	s3 =	sld [smem:$0x3FAA]  }
0x31: {  	[smem:$0x3FB3] =	sst s10  }
0x32: {  	s10 =	sld [smem:$0x3FB1];
	_ =	sdelay $0x3  }
0x33: {  	p0 =	seq.s32 s10, $0x1;
	s10 =	sld [smem:$0x3FB3];
	_ =	sdelay $0x3  }
0x34: {  	[smem:$0x3FB3] =	sst s10  }
0x35: {  	s10 =	sld [smem:$0x3FB2];
	_ =	sdelay $0x3  }
0x36: {  	p1 =	seq.s32 s10, $0x1;
	s10 =	sld [smem:$0x3FB3];
	_ =	sdelay $0x3  }
0x37: {  	[smem:$0x3FB3] =	sst s10  }
0x38: {  	s10 =	sld [smem:$0x3FB4]  }
0x39: {  	_ = 	snop;
	(pc) =	sbr.ind lr, $3  }
0x3a: {  	_ = 	snop  }
0x3b: {  	_ = 	snop  }
0x3c: {  	p2 =	seq.s32 s10, $0x1;
	s10 =	sld [smem:$0x3FB3]  }
0x3d: {  	_ =	shalt  }
0x3e: {  	_ =	shalt  }
0x3f: {  	_ =	shalt  }
0x40: {  	_ =	shalt  }
0x41: {  	_ =	shalt  }
0x42: {  	_ =	shalt  }
0x43: {  	_ =	shalt  }
0x44: {  	_ =	shalt  }
0x45: {  	_ =	shalt  }
0x46: {  	_ =	shalt  }
0x47: {  	_ =	shalt  }
0x48: {  	_ =	shalt  }
0x49: {  	_ =	shalt  }
0x4a: {  	_ =	shalt  }
0x4b: {  	_ =	shalt  }
0x4c: {  	_ =	shalt  }
0x4d: {  	_ =	shalt  }
0x4e: {  	_ =	shalt  }
0x4f: {  	_ =	shalt  }
0x50: {  	_ =	shalt  }
0x51: {  	_ =	shalt  }
0x52: {  	_ =	shalt  }
0x53: {  	_ =	shalt  }
0x54: {  	_ =	shalt  }
0x55: {  	_ =	shalt  }
0x56: {  	_ =	shalt  }
0x57: {  	_ =	shalt  }
0x58: {  	_ =	shalt  }
0x59: {  	_ =	shalt  }
0x5a: {  	_ =	shalt  }
0x5b: {  	_ =	shalt  }
0x5c: {  	_ =	shalt  }
0x5d: {  	_ =	shalt  }
0x5e: {  	_ =	shalt  }
0x5f: {  	_ =	shalt  }
0x60: {  	_ =	shalt  }
0x61: {  	_ =	shalt  }
0x62: {  	_ =	shalt  }
0x63: {  	_ =	shalt  }
0x64: {  	_ =	shalt  }
0x65: {  	_ =	shalt  }
0x66: {  	_ =	shalt  }
0x67: {  	_ =	shalt  }
0x68: {  	_ =	shalt  }
0x69: {  	_ =	shalt  }
0x6a: {  	_ =	shalt  }
0x6b: {  	_ =	shalt  }
0x6c: {  	_ =	shalt  }
0x6d: {  	_ =	shalt  }
0x6e: {  	_ =	shalt  }
0x6f: {  	_ =	shalt  }
0x70: {  	_ =	shalt  }
0x71: {  	_ =	shalt  }
0x72: {  	_ =	shalt  }
0x73: {  	_ =	shalt  }
0x74: {  	_ =	shalt  }
0x75: {  	_ =	shalt  }
0x76: {  	_ =	shalt  }
0x77: {  	_ =	shalt  }
0x78: {  	_ =	shalt  }
0x79: {  	_ =	shalt  }
0x7a: {  	_ =	shalt  }
0x7b: {  	_ =	shalt  }
0x7c: {  	_ =	shalt  }
0x7d: {  	_ =	shalt  }
0x7e: {  	_ =	shalt  }
0x7f: {  	_ =	shalt  }
0x80: {  	_ =	shalt  }
0x81: {  	_ =	shalt  }
0x82: {  	_ =	shalt  }
0x83: {  	_ =	shalt  }
0x84: {  	_ =	shalt  }
0x85: {  	_ =	shalt  }
0x86: {  	_ =	shalt  }
0x87: {  	_ =	shalt  }
.Lfunc_end0:
.L_simem_size_0:
called_computation.1_lowered:
.L_overlay_start_0:
0x88: {  	s2 =	sld [smem:$0x3FD9]  }
0x89: {  	s3 =	sld [smem:$0x3FFE];
	_ =	sdelay $0x1  }
0x8a: {  	s1 =	srdreg.scid  }
0x8b: {  	s0 =	sand.u32 $0x1, s1  }
0x8c: {  	s16 =	sshll.u32 s0, $0xA;
	s2 =	sadd.s32 s3, s2  }
0x8d: {  	s2 =	sadd.s32 s2, s16  }
0x8e: {  	[smem:$0x3FBF] =	sst s2  }
0x8f: {  	_ = 	snop  }
0x90: {  	(tm) =	ssettm $0x1  }
0x91: {  	s17 =	sld [smem:$0x3FFB];
	_ =	sdelay $0x3  }
0x92: {  	_ =	strace s17  }
0x93: {  	s2 =	sld [smem:$0x3FFC];
	_ =	sdelay $0x3  }
0x94: {  	_ =	strace s2  }
0x95: {  	s2 =	sld [smem:$0x3FFD];
	_ =	sdelay $0x3  }
0x96: {  	_ =	strace s2  }
0x97: {  	_ =	strace $0x8FFFFFFF  }
0x98: {  	s18 =	sld [smem:$0x3FDB];
	_ =	sdelay $0x1  }
0x99: {  	s19 =	simm.s32 $_scs_section_size  }
0x9a: {  	s4 =	simm.s32 $_size__tile_overlayer_lowered;
	s5 =	simm.s32 $_tile_overlayer_lowered  }
0x9b: {  	s22 =	simm.s32 $0x1BFF;
	s21 =	sshll.u32 s5, $0x1;
	s2 =	sadd.s32 s19, s18  }
0x9c: {  	s6 =	simm.s32 $0x0;
	s20 =	sshll.u32 s4, $0x1;
	s4 =	sadd.s32 s21, s2  }
0x9d: {  	[timem:s6], [sflag:s22] =	dma.local [hbm:s4], s20  }
0x9e: {  	_ =	swait.ge [sflag:s22], s20  }
0x9f: {  	s3 =	ssub.s32 $0x0, s20;
	[sflag:s22] =	ssyncset.done $0x0  }
0xa0: {  	[sflag:s22] =	ssyncadd.s32 s3;
	_ =	sdelay $0x1  }
0xa1: {  	s23 =	simm.s32 $0x1B8B  }
0xa2: {  	_ =	swait.ge [sflag:s23], $0x1  }
0xa3: {  	[sflag:s23] =	ssyncset.done $0x0  }
0xa4: {  	s25 =	simm.s32 $0x1B8E;
	s24 =	sld [smem:$0x3FFE];
	[sflag:s23] =	ssyncadd.s32 $0xFFFFFFFF  }
0xa5: {  	s26 =	simm.s32 $execute0_lowered;
	[smem:$0x3FD2] =	sst s25  }
0xa6: {  	s4 =	sshll.u32 s26, $0x1;
	_ =	strace $0x80000046;
	[dreg:$0x1] =	wrdreg $0xFFFFFFFF  }
0xa7: {  	s28 =	simm.s32 $_size_execute0_lowered;
	s2 =	sadd.s32 s2, s4;
	[dreg:$0x0] =	wrdreg $0x0  }
0xa8: {  	s4 =	sshll.u32 s28, $0x1;
	[dreg:$0x2] =	wrdreg s2  }
0xa9: {  	[dreg:$0x3] =	wrdreg s4  }
0xaa: {  	[dreg:$0x4] =	wrdreg $0xC0  }
0xab: {  	_ =	task [dreg:s6], $0x5FFFF  }
0xac: {  	[dreg:$0x1] =	wrdreg $0xFFFFFFFF  }
0xad: {  	[dreg:$0x0] =	wrdreg $0x60  }
0xae: {  	[dreg:$0x2] =	wrdreg s24  }
0xaf: {  	[dreg:$0x3] =	wrdreg $0xC5000  }
0xb0: {  	[dreg:$0x4] =	wrdreg $0xA  }
0xb1: {  	_ =	task.clear_ibuf [dreg:s6], $0x5FFFF;
	_ =	strace $0x90000046  }
0xb2: {  	s29 =	simm.s32 $0xA;
	_ =	strace $0x80000048  }
0xb3: {  	_ =	swait.ge [sflag:s29], $0x1  }
0xb4: {  	[sflag:s29] =	ssyncadd.s32 $0xFFFFFFFF  }
0xb5: {  	_ =	strace $0x90000048  }
0xb6: {  	_ =	sfence  }
0xb7: {  	s30 =	sld [smem:$0x0];
	_ =	sdelay $0x2  }
0xb8: {  	s31 =	sshll.u32 s1, $0xD;
	s1 =	sshrl.u32 s1, $0x2  }
0xb9: {  	s3 =	sand.u32 $0x4000, s31;
	s1 =	sadd.s32 s1, s30  }
0xba: {  	s0 =	sor.u32 s3, s0;
	s1 =	sshll.u32 s1, $0x11  }
0xbb: {  	s0 =	sor.u32 s1, s0  }
0xbc: {  	s0 =	sadd.s32 $0x8F2B, s0  }
0xbd: {  	[sflag:s0] =	ssyncadd.remote.s32 $0x1  }
0xbe: {  	_ =	sfence.sel $0xFFFF  }
0xbf: {  	[dreg:$0x0] =	wrdreg $0xFFFFFFFF;
	(pc) =	sbr.abs _section_cstart, $3  }
0xc0: {  	[dreg:$0x1] =	wrdreg $0xFFFFFFFF  }
0xc1: {  	_ =	task.clear_ibuf [dreg:s6], $0x2FFFF;
	_ =	strace $0x9FFFFFFF  }
0xc2: {  	(tm) =	ssettm $0x7FFFFFFF  }
0xc3: {  	_ =	shalt  }
tec
execute0_lowered:
.L_overlay_start_1:
0x0: {  	(tag) =	ssettag $0x1  }
0x1: {  	s0 =	rddreg [dreg:$0x0]  }
0x2: {  	s2 =	srdreg.scid;
	s21 =	stileid.u32;
	s1 =	simm.s32 $0x0  }
0x3: {  	s6 =	sand.u32 $0x1, s2;
	[smem:$0x7FF] =	sst s1;
	s12 =	smul.u32 $0x14000, s21  }
0x4: {  	s22 =	sshll.u32 s21, $0x1;
	s14 =	sshllo.u32 s21, $0x3;
	s10 =	smul.u32 $0x138800, s6  }
0x5: {  	s4 =	sadd.s32 $0xBC00, s0;
	s9 =	sshll.u32 s21, $0x3;
	s20 =	smul.u32 $0x2800, s14  }
0x6: {  	s2 =	sor.u32 s6, s22;
	s23 =	ssub.s32 $0x2, s6;
	s6 =	smul.u32 $0x2710, s6  }
0x7: {  	s7 =	sadd.s32 $0x1E00, s0;
	s3 =	sor.u32 $0x1, s9;
	s5 =	smul.u32 $0x2710, s2  }
0x8: {  	p0 =	seq.s32 s21, $0xF;
	s17 =	sor.u32 $0x4, s9;
	s24 =	smul.u32 $0x2800, s3  }
0x9: {  	s8 =	sadd.s32 $0x3D200, s0;
	p4 =	sgt.u32 @!p0 s14, $0x7C;
	s18 =	smul.u32 $0x2800, s17  }
0xa: {  	p2 =	sgt.u32 s14, $0x7C;
	s11 =	sshrl.u32 s23, $0x1;
	s3 =	smul.u32 $0xA000, s3  }
0xb: {  	p4 =	por p4, p0;
	s2 =	ssub.s32 s23, s11;
	s12 =	sadd.s32 s10, s12  }
0xc: {  	s23 =	smul.u32 $0x4E20, s21;
	s11 =	sshrl.u32 s5, $0x3;
	s15 =	sadd.s32 s10, s24  }
0xd: {  	s5 =	sor.u32 $0x2, s9;
	s12 =	sshrl.u32 s12, $0x3;
	s18 =	sadd.s32 s10, s18  }
0xe: {  	s2 =	smax.u32 s2, $0x1;
	s3 =	sshrl.u32 s3, $0x2;
	s13 =	sadd.s32 s4, s11  }
0xf: {  	s15 =	sshrl.u32 s15, $0x3;
	s16 =	smul.u32 $0x2800, s5;
	s12 =	sadd.s32 s8, s12  }
0x10: {  	s18 =	sshrl.u32 s18, $0x3;
	s6 =	sadd.s32 s6, s23;
	[dreg:$0x3] =	wrdreg s13  }
0x11: {  	s13 =	sor.u32 $0x6, s9;
	[dreg:$0x4] =	wrdreg s12;
	s12 =	sor.u32 $0x3, s9  }
0x12: {  	s25 =	sadd.s32 s8, s15;
	s9 =	sor.u32 $0x5, s9;
	s28 =	smul.u32 $0x2800, s12  }
0x13: {  	s31 =	sadd.s32 s8, s18;
	s6 =	sadd.s32 $0x100, s6;
	s30 =	smul.u32 $0x2800, s9  }
0x14: {  	[dreg:$0x5] =	wrdreg s25;
	s26 =	sadd.s32 s10, s16;
	s19 =	smul.u32 $0x2800, s13  }
0x15: {  	[dreg:$0x8] =	wrdreg s31;
	s25 =	sadd.s32 s7, s11;
	s6 =	sshrl.u32 s6, $0x3  }
0x16: {  	p3 =	sgt.u32 @!p0 s13, $0x7C;
	p1 =	sgt.u32 s13, $0x7C;
	s15 =	sshrl.u32 s26, $0x3  }
0x17: {  	[dreg:$0xc] =	wrdreg s25;
	s26 =	sadd.s32 $0x10, s11;
	p3 =	por p3, p0  }
0x18: {  	s15 =	sadd.s32 s8, s15;
	s29 =	sadd.s32 s10, s28;
	s16 =	sadd.s32 s10, s30  }
0x19: {  	s22 =	sadd.s32 s10, s19;
	s10 =	sadd.s32 s10, s20;
	s28 =	sadd.s32 $0x4E0, s11  }
0x1a: {  	s19 =	rddreg [dreg:$0x1];
	s11 =	smul.u32 $0x50000, s21;
	s20 =	sadd.s32 $0x15A00, s0  }
0x1b: {  	s0 =	sadd.s32 $0x3CC00, s0;
	s21 =	smul.u32 $0xA000, s12;
	s12 =	simm.s32 $0x480  }
0x1c: {  	[dreg:$0x6] =	wrdreg s15;
	s15 =	sshrl.u32 s29, $0x3;
	s29 =	sadd.s32 s4, s26  }
0x1d: {  	s18 =	sshrl.u32 s16, $0x3;
	s30 =	sadd.s32 s4, s28;
	[dreg:$0xd] =	wrdreg s29  }
0x1e: {  	s16 =	sshrl.u32 s22, $0x3;
	s31 =	sadd.s32 s7, s28;
	[dreg:$0xf] =	wrdreg s30  }
0x1f: {  	s10 =	sshrl.u32 s10, $0x3;
	s4 =	sadd.s32 s6, s4;
	[dreg:$0x10] =	wrdreg s31  }
0x20: {  	s22 =	smul.u32 $0xA000, s17;
	s15 =	sadd.s32 s8, s15;
	[dreg:$0x12] =	wrdreg s4  }
0x21: {  	s3 =	sadd.s32 s3, s19;
	s24 =	sadd.s32 s8, s16;
	[dreg:$0x7] =	wrdreg s15  }
0x22: {  	s15 =	sadd.s32 s8, s18;
	s8 =	sadd.s32 s8, s10;
	s10 =	smul.u32 $0xA000, s13  }
0x23: {  	s28 =	sshrl.u32 s21, $0x2;
	[dreg:$0xa] =	wrdreg s24;
	s13 =	smul.u32 $0xA000, s14  }
0x24: {  	s14 =	sshrl.u32 s11, $0x2;
	s29 =	sshrl.u32 s22, $0x2;
	[dreg:$0x9] =	wrdreg s15  }
0x25: {  	s11 =	simm.s32 $0x400;
	[dreg:$0xb] =	wrdreg s8;
	s8 =	sadd.s32 s7, s26  }
0x26: {  	s7 =	sadd.s32 s6, s7;
	s23 =	sadd.s32 s14, s19;
	s15 =	smul.u32 $0xA000, s5  }
0x27: {  	s26 =	smul.u32 $0xA000, s9;
	s5 =	simm.s32 $0x500;
	s6 =	simm.s32 $0x4  }
0x28: {  	s9 =	simm.s32 $0x2;
	s14 =	simm.s32 $0x4500;
	[dreg:$0xe] =	wrdreg s8  }
0x29: {  	[dreg:$0x11] =	wrdreg s7;
	s16 =	sshrl.u32 s10, $0x2;
	s18 =	sshrl.u32 s13, $0x2  }
0x2a: {  	s17 =	sadd.s32 $0x2800, s23;
	s4 =	sadd.s32 $0xC800, s23;
	s7 =	simm.s32 $0x80  }
0x2b: {  	s8 =	simm.s32 $0x1;
	_ =	strace $0x80000047;
	[dreg:$0x13] =	wrdreg s0  }
0x2c: {  	s10 =	simm.s32 $0x3;
	s13 =	simm.s32 $0x10;
	[dreg:$0x14] =	wrdreg s2  }
0x2d: {  	s24 =	sadd.s32 s16, s19;
	s0 =	sshrl.u32 s15, $0x2;
	[dreg:$0x15] =	wrdreg s3  }
.Ltmp0:
0x2e: {  	s30 =	sshrl.u32 s26, $0x2;
	s0 =	sadd.s32 s0, s19;
	(pc) =	sbr.rel .LBB2_1-.Ltmp0, $4  }
0x2f: {  	s25 =	sadd.s32 s18, s19;
	s31 =	sadd.s32 s30, s19;
	[dreg:$0x16] =	wrdreg s0  }
0x30: {  	s2 =	sadd.s32 $0x7800, s23;
	s0 =	sadd.s32 s28, s19;
	[dreg:$0x19] =	wrdreg s31  }
0x31: {  	s3 =	sadd.s32 $0xA000, s23;
	[dreg:$0x17] =	wrdreg s0;
	s0 =	sadd.s32 s29, s19  }
0x32: {  	s15 =	simm.s32 $0x0;
	[dreg:$0x18] =	wrdreg s0;
	s0 =	sadd.s32 $0x5000, s23  }
.LBB2_5:
0x33: {  	_ =	swait.ge [sflag:s10], $0x4000  }
0x34: {  	[sflag:s10] =	ssyncset.done $0x0  }
0x35: {  	[sflag:s10] =	ssyncadd.s32 $0xFFFFC000  }
0x36: {  	_ =	swait.ge [sflag:s10], $0x4000  }
0x37: {  	[sflag:s10] =	ssyncset.done $0x0  }
0x38: {  	s16 =	rddreg [dreg:$0xf];
	[sflag:s10] =	ssyncadd.s32 $0xFFFFC000  }
0x39: {  	[tilespmem:s11], [sflag:$0x4] =	stream.linear.gather [hbm4b:s16+s1], $0x10, $0x38;
	[tilespmem:$0x1FD80] =	vst v63  }
0x3a: {  	_ =	swait.ge [sflag:s6], $0x10  }
0x3b: {  	[sflag:s6] =	ssyncset.done $0x0  }
0x3c: {  	s29 =	rddreg [dreg:$0x10];
	[sflag:s6] =	ssyncadd.s32 $0xFFFFFFF0  }
0x3d: {  	[tilespmem:s12], [sflag:$0x4] =	stream.linear.gather [hbm4b:s29+s1], $0x10, $0x38;
	[tilespmem:$0x1FD80] =	vst v63  }
0x3e: {  	_ =	swait.ge [sflag:s6], $0x10  }
0x3f: {  	[sflag:s6] =	ssyncset.done $0x0  }
0x40: {  	[sflag:s6] =	ssyncadd.s32 $0xFFFFFFF0  }
0x41: {  	[tilespmem:s5], [sflag:$0x2] =	stream.indirect.gather [hbm4b:s20+s13], $0x80, s11, s13, $0xb8;
	[tilespmem:$0x1FD80] =	vst v63  }
0x42: {  	_ =	swait.ge [sflag:s9], $0x800  }
0x43: {  	[sflag:s9] =	ssyncset.done $0x0  }
0x44: {  	[sflag:s9] =	ssyncadd.s32 $0xFFFFF800  }
0x45: {  	[spmem:s19] =	stream.indirect.scatter.add.f32 [tilespmem:s5], [sflag:$0x4], $0x80, s12, s13, $0xb8;
	[tilespmem:$0x1FD80] =	vst v63  }
0x46: {  	_ =	swait.ge [sflag:s6], $0x800  }
0x47: {  	[sflag:s6] =	ssyncset.done $0x0  }
0x48: {  	[sflag:s6] =	ssyncadd.s32 $0xFFFFF800  }
0x49: {  	[bflag:$0x0] =	sbarrier.arrive $0xFFFF  }
0x4a: {  	[tilespmem:s5], [sflag:$0x4] =	stream.linear.gather [spmem:s23], $0x2800, $0x38;
	[tilespmem:$0x1FD80] =	vst v63  }
0x4b: {  	_ =	swait.ge [sflag:s6], $0x2800  }
0x4c: {  	[sflag:s6] =	ssyncset.done $0x0  }
0x4d: {  	s30 =	rddreg [dreg:$0x4];
	[sflag:s6] =	ssyncadd.s32 $0xFFFFD800  }
0x4e: {  	[hbm4b:s30+s1] =	stream.linear.scatter [tilespmem:s5], [sflag:$0x3], $0x2800, $0x38;
	[tilespmem:$0x1FD80] =	vst v63  }
0x4f: {  	s31 =	rddreg [dreg:$0x15]  }
0x50: {  	[tilespmem:s14], [sflag:$0x4] =	stream.linear.gather [spmem:s31], $0x2800, $0x38;
	[tilespmem:$0x1FD80] =	vst v63  }
0x51: {  	_ =	swait.ge [sflag:s6], $0x2800  }
0x52: {  	[sflag:s6] =	ssyncset.done $0x0  }
0x53: {  	s18 =	rddreg [dreg:$0x5];
	[sflag:s6] =	ssyncadd.s32 $0xFFFFD800  }
0x54: {  	[hbm4b:s18+s1] =	stream.linear.scatter [tilespmem:s14], [sflag:$0x3], $0x2800, $0x38;
	[tilespmem:$0x1FD80] =	vst v63  }
0x55: {  	_ =	swait.ge [sflag:s10], $0x2800  }
0x56: {  	[sflag:s10] =	ssyncset.done $0x0  }
0x57: {  	s21 =	rddreg [dreg:$0x16];
	[sflag:s10] =	ssyncadd.s32 $0xFFFFD800  }
0x58: {  	[tilespmem:s5], [sflag:$0x4] =	stream.linear.gather [spmem:s21], $0x2800, $0x38;
	[tilespmem:$0x1FD80] =	vst v63  }
0x59: {  	_ =	swait.ge [sflag:s6], $0x2800  }
0x5a: {  	[sflag:s6] =	ssyncset.done $0x0  }
0x5b: {  	s22 =	rddreg [dreg:$0x6];
	[sflag:s6] =	ssyncadd.s32 $0xFFFFD800  }
0x5c: {  	[hbm4b:s22+s1] =	stream.linear.scatter [tilespmem:s5], [sflag:$0x3], $0x2800, $0x38;
	[tilespmem:$0x1FD80] =	vst v63  }
0x5d: {  	_ =	swait.ge [sflag:s10], $0x2800  }
0x5e: {  	[sflag:s10] =	ssyncset.done $0x0  }
0x5f: {  	s26 =	rddreg [dreg:$0x17];
	[sflag:s10] =	ssyncadd.s32 $0xFFFFD800  }
0x60: {  	[tilespmem:s14], [sflag:$0x4] =	stream.linear.gather [spmem:s26], $0x2800, $0x38;
	[tilespmem:$0x1FD80] =	vst v63  }
0x61: {  	_ =	swait.ge [sflag:s6], $0x2800  }
0x62: {  	[sflag:s6] =	ssyncset.done $0x0  }
0x63: {  	s28 =	rddreg [dreg:$0x7];
	[sflag:s6] =	ssyncadd.s32 $0xFFFFD800  }
0x64: {  	[hbm4b:s28+s1] =	stream.linear.scatter [tilespmem:s14], [sflag:$0x3], $0x2800, $0x38;
	[tilespmem:$0x1FD80] =	vst v63  }
0x65: {  	_ =	swait.ge [sflag:s10], $0x2800  }
0x66: {  	[sflag:s10] =	ssyncset.done $0x0  }
0x67: {  	s29 =	rddreg [dreg:$0x18];
	[sflag:s10] =	ssyncadd.s32 $0xFFFFD800  }
0x68: {  	[tilespmem:s5], [sflag:$0x4] =	stream.linear.gather [spmem:s29], $0x2800, $0x38;
	[tilespmem:$0x1FD80] =	vst v63  }
0x69: {  	_ =	swait.ge [sflag:s6], $0x2800  }
0x6a: {  	[sflag:s6] =	ssyncset.done $0x0  }
0x6b: {  	s30 =	rddreg [dreg:$0x8];
	[sflag:s6] =	ssyncadd.s32 $0xFFFFD800  }
0x6c: {  	[hbm4b:s30+s1] =	stream.linear.scatter [tilespmem:s5], [sflag:$0x3], $0x2800, $0x38;
	[tilespmem:$0x1FD80] =	vst v63  }
0x6d: {  	_ =	swait.ge [sflag:s10], $0x2800  }
0x6e: {  	[sflag:s10] =	ssyncset.done $0x0  }
0x6f: {  	s16 =	simm.s32 @!p0 $0x4500;
	s18 =	rddreg [dreg:$0x19];
	[sflag:s10] =	ssyncadd.s32 $0xFFFFD800  }
0x70: {  	[tilespmem:s16], [sflag:$0x4] =	stream.linear.gather @!p0 [spmem:s18], $0x2800, $0x38;
	[tilespmem:$0x1FD80] =	vst v63  }
0x71: {  	s18 =	simm.s32 @!p0 $0x4  }
0x72: {  	_ =	swait.ge @!p0 [sflag:s18], $0x2800  }
0x73: {  	[sflag:s18] =	ssyncset.done @!p0 $0x0  }
0x74: {  	s21 =	rddreg [dreg:$0x9];
	[sflag:s18] =	ssyncadd.s32 @!p0 $0xFFFFD800;
	s18 =	simm.s32 @!p0 $0x0  }
0x75: {  	[hbm4b:s21+s18] =	stream.linear.scatter @!p0 [tilespmem:s16], [sflag:$0x3], $0x2800, $0x38;
	[tilespmem:$0x1FD80] =	vst v63  }
0x76: {  	_ =	swait.ge [sflag:s10], $0x2800  }
0x77: {  	[sflag:s10] =	ssyncset.done $0x0  }
0x78: {  	s16 =	simm.s32 @!p1 $0x500;
	s18 =	simm.s32 @!p1 $0x4;
	[sflag:s10] =	ssyncadd.s32 $0xFFFFD800  }
0x79: {  	[tilespmem:s16], [sflag:$0x4] =	stream.linear.gather @!p1 [spmem:s24], $0x2800, $0x38;
	[tilespmem:$0x1FD80] =	vst v63  }
0x7a: {  	_ =	swait.ge @!p1 [sflag:s18], $0x2800  }
0x7b: {  	[sflag:s18] =	ssyncset.done @!p1 $0x0  }
0x7c: {  	s21 =	rddreg [dreg:$0xa];
	[sflag:s18] =	ssyncadd.s32 @!p1 $0xFFFFD800;
	s18 =	simm.s32 @!p1 $0x0  }
0x7d: {  	[hbm4b:s21+s18] =	stream.linear.scatter @!p1 [tilespmem:s16], [sflag:$0x3], $0x2800, $0x38;
	[tilespmem:$0x1FD80] =	vst v63  }
0x7e: {  	s16 =	simm.s32 @!p0 $0x3  }
0x7f: {  	_ =	swait.ge @!p0 [sflag:s16], $0x2800  }
0x80: {  	[sflag:s16] =	ssyncset.done @!p0 $0x0  }
0x81: {  	s18 =	simm.s32 @!p2 $0x4500;
	s21 =	simm.s32 @!p2 $0x4;
	[sflag:s16] =	ssyncadd.s32 @!p0 $0xFFFFD800  }
0x82: {  	[tilespmem:s18], [sflag:$0x4] =	stream.linear.gather @!p2 [spmem:s25], $0x2800, $0x38;
	[tilespmem:$0x1FD80] =	vst v63  }
0x83: {  	_ =	swait.ge @!p2 [sflag:s21], $0x2800  }
0x84: {  	[sflag:s21] =	ssyncset.done @!p2 $0x0  }
0x85: {  	s22 =	rddreg [dreg:$0xb];
	[sflag:s21] =	ssyncadd.s32 @!p2 $0xFFFFD800;
	s21 =	simm.s32 @!p2 $0x0  }
0x86: {  	[hbm4b:s22+s21] =	stream.linear.scatter @!p2 [tilespmem:s18], [sflag:$0x3], $0x2800, $0x38;
	[tilespmem:$0x1FD80] =	vst v63  }
0x87: {  	_ =	swait.ge @!p0 [sflag:s16], $0x2800  }
0x88: {  	[sflag:s16] =	ssyncset.done @!p0 $0x0  }
0x89: {  	[sflag:s16] =	ssyncadd.s32 @!p0 $0xFFFFD800  }
0x8a: {  	_ =	swait.ge @!p0 [sflag:s16], $0x2800  }
0x8b: {  	s15 =	sadd.s32 $0x1, s15;
	s31 =	rddreg [dreg:$0x14]  }
0x8c: {  	p5 =	sne.s32 s15, s31  }
.Ltmp1:
0x8d: {  	_ = 	snop;
	(pc) =	sbr.rel @!p5 .LBB2_6-.Ltmp1, $3  }
0x8e: {  	_ =	sdelay $0x1  }
0x8f: {  	[sflag:s16] =	ssyncset.done @!p0 $0x0  }
0x90: {  	[sflag:s16] =	ssyncadd.s32 @!p0 $0xFFFFD800  }
.LBB2_1:
0x91: {  	s16 =	rddreg [dreg:$0x13]  }
0x92: {  	[tilespmem:s5], [sflag:$0x4] =	stream.linear.gather [hbm4b:s16+s1], $0x2800, $0x38;
	[tilespmem:$0x1FD80] =	vst v63  }
0x93: {  	_ =	swait.ge [sflag:s6], $0x2800  }
0x94: {  	[sflag:s6] =	ssyncset.done $0x0  }
0x95: {  	[sflag:s6] =	ssyncadd.s32 $0xFFFFD800  }
0x96: {  	[spmem:s23] =	stream.linear.scatter [tilespmem:s5], [sflag:$0x4], $0x2800, $0x38;
	[tilespmem:$0x1FD80] =	vst v63  }
0x97: {  	_ =	swait.ge [sflag:s6], $0x2800  }
0x98: {  	[sflag:s6] =	ssyncset.done $0x0  }
0x99: {  	[sflag:s6] =	ssyncadd.s32 $0xFFFFD800  }
0x9a: {  	[spmem:s17] =	stream.linear.scatter [tilespmem:s5], [sflag:$0x4], $0x2800, $0x38;
	[tilespmem:$0x1FD80] =	vst v63  }
0x9b: {  	_ =	swait.ge [sflag:s6], $0x2800  }
0x9c: {  	[sflag:s6] =	ssyncset.done $0x0  }
0x9d: {  	[sflag:s6] =	ssyncadd.s32 $0xFFFFD800  }
0x9e: {  	[spmem:s0] =	stream.linear.scatter [tilespmem:s5], [sflag:$0x4], $0x2800, $0x38;
	[tilespmem:$0x1FD80] =	vst v63  }
0x9f: {  	_ =	swait.ge [sflag:s6], $0x2800  }
0xa0: {  	[sflag:s6] =	ssyncset.done $0x0  }
0xa1: {  	[sflag:s6] =	ssyncadd.s32 $0xFFFFD800  }
0xa2: {  	[spmem:s2] =	stream.linear.scatter [tilespmem:s5], [sflag:$0x4], $0x2800, $0x38;
	[tilespmem:$0x1FD80] =	vst v63  }
0xa3: {  	_ =	swait.ge [sflag:s6], $0x2800  }
0xa4: {  	[sflag:s6] =	ssyncset.done $0x0  }
0xa5: {  	[sflag:s6] =	ssyncadd.s32 $0xFFFFD800  }
0xa6: {  	[spmem:s3] =	stream.linear.scatter [tilespmem:s5], [sflag:$0x4], $0x2800, $0x38;
	[tilespmem:$0x1FD80] =	vst v63  }
0xa7: {  	_ =	swait.ge [sflag:s6], $0x2800  }
0xa8: {  	[sflag:s6] =	ssyncset.done $0x0  }
0xa9: {  	s16 =	simm.s32 @!p0 $0x500;
	[sflag:s6] =	ssyncadd.s32 $0xFFFFD800  }
0xaa: {  	[spmem:s4] =	stream.linear.scatter @!p0 [tilespmem:s16], [sflag:$0x4], $0x2800, $0x38;
	[tilespmem:$0x1FD80] =	vst v63  }
0xab: {  	s16 =	simm.s32 @!p0 $0x4  }
0xac: {  	_ =	swait.ge @!p0 [sflag:s16], $0x2800  }
0xad: {  	[sflag:s16] =	ssyncset.done @!p0 $0x0  }
0xae: {  	[sflag:s16] =	ssyncadd.s32 @!p0 $0xFFFFD800;
	s16 =	simm.s32 @!p3 $0x500  }
0xaf: {  	[spmem:s24] =	stream.linear.scatter @!p3 [tilespmem:s16], [sflag:$0x4], $0x2800, $0x38;
	[tilespmem:$0x1FD80] =	vst v63  }
0xb0: {  	s16 =	simm.s32 @!p3 $0x4  }
0xb1: {  	_ =	swait.ge @!p3 [sflag:s16], $0x2800  }
0xb2: {  	[sflag:s16] =	ssyncset.done @!p3 $0x0  }
0xb3: {  	[sflag:s16] =	ssyncadd.s32 @!p3 $0xFFFFD800;
	s16 =	simm.s32 @!p4 $0x500  }
0xb4: {  	[spmem:s25] =	stream.linear.scatter @!p4 [tilespmem:s16], [sflag:$0x4], $0x2800, $0x38;
	[tilespmem:$0x1FD80] =	vst v63  }
0xb5: {  	s16 =	simm.s32 @!p4 $0x4  }
0xb6: {  	_ =	swait.ge @!p4 [sflag:s16], $0x2800  }
0xb7: {  	[sflag:s16] =	ssyncset.done @!p4 $0x0  }
0xb8: {  	s29 =	rddreg [dreg:$0x3];
	[sflag:s16] =	ssyncadd.s32 @!p4 $0xFFFFD800  }
0xb9: {  	[tilespmem:s1], [sflag:$0x1] =	stream.linear.gather [hbm4b:s29+s1], $0x80, $0x38;
	[tilespmem:$0x1FD80] =	vst v63  }
0xba: {  	s18 =	rddreg [dreg:$0xc];
	s16 =	simm.s32 $0x200  }
0xbb: {  	[tilespmem:s16], [sflag:$0x1] =	stream.linear.gather [hbm4b:s18+s1], $0x80, $0x38;
	[tilespmem:$0x1FD80] =	vst v63  }
0xbc: {  	s30 =	rddreg [dreg:$0xd]  }
0xbd: {  	[tilespmem:s7], [sflag:$0x1] =	stream.linear.gather [hbm4b:s30+s1], $0x80, $0x38;
	[tilespmem:$0x1FD80] =	vst v63  }
0xbe: {  	s21 =	simm.s32 $0x280;
	s31 =	rddreg [dreg:$0xe]  }
0xbf: {  	[tilespmem:s21], [sflag:$0x1] =	stream.linear.gather [hbm4b:s31+s1], $0x80, $0x38;
	[tilespmem:$0x1FD80] =	vst v63  }
0xc0: {  	_ =	swait.ge [sflag:s8], $0x80  }
0xc1: {  	[sflag:s8] =	ssyncset.done $0x0  }
0xc2: {  	[sflag:s8] =	ssyncadd.s32 $0xFFFFFF80  }
0xc3: {  	_ =	swait.ge [sflag:s8], $0x80  }
0xc4: {  	[sflag:s8] =	ssyncset.done $0x0  }
.Ltmp2:
0xc5: {  	[sflag:s8] =	ssyncadd.s32 $0xFFFFFF80;
	(pc) =	sbr.rel .LBB2_2-.Ltmp2, $4  }
0xc6: {  	[tilespmem:s5], [sflag:$0x2] =	stream.indirect.gather [hbm4b:s20+s7], $0x80, s1, s7, $0xb8;
	[tilespmem:$0x1FD80] =	vst v63  }
0xc7: {  	[bflag:$0x0] =	sbarrier.arrive $0xFFFF  }
0xc8: {  	s21 =	rddreg [dreg:$0x12]  }
0xc9: {  	s26 =	simm.s32 $0x0;
	s18 =	simm.s32 $0x100;
	s22 =	rddreg [dreg:$0x11]  }
.LBB2_4:
0xca: {  	s29 =	sshrl.u32 s29, $0x9  }
0xcb: {  	s29 =	sand.u32 $0x7F, s29  }
0xcc: {  	s29 =	smul.u32 $0x3, s29  }
0xcd: {  	s31 =	sadd.s32 $0xFFFFFE00, s16;
	_ =	swait.ge [sflag:s9], $0x4000;
	s18 =	sadd.s32 $0x80, s18  }
0xce: {  	p5 =	sne.s32 s28, $0x4E;
	s22 =	sadd.s32 $0x10, s22;
	s26 =	ssub.s32 s26, s29  }
.Ltmp3:
0xcf: {  	s29 =	sand.u32 $0x600, s31;
	s26 =	sand.u32 $0xFF, s26;
	(pc) =	sbr.rel @!p5 .LBB2_5-.Ltmp3, $4  }
0xd0: {  	[sflag:s9] =	ssyncset.done $0x0;
	s29 =	sshrl.u32 s29, $0x2;
	s26 =	sshll.u32 s26, $0xE  }
0xd1: {  	[sflag:s9] =	ssyncadd.s32 $0xFFFFC000;
	s29 =	sor.u32 $0x200, s29;
	s26 =	sor.u32 $0x500, s26  }
0xd2: {  	[spmem:s19] =	stream.indirect.scatter.add.f32 [tilespmem:s26], [sflag:$0x3], $0x80, s29, s7, $0xb8;
	[tilespmem:$0x1FD80] =	vst v63  }
0xd3: {  	s21 =	sadd.s32 $0x10, s21;
	s16 =	sadd.s32 $0x200, s16;
	s26 =	smov.u32 s28  }
.LBB2_2:
0xd4: {  	p5 =	slt.u32 s26, $0x2  }
0xd5: {  	p6 =	seq.s32 @!p5 s26, $0x4D  }
0xd6: {  	p6 =	por p5, !p6  }
.Ltmp4:
0xd7: {  	_ = 	snop;
	(pc) =	sbr.rel @!p6 .LBB2_4-.Ltmp4, $4  }
0xd8: {  	s30 =	simm.s32 @!p5 $0x3  }
0xd9: {  	_ =	swait.ge @!p5 [sflag:s30], $0x4000  }
0xda: {  	s29 =	smul.u32 $0xAB, s26;
	[sflag:s30] =	ssyncset.done @!p5 $0x0  }
0xdb: {  	s28 =	sadd.s32 $0x1, s26;
	[sflag:s30] =	ssyncadd.s32 @!p5 $0xFFFFC000  }
0xdc: {  	s30 =	sadd.s32 $0xAB, s29  }
0xdd: {  	s30 =	sshrl.u32 s30, $0x9  }
0xde: {  	s30 =	sand.u32 $0x7F, s30  }
0xdf: {  	_ =	swait.ge [sflag:s8], $0x80;
	s30 =	smul.u32 $0x3, s30  }
0xe0: {  	[sflag:s8] =	ssyncset.done $0x0  }
0xe1: {  	[sflag:s8] =	ssyncadd.s32 $0xFFFFFF80;
	s30 =	ssub.s32 s28, s30  }
0xe2: {  	_ =	swait.ge [sflag:s8], $0x80;
	s30 =	sand.u32 $0xFF, s30  }
0xe3: {  	s31 =	sand.u32 $0x600, s16;
	[sflag:s8] =	ssyncset.done $0x0;
	s30 =	sshll.u32 s30, $0xE  }
0xe4: {  	s31 =	sshrl.u32 s31, $0x2;
	[sflag:s8] =	ssyncadd.s32 $0xFFFFFF80;
	s30 =	sor.u32 $0x500, s30  }
0xe5: {  	[tilespmem:s30], [sflag:$0x2] =	stream.indirect.gather [hbm4b:s20+s7], $0x80, s31, s7, $0xb8;
	[tilespmem:$0x1FD80] =	vst v63  }
.Ltmp5:
0xe6: {  	p5 =	sgt.u32 s26, $0x4B;
	(pc) =	sbr.rel .LBB2_4-.Ltmp5, $4  }
0xe7: {  	s30 =	sand.u32 @!p5 $0x180, s18;
	s31 =	simm.s32 @!p5 $0x0  }
0xe8: {  	[tilespmem:s30], [sflag:$0x1] =	stream.linear.gather @!p5 [hbm4b:s21+s31], $0x80, $0x38;
	[tilespmem:$0x1FD80] =	vst v63  }
0xe9: {  	s30 =	sor.u32 @!p5 $0x200, s30  }
0xea: {  	[tilespmem:s30], [sflag:$0x1] =	stream.linear.gather @!p5 [hbm4b:s22+s31], $0x80, $0x38;
	[tilespmem:$0x1FD80] =	vst v63  }
.LBB2_6:
0xeb: {  	_ =	sfence.sel $0x180000  }
0xec: {  	[bflag:$0x0] =	sbarrier.arrive $0xFFFF  }
0xed: {  	_ =	strace $0x90000047  }
0xee: {  	s0 =	stileid.u32;
	[bflag:$0x2] =	sbarrier.arrive $0xFFFF  }
0xef: {  	p0 =	sne.s32 s0, $0x0;
	s0 =	rddreg [dreg:$0x2]  }
0xf0: {  	s0 =	sadd.s32 @!p0 $0x100000, s0  }
0xf1: {  	[sflag:s0] =	ssyncadd.tile.s32 @!p0 $0x1;
	_ =	shalt  }
.Lfunc_end2:
_tile_overlayer_lowered:
.L_overlay_start_2:
0xf2: {  	(tag) =	ssettag $0x2  }
0xf3: {  	s0 =	rddreg [dreg:$0x0];
	s2 =	stileid.u32  }
0xf4: {  	s1 =	rddreg [dreg:$0x1];
	p0 =	sne.s32 s2, $0x0  }
0xf5: {  	s3 =	rddreg [dreg:$0x2];
	[bflag:$0x3] =	sbarrier.arrive $0xFFFF;
	s2 =	simm.s32 @!p0 $0x1C04  }
0xf6: {  	[timem:s3], [sflag:s2] =	dma.local @!p0 [hbm:s0], s1  }
0xf7: {  	s0 =	simm.s32 @!p0 $0x4  }
0xf8: {  	_ =	swait.ge @!p0 [sflag:s0], s1  }
0xf9: {  	s1 =	ssub.s32 @!p0 $0x0, s1;
	[sflag:s0] =	ssyncset.done @!p0 $0x0  }
0xfa: {  	[sflag:s0] =	ssyncadd.s32 @!p0 s1  }
0xfb: {  	[bflag:$0x3] =	sbarrier.arrive $0xFFFF  }
0xfc: {  	_ =	shalt  }

// kernel: kernel.14.cloned.1.call-start
scs
__scs_entry_jumppad:
0x0: {  	(pc) =	sbr.rel $0x88, $3  }
0x1: {  	(tag) =	ssettag $0x0;
	lr =	simm.s32 $0x1  }
0x2: {  	[smem:$0x3F98] =	sst lr;
	_ =	strace $0xD0000000  }
0x3: {  	_ = 	snop  }
0x4: {  	_ = 	snop  }
0x5: {  	_ = 	snop  }
0x6: {  	_ = 	snop  }
0x7: {  	_ = 	snop  }
__scs_overlays_trampoline_lowered:
0x8: {  	[smem:$0x3FA7] =	sst s0  }
0x9: {  	[smem:$0x3FA8] =	sst s1  }
0xa: {  	[smem:$0x3FA9] =	sst s2  }
0xb: {  	[smem:$0x3FAA] =	sst s3  }
0xc: {  	[smem:$0x3FAB] =	sst s4  }
0xd: {  	[smem:$0x3FAC] =	sst s5  }
0xe: {  	[smem:$0x3FAD] =	sst s6  }
0xf: {  	[smem:$0x3FAE] =	sst s7  }
0x10: {  	[smem:$0x3FAF] =	sst s8  }
0x11: {  	[smem:$0x3FB0] =	sst s9;
	s0 =	simm.s32 @!p0 $0x0  }
0x12: {  	s1 =	sld [smem:$0x3F96];
	s0 =	simm.s32 @p0 $0x1  }
0x13: {  	[smem:$0x3FB1] =	sst s0;
	s0 =	simm.s32 @!p1 $0x0  }
0x14: {  	s2 =	sld [smem:$0x3F95];
	s0 =	simm.s32 @p1 $0x1  }
0x15: {  	[smem:$0x3FB2] =	sst s0;
	s0 =	simm.s32 @!p2 $0x0  }
0x16: {  	s3 =	sld [smem:$0x3FDB];
	s0 =	simm.s32 @p2 $0x1  }
0x17: {  	s4 =	simm.s32 $0x1BF5;
	[smem:$0x3FB4] =	sst s0  }
0x18: {  	s0 =	sld [smem:$0x3F97];
	_ =	swait.ge [sflag:s4], $0x0  }
0x19: {  	s7 =	sld [smem:$0x3F98]  }
0x1a: {  	s8 =	sadd.s32 $0xFFFFE003, lr  }
0x1b: {  	s9 =	sadd.s32 $0xFFFFFEF7, lr;
	s5 =	simm.s32 $0xFFFFFFFF;
	p2 =	slt.u32 s8, $0xFFFFF086  }
0x1c: {  	p1 =	slt.u32 s9, $0xF7A;
	s5 =	simm.s32 @!p2 $0x0  }
0x1d: {  	s5 =	simm.s32 @p1 $0x1;
	p0 =	seq.s32 s7, s2  }
0x1e: {  	s7 =	smul.u32 @!p0 $0xF7A, s2;
	p2 =	seq.s32 @!p0 s5, $0x0  }
0x1f: {  	s9 =	smul.u32 $0xF7A, s1;
	s8 =	simm.s32 @!p0 $0x1BF5;
	p2 =	por !p2, p0  }
0x20: {  	[sflag:s8] =	ssyncset.s32 @!p0 $0xFFFFF086;
	s6 =	sadd.s32 @!p0 s3, s7;
	s7 =	simm.s32 @!p0 $0x108  }
0x21: {  	s3 =	sadd.s32 s3, s9;
	s6 =	sadd.s32 @!p0 $0x88, s6;
	s7 =	simm.s32 @p2 $0x1082  }
0x22: {  	[simem:s7], [sflag:s8] =	dma.local @!p0 [hbm:s6], $0xF7A  }
0x23: {  	s9 =	sor.u32 $0xD0000000, s2;
	s6 =	simm.s32 $0x108;
	_ =	swait.ge @!p0 [sflag:s8], $0x0  }
0x24: {  	s3 =	sadd.s32 $0x88, s3;
	s6 =	simm.s32 @!p1 $0x1082;
	[sflag:s4] =	ssyncset.s32 $0xFFFFF086  }
0x25: {  	[simem:s6], [sflag:s4] =	dma.local [hbm:s3], $0xF7A  }
0x26: {  	[smem:$0x3F98] =	sst s1;
	(tag) =	ssettag s2;
	_ =	strace s9  }
0x27: {  	s1 =	sld [smem:$0x3FA8]  }
0x28: {  	s2 =	sld [smem:$0x3FA9]  }
0x29: {  	s4 =	sld [smem:$0x3FAB]  }
0x2a: {  	p0 =	seq.s32 s5, $0x0;
	s5 =	sld [smem:$0x3FAC]  }
0x2b: {  	s6 =	sld [smem:$0x3FAD]  }
0x2c: {  	s7 =	sld [smem:$0x3FAE]  }
0x2d: {  	s3 =	simm.s32 $0x108;
	s8 =	sld [smem:$0x3FAF]  }
0x2e: {  	s3 =	simm.s32 @!p0 $0x1082;
	s9 =	sld [smem:$0x3FB0]  }
0x2f: {  	lr =	sadd.s32 s0, s3;
	s0 =	sld [smem:$0x3FA7]  }
0x30: {  	s3 =	sld [smem:$0x3FAA]  }
0x31: {  	[smem:$0x3FB3] =	sst s10  }
0x32: {  	s10 =	sld [smem:$0x3FB1];
	_ =	sdelay $0x3  }
0x33: {  	p0 =	seq.s32 s10, $0x1;
	s10 =	sld [smem:$0x3FB3];
	_ =	sdelay $0x3  }
0x34: {  	[smem:$0x3FB3] =	sst s10  }
0x35: {  	s10 =	sld [smem:$0x3FB2];
	_ =	sdelay $0x3  }
0x36: {  	p1 =	seq.s32 s10, $0x1;
	s10 =	sld [smem:$0x3FB3];
	_ =	sdelay $0x3  }
0x37: {  	[smem:$0x3FB3] =	sst s10  }
0x38: {  	s10 =	sld [smem:$0x3FB4]  }
0x39: {  	_ = 	snop;
	(pc) =	sbr.ind lr, $3  }
0x3a: {  	_ = 	snop  }
0x3b: {  	_ = 	snop  }
0x3c: {  	p2 =	seq.s32 s10, $0x1;
	s10 =	sld [smem:$0x3FB3]  }
0x3d: {  	_ =	shalt  }
0x3e: {  	_ =	shalt  }
0x3f: {  	_ =	shalt  }
0x40: {  	_ =	shalt  }
0x41: {  	_ =	shalt  }
0x42: {  	_ =	shalt  }
0x43: {  	_ =	shalt  }
0x44: {  	_ =	shalt  }
0x45: {  	_ =	shalt  }
0x46: {  	_ =	shalt  }
0x47: {  	_ =	shalt  }
0x48: {  	_ =	shalt  }
0x49: {  	_ =	shalt  }
0x4a: {  	_ =	shalt  }
0x4b: {  	_ =	shalt  }
0x4c: {  	_ =	shalt  }
0x4d: {  	_ =	shalt  }
0x4e: {  	_ =	shalt  }
0x4f: {  	_ =	shalt  }
0x50: {  	_ =	shalt  }
0x51: {  	_ =	shalt  }
0x52: {  	_ =	shalt  }
0x53: {  	_ =	shalt  }
0x54: {  	_ =	shalt  }
0x55: {  	_ =	shalt  }
0x56: {  	_ =	shalt  }
0x57: {  	_ =	shalt  }
0x58: {  	_ =	shalt  }
0x59: {  	_ =	shalt  }
0x5a: {  	_ =	shalt  }
0x5b: {  	_ =	shalt  }
0x5c: {  	_ =	shalt  }
0x5d: {  	_ =	shalt  }
0x5e: {  	_ =	shalt  }
0x5f: {  	_ =	shalt  }
0x60: {  	_ =	shalt  }
0x61: {  	_ =	shalt  }
0x62: {  	_ =	shalt  }
0x63: {  	_ =	shalt  }
0x64: {  	_ =	shalt  }
0x65: {  	_ =	shalt  }
0x66: {  	_ =	shalt  }
0x67: {  	_ =	shalt  }
0x68: {  	_ =	shalt  }
0x69: {  	_ =	shalt  }
0x6a: {  	_ =	shalt  }
0x6b: {  	_ =	shalt  }
0x6c: {  	_ =	shalt  }
0x6d: {  	_ =	shalt  }
0x6e: {  	_ =	shalt  }
0x6f: {  	_ =	shalt  }
0x70: {  	_ =	shalt  }
0x71: {  	_ =	shalt  }
0x72: {  	_ =	shalt  }
0x73: {  	_ =	shalt  }
0x74: {  	_ =	shalt  }
0x75: {  	_ =	shalt  }
0x76: {  	_ =	shalt  }
0x77: {  	_ =	shalt  }
0x78: {  	_ =	shalt  }
0x79: {  	_ =	shalt  }
0x7a: {  	_ =	shalt  }
0x7b: {  	_ =	shalt  }
0x7c: {  	_ =	shalt  }
0x7d: {  	_ =	shalt  }
0x7e: {  	_ =	shalt  }
0x7f: {  	_ =	shalt  }
0x80: {  	_ =	shalt  }
0x81: {  	_ =	shalt  }
0x82: {  	_ =	shalt  }
0x83: {  	_ =	shalt  }
0x84: {  	_ =	shalt  }
0x85: {  	_ =	shalt  }
0x86: {  	_ =	shalt  }
0x87: {  	_ =	shalt  }
.Lfunc_end0:
.L_simem_size_0:
called_computation.2_lowered:
.L_overlay_start_0:
0x88: {  	s2 =	sld [smem:$0x3FD9]  }
0x89: {  	s3 =	sld [smem:$0x3FFE];
	_ =	sdelay $0x1  }
0x8a: {  	s1 =	srdreg.scid  }
0x8b: {  	s0 =	sand.u32 $0x1, s1  }
0x8c: {  	s16 =	sshll.u32 s0, $0xA;
	s2 =	sadd.s32 s3, s2  }
0x8d: {  	s2 =	sadd.s32 s2, s16  }
0x8e: {  	[smem:$0x3FBF] =	sst s2  }
0x8f: {  	_ = 	snop  }
0x90: {  	(tm) =	ssettm $0x1  }
0x91: {  	s17 =	sld [smem:$0x3FFB];
	_ =	sdelay $0x3  }
0x92: {  	_ =	strace s17  }
0x93: {  	s2 =	sld [smem:$0x3FFC];
	_ =	sdelay $0x3  }
0x94: {  	_ =	strace s2  }
0x95: {  	s2 =	sld [smem:$0x3FFD];
	_ =	sdelay $0x3  }
0x96: {  	_ =	strace s2  }
0x97: {  	_ =	strace $0x8FFFFFFF  }
0x98: {  	s18 =	sld [smem:$0x3FDB];
	_ =	sdelay $0x1  }
0x99: {  	s19 =	simm.s32 $_scs_section_size  }
0x9a: {  	s4 =	simm.s32 $_size__tile_overlayer_lowered;
	s5 =	simm.s32 $_tile_overlayer_lowered  }
0x9b: {  	s22 =	simm.s32 $0x1BFF;
	s21 =	sshll.u32 s5, $0x1;
	s2 =	sadd.s32 s19, s18  }
0x9c: {  	s6 =	simm.s32 $0x0;
	s20 =	sshll.u32 s4, $0x1;
	s4 =	sadd.s32 s21, s2  }
0x9d: {  	[timem:s6], [sflag:s22] =	dma.local [hbm:s4], s20  }
0x9e: {  	_ =	swait.ge [sflag:s22], s20  }
0x9f: {  	s3 =	ssub.s32 $0x0, s20;
	[sflag:s22] =	ssyncset.done $0x0  }
0xa0: {  	[sflag:s22] =	ssyncadd.s32 s3;
	_ =	sdelay $0x1  }
0xa1: {  	s23 =	simm.s32 $0x1B8B  }
0xa2: {  	_ =	swait.ge [sflag:s23], $0x1  }
0xa3: {  	[sflag:s23] =	ssyncset.done $0x0  }
0xa4: {  	s25 =	simm.s32 $0x1B8E;
	s24 =	sld [smem:$0x3FFE];
	[sflag:s23] =	ssyncadd.s32 $0xFFFFFFFF  }
0xa5: {  	s26 =	simm.s32 $execute0_lowered;
	[smem:$0x3FD2] =	sst s25  }
0xa6: {  	s4 =	sshll.u32 s26, $0x1;
	_ =	strace $0x8000004C;
	[dreg:$0x1] =	wrdreg $0xFFFFFFFF  }
0xa7: {  	s28 =	simm.s32 $_size_execute0_lowered;
	s2 =	sadd.s32 s2, s4;
	[dreg:$0x0] =	wrdreg $0x0  }
0xa8: {  	s4 =	sshll.u32 s28, $0x1;
	[dreg:$0x2] =	wrdreg s2  }
0xa9: {  	[dreg:$0x3] =	wrdreg s4  }
0xaa: {  	[dreg:$0x4] =	wrdreg $0xC0  }
0xab: {  	_ =	task [dreg:s6], $0x5FFFF  }
0xac: {  	[dreg:$0x1] =	wrdreg $0xFFFFFFFF  }
0xad: {  	[dreg:$0x0] =	wrdreg $0x60  }
0xae: {  	[dreg:$0x2] =	wrdreg s24  }
0xaf: {  	[dreg:$0x3] =	wrdreg $0xC5000  }
0xb0: {  	[dreg:$0x4] =	wrdreg $0x9  }
0xb1: {  	_ =	task.clear_ibuf [dreg:s6], $0x5FFFF;
	_ =	strace $0x9000004C  }
0xb2: {  	s29 =	simm.s32 $0x9;
	_ =	strace $0x8000004E  }
0xb3: {  	_ =	swait.ge [sflag:s29], $0x1  }
0xb4: {  	[sflag:s29] =	ssyncadd.s32 $0xFFFFFFFF  }
0xb5: {  	_ =	strace $0x9000004E  }
0xb6: {  	_ =	sfence  }
0xb7: {  	s30 =	sld [smem:$0x0];
	_ =	sdelay $0x2  }
0xb8: {  	s31 =	sshll.u32 s1, $0xD;
	s1 =	sshrl.u32 s1, $0x2  }
0xb9: {  	s3 =	sand.u32 $0x4000, s31;
	s1 =	sadd.s32 s1, s30  }
0xba: {  	s0 =	sor.u32 s3, s0;
	s1 =	sshll.u32 s1, $0x11  }
0xbb: {  	s0 =	sor.u32 s1, s0  }
0xbc: {  	s0 =	sadd.s32 $0x8F2B, s0  }
0xbd: {  	[sflag:s0] =	ssyncadd.remote.s32 $0x1  }
0xbe: {  	_ =	sfence.sel $0xFFFF  }
0xbf: {  	[dreg:$0x0] =	wrdreg $0xFFFFFFFF;
	(pc) =	sbr.abs _section_cstart, $3  }
0xc0: {  	[dreg:$0x1] =	wrdreg $0xFFFFFFFF  }
0xc1: {  	_ =	task.clear_ibuf [dreg:s6], $0x2FFFF;
	_ =	strace $0x9FFFFFFF  }
0xc2: {  	(tm) =	ssettm $0x7FFFFFFF  }
0xc3: {  	_ =	shalt  }
tec
execute0_lowered:
.L_overlay_start_1:
0x0: {  	(tag) =	ssettag $0x1  }
0x1: {  	s0 =	rddreg [dreg:$0x0]  }
0x2: {  	s2 =	srdreg.scid;
	s21 =	stileid.u32;
	s1 =	simm.s32 $0x0  }
0x3: {  	s6 =	sand.u32 $0x1, s2;
	[smem:$0x7FF] =	sst s1;
	s12 =	smul.u32 $0x14000, s21  }
0x4: {  	s22 =	sshll.u32 s21, $0x1;
	s14 =	sshllo.u32 s21, $0x3;
	s10 =	smul.u32 $0x138800, s6  }
0x5: {  	s4 =	sadd.s32 $0xBC00, s0;
	s9 =	sshll.u32 s21, $0x3;
	s20 =	smul.u32 $0x2800, s14  }
0x6: {  	s2 =	sor.u32 s6, s22;
	s23 =	ssub.s32 $0x2, s6;
	s6 =	smul.u32 $0x2710, s6  }
0x7: {  	s7 =	sadd.s32 $0x1E00, s0;
	s3 =	sor.u32 $0x1, s9;
	s5 =	smul.u32 $0x2710, s2  }
0x8: {  	p0 =	seq.s32 s21, $0xF;
	s17 =	sor.u32 $0x4, s9;
	s24 =	smul.u32 $0x2800, s3  }
0x9: {  	s8 =	sadd.s32 $0x3D200, s0;
	p4 =	sgt.u32 @!p0 s14, $0x7C;
	s18 =	smul.u32 $0x2800, s17  }
0xa: {  	p2 =	sgt.u32 s14, $0x7C;
	s11 =	sshrl.u32 s23, $0x1;
	s3 =	smul.u32 $0xA000, s3  }
0xb: {  	p4 =	por p4, p0;
	s2 =	ssub.s32 s23, s11;
	s12 =	sadd.s32 s10, s12  }
0xc: {  	s23 =	smul.u32 $0x4E20, s21;
	s11 =	sshrl.u32 s5, $0x3;
	s15 =	sadd.s32 s10, s24  }
0xd: {  	s5 =	sor.u32 $0x2, s9;
	s12 =	sshrl.u32 s12, $0x3;
	s18 =	sadd.s32 s10, s18  }
0xe: {  	s2 =	smax.u32 s2, $0x1;
	s3 =	sshrl.u32 s3, $0x2;
	s13 =	sadd.s32 s4, s11  }
0xf: {  	s15 =	sshrl.u32 s15, $0x3;
	s16 =	smul.u32 $0x2800, s5;
	s12 =	sadd.s32 s8, s12  }
0x10: {  	s18 =	sshrl.u32 s18, $0x3;
	s6 =	sadd.s32 s6, s23;
	[dreg:$0x3] =	wrdreg s13  }
0x11: {  	s13 =	sor.u32 $0x6, s9;
	[dreg:$0x4] =	wrdreg s12;
	s12 =	sor.u32 $0x3, s9  }
0x12: {  	s25 =	sadd.s32 s8, s15;
	s9 =	sor.u32 $0x5, s9;
	s28 =	smul.u32 $0x2800, s12  }
0x13: {  	s31 =	sadd.s32 s8, s18;
	s6 =	sadd.s32 $0x100, s6;
	s30 =	smul.u32 $0x2800, s9  }
0x14: {  	[dreg:$0x5] =	wrdreg s25;
	s26 =	sadd.s32 s10, s16;
	s19 =	smul.u32 $0x2800, s13  }
0x15: {  	[dreg:$0x8] =	wrdreg s31;
	s25 =	sadd.s32 s7, s11;
	s6 =	sshrl.u32 s6, $0x3  }
0x16: {  	p3 =	sgt.u32 @!p0 s13, $0x7C;
	p1 =	sgt.u32 s13, $0x7C;
	s15 =	sshrl.u32 s26, $0x3  }
0x17: {  	[dreg:$0xc] =	wrdreg s25;
	s26 =	sadd.s32 $0x10, s11;
	p3 =	por p3, p0  }
0x18: {  	s15 =	sadd.s32 s8, s15;
	s29 =	sadd.s32 s10, s28;
	s16 =	sadd.s32 s10, s30  }
0x19: {  	s22 =	sadd.s32 s10, s19;
	s10 =	sadd.s32 s10, s20;
	s28 =	sadd.s32 $0x4E0, s11  }
0x1a: {  	s19 =	rddreg [dreg:$0x1];
	s11 =	smul.u32 $0x50000, s21;
	s20 =	sadd.s32 $0x15A00, s0  }
0x1b: {  	s0 =	sadd.s32 $0x3CC00, s0;
	s21 =	smul.u32 $0xA000, s12;
	s12 =	simm.s32 $0x480  }
0x1c: {  	[dreg:$0x6] =	wrdreg s15;
	s15 =	sshrl.u32 s29, $0x3;
	s29 =	sadd.s32 s4, s26  }
0x1d: {  	s18 =	sshrl.u32 s16, $0x3;
	s30 =	sadd.s32 s4, s28;
	[dreg:$0xd] =	wrdreg s29  }
0x1e: {  	s16 =	sshrl.u32 s22, $0x3;
	s31 =	sadd.s32 s7, s28;
	[dreg:$0xf] =	wrdreg s30  }
0x1f: {  	s10 =	sshrl.u32 s10, $0x3;
	s4 =	sadd.s32 s6, s4;
	[dreg:$0x10] =	wrdreg s31  }
0x20: {  	s22 =	smul.u32 $0xA000, s17;
	s15 =	sadd.s32 s8, s15;
	[dreg:$0x12] =	wrdreg s4  }
0x21: {  	s3 =	sadd.s32 s3, s19;
	s24 =	sadd.s32 s8, s16;
	[dreg:$0x7] =	wrdreg s15  }
0x22: {  	s15 =	sadd.s32 s8, s18;
	s8 =	sadd.s32 s8, s10;
	s10 =	smul.u32 $0xA000, s13  }
0x23: {  	s28 =	sshrl.u32 s21, $0x2;
	[dreg:$0xa] =	wrdreg s24;
	s13 =	smul.u32 $0xA000, s14  }
0x24: {  	s14 =	sshrl.u32 s11, $0x2;
	s29 =	sshrl.u32 s22, $0x2;
	[dreg:$0x9] =	wrdreg s15  }
0x25: {  	s11 =	simm.s32 $0x400;
	[dreg:$0xb] =	wrdreg s8;
	s8 =	sadd.s32 s7, s26  }
0x26: {  	s7 =	sadd.s32 s6, s7;
	s23 =	sadd.s32 s14, s19;
	s15 =	smul.u32 $0xA000, s5  }
0x27: {  	s26 =	smul.u32 $0xA000, s9;
	s5 =	simm.s32 $0x500;
	s6 =	simm.s32 $0x4  }
0x28: {  	s9 =	simm.s32 $0x2;
	s14 =	simm.s32 $0x4500;
	[dreg:$0xe] =	wrdreg s8  }
0x29: {  	[dreg:$0x11] =	wrdreg s7;
	s16 =	sshrl.u32 s10, $0x2;
	s18 =	sshrl.u32 s13, $0x2  }
0x2a: {  	s17 =	sadd.s32 $0x2800, s23;
	s4 =	sadd.s32 $0xC800, s23;
	s7 =	simm.s32 $0x80  }
0x2b: {  	s8 =	simm.s32 $0x1;
	_ =	strace $0x8000004D;
	[dreg:$0x13] =	wrdreg s0  }
0x2c: {  	s10 =	simm.s32 $0x3;
	s13 =	simm.s32 $0x10;
	[dreg:$0x14] =	wrdreg s2  }
0x2d: {  	s24 =	sadd.s32 s16, s19;
	s0 =	sshrl.u32 s15, $0x2;
	[dreg:$0x15] =	wrdreg s3  }
.Ltmp0:
0x2e: {  	s30 =	sshrl.u32 s26, $0x2;
	s0 =	sadd.s32 s0, s19;
	(pc) =	sbr.rel .LBB2_1-.Ltmp0, $4  }
0x2f: {  	s25 =	sadd.s32 s18, s19;
	s31 =	sadd.s32 s30, s19;
	[dreg:$0x16] =	wrdreg s0  }
0x30: {  	s2 =	sadd.s32 $0x7800, s23;
	s0 =	sadd.s32 s28, s19;
	[dreg:$0x19] =	wrdreg s31  }
0x31: {  	s3 =	sadd.s32 $0xA000, s23;
	[dreg:$0x17] =	wrdreg s0;
	s0 =	sadd.s32 s29, s19  }
0x32: {  	s15 =	simm.s32 $0x0;
	[dreg:$0x18] =	wrdreg s0;
	s0 =	sadd.s32 $0x5000, s23  }
.LBB2_5:
0x33: {  	_ =	swait.ge [sflag:s10], $0x4000  }
0x34: {  	[sflag:s10] =	ssyncset.done $0x0  }
0x35: {  	[sflag:s10] =	ssyncadd.s32 $0xFFFFC000  }
0x36: {  	_ =	swait.ge [sflag:s10], $0x4000  }
0x37: {  	[sflag:s10] =	ssyncset.done $0x0  }
0x38: {  	s16 =	rddreg [dreg:$0xf];
	[sflag:s10] =	ssyncadd.s32 $0xFFFFC000  }
0x39: {  	[tilespmem:s11], [sflag:$0x4] =	stream.linear.gather [hbm4b:s16+s1], $0x10, $0x38;
	[tilespmem:$0x1FD80] =	vst v63  }
0x3a: {  	_ =	swait.ge [sflag:s6], $0x10  }
0x3b: {  	[sflag:s6] =	ssyncset.done $0x0  }
0x3c: {  	s29 =	rddreg [dreg:$0x10];
	[sflag:s6] =	ssyncadd.s32 $0xFFFFFFF0  }
0x3d: {  	[tilespmem:s12], [sflag:$0x4] =	stream.linear.gather [hbm4b:s29+s1], $0x10, $0x38;
	[tilespmem:$0x1FD80] =	vst v63  }
0x3e: {  	_ =	swait.ge [sflag:s6], $0x10  }
0x3f: {  	[sflag:s6] =	ssyncset.done $0x0  }
0x40: {  	[sflag:s6] =	ssyncadd.s32 $0xFFFFFFF0  }
0x41: {  	[tilespmem:s5], [sflag:$0x2] =	stream.indirect.gather [hbm4b:s20+s13], $0x80, s11, s13, $0xb8;
	[tilespmem:$0x1FD80] =	vst v63  }
0x42: {  	_ =	swait.ge [sflag:s9], $0x800  }
0x43: {  	[sflag:s9] =	ssyncset.done $0x0  }
0x44: {  	[sflag:s9] =	ssyncadd.s32 $0xFFFFF800  }
0x45: {  	[spmem:s19] =	stream.indirect.scatter.add.f32 [tilespmem:s5], [sflag:$0x4], $0x80, s12, s13, $0xb8;
	[tilespmem:$0x1FD80] =	vst v63  }
0x46: {  	_ =	swait.ge [sflag:s6], $0x800  }
0x47: {  	[sflag:s6] =	ssyncset.done $0x0  }
0x48: {  	[sflag:s6] =	ssyncadd.s32 $0xFFFFF800  }
0x49: {  	[bflag:$0x0] =	sbarrier.arrive $0xFFFF  }
0x4a: {  	[tilespmem:s5], [sflag:$0x4] =	stream.linear.gather [spmem:s23], $0x2800, $0x38;
	[tilespmem:$0x1FD80] =	vst v63  }
0x4b: {  	_ =	swait.ge [sflag:s6], $0x2800  }
0x4c: {  	[sflag:s6] =	ssyncset.done $0x0  }
0x4d: {  	s30 =	rddreg [dreg:$0x4];
	[sflag:s6] =	ssyncadd.s32 $0xFFFFD800  }
0x4e: {  	[hbm4b:s30+s1] =	stream.linear.scatter [tilespmem:s5], [sflag:$0x3], $0x2800, $0x38;
	[tilespmem:$0x1FD80] =	vst v63  }
0x4f: {  	s31 =	rddreg [dreg:$0x15]  }
0x50: {  	[tilespmem:s14], [sflag:$0x4] =	stream.linear.gather [spmem:s31], $0x2800, $0x38;
	[tilespmem:$0x1FD80] =	vst v63  }
0x51: {  	_ =	swait.ge [sflag:s6], $0x2800  }
0x52: {  	[sflag:s6] =	ssyncset.done $0x0  }
0x53: {  	s18 =	rddreg [dreg:$0x5];
	[sflag:s6] =	ssyncadd.s32 $0xFFFFD800  }
0x54: {  	[hbm4b:s18+s1] =	stream.linear.scatter [tilespmem:s14], [sflag:$0x3], $0x2800, $0x38;
	[tilespmem:$0x1FD80] =	vst v63  }
0x55: {  	_ =	swait.ge [sflag:s10], $0x2800  }
0x56: {  	[sflag:s10] =	ssyncset.done $0x0  }
0x57: {  	s21 =	rddreg [dreg:$0x16];
	[sflag:s10] =	ssyncadd.s32 $0xFFFFD800  }
0x58: {  	[tilespmem:s5], [sflag:$0x4] =	stream.linear.gather [spmem:s21], $0x2800, $0x38;
	[tilespmem:$0x1FD80] =	vst v63  }
0x59: {  	_ =	swait.ge [sflag:s6], $0x2800  }
0x5a: {  	[sflag:s6] =	ssyncset.done $0x0  }
0x5b: {  	s22 =	rddreg [dreg:$0x6];
	[sflag:s6] =	ssyncadd.s32 $0xFFFFD800  }
0x5c: {  	[hbm4b:s22+s1] =	stream.linear.scatter [tilespmem:s5], [sflag:$0x3], $0x2800, $0x38;
	[tilespmem:$0x1FD80] =	vst v63  }
0x5d: {  	_ =	swait.ge [sflag:s10], $0x2800  }
0x5e: {  	[sflag:s10] =	ssyncset.done $0x0  }
0x5f: {  	s26 =	rddreg [dreg:$0x17];
	[sflag:s10] =	ssyncadd.s32 $0xFFFFD800  }
0x60: {  	[tilespmem:s14], [sflag:$0x4] =	stream.linear.gather [spmem:s26], $0x2800, $0x38;
	[tilespmem:$0x1FD80] =	vst v63  }
0x61: {  	_ =	swait.ge [sflag:s6], $0x2800  }
0x62: {  	[sflag:s6] =	ssyncset.done $0x0  }
0x63: {  	s28 =	rddreg [dreg:$0x7];
	[sflag:s6] =	ssyncadd.s32 $0xFFFFD800  }
0x64: {  	[hbm4b:s28+s1] =	stream.linear.scatter [tilespmem:s14], [sflag:$0x3], $0x2800, $0x38;
	[tilespmem:$0x1FD80] =	vst v63  }
0x65: {  	_ =	swait.ge [sflag:s10], $0x2800  }
0x66: {  	[sflag:s10] =	ssyncset.done $0x0  }
0x67: {  	s29 =	rddreg [dreg:$0x18];
	[sflag:s10] =	ssyncadd.s32 $0xFFFFD800  }
0x68: {  	[tilespmem:s5], [sflag:$0x4] =	stream.linear.gather [spmem:s29], $0x2800, $0x38;
	[tilespmem:$0x1FD80] =	vst v63  }
0x69: {  	_ =	swait.ge [sflag:s6], $0x2800  }
0x6a: {  	[sflag:s6] =	ssyncset.done $0x0  }
0x6b: {  	s30 =	rddreg [dreg:$0x8];
	[sflag:s6] =	ssyncadd.s32 $0xFFFFD800  }
0x6c: {  	[hbm4b:s30+s1] =	stream.linear.scatter [tilespmem:s5], [sflag:$0x3], $0x2800, $0x38;
	[tilespmem:$0x1FD80] =	vst v63  }
0x6d: {  	_ =	swait.ge [sflag:s10], $0x2800  }
0x6e: {  	[sflag:s10] =	ssyncset.done $0x0  }
0x6f: {  	s16 =	simm.s32 @!p0 $0x4500;
	s18 =	rddreg [dreg:$0x19];
	[sflag:s10] =	ssyncadd.s32 $0xFFFFD800  }
0x70: {  	[tilespmem:s16], [sflag:$0x4] =	stream.linear.gather @!p0 [spmem:s18], $0x2800, $0x38;
	[tilespmem:$0x1FD80] =	vst v63  }
0x71: {  	s18 =	simm.s32 @!p0 $0x4  }
0x72: {  	_ =	swait.ge @!p0 [sflag:s18], $0x2800  }
0x73: {  	[sflag:s18] =	ssyncset.done @!p0 $0x0  }
0x74: {  	s21 =	rddreg [dreg:$0x9];
	[sflag:s18] =	ssyncadd.s32 @!p0 $0xFFFFD800;
	s18 =	simm.s32 @!p0 $0x0  }
0x75: {  	[hbm4b:s21+s18] =	stream.linear.scatter @!p0 [tilespmem:s16], [sflag:$0x3], $0x2800, $0x38;
	[tilespmem:$0x1FD80] =	vst v63  }
0x76: {  	_ =	swait.ge [sflag:s10], $0x2800  }
0x77: {  	[sflag:s10] =	ssyncset.done $0x0  }
0x78: {  	s16 =	simm.s32 @!p1 $0x500;
	s18 =	simm.s32 @!p1 $0x4;
	[sflag:s10] =	ssyncadd.s32 $0xFFFFD800  }
0x79: {  	[tilespmem:s16], [sflag:$0x4] =	stream.linear.gather @!p1 [spmem:s24], $0x2800, $0x38;
	[tilespmem:$0x1FD80] =	vst v63  }
0x7a: {  	_ =	swait.ge @!p1 [sflag:s18], $0x2800  }
0x7b: {  	[sflag:s18] =	ssyncset.done @!p1 $0x0  }
0x7c: {  	s21 =	rddreg [dreg:$0xa];
	[sflag:s18] =	ssyncadd.s32 @!p1 $0xFFFFD800;
	s18 =	simm.s32 @!p1 $0x0  }
0x7d: {  	[hbm4b:s21+s18] =	stream.linear.scatter @!p1 [tilespmem:s16], [sflag:$0x3], $0x2800, $0x38;
	[tilespmem:$0x1FD80] =	vst v63  }
0x7e: {  	s16 =	simm.s32 @!p0 $0x3  }
0x7f: {  	_ =	swait.ge @!p0 [sflag:s16], $0x2800  }
0x80: {  	[sflag:s16] =	ssyncset.done @!p0 $0x0  }
0x81: {  	s18 =	simm.s32 @!p2 $0x4500;
	s21 =	simm.s32 @!p2 $0x4;
	[sflag:s16] =	ssyncadd.s32 @!p0 $0xFFFFD800  }
0x82: {  	[tilespmem:s18], [sflag:$0x4] =	stream.linear.gather @!p2 [spmem:s25], $0x2800, $0x38;
	[tilespmem:$0x1FD80] =	vst v63  }
0x83: {  	_ =	swait.ge @!p2 [sflag:s21], $0x2800  }
0x84: {  	[sflag:s21] =	ssyncset.done @!p2 $0x0  }
0x85: {  	s22 =	rddreg [dreg:$0xb];
	[sflag:s21] =	ssyncadd.s32 @!p2 $0xFFFFD800;
	s21 =	simm.s32 @!p2 $0x0  }
0x86: {  	[hbm4b:s22+s21] =	stream.linear.scatter @!p2 [tilespmem:s18], [sflag:$0x3], $0x2800, $0x38;
	[tilespmem:$0x1FD80] =	vst v63  }
0x87: {  	_ =	swait.ge @!p0 [sflag:s16], $0x2800  }
0x88: {  	[sflag:s16] =	ssyncset.done @!p0 $0x0  }
0x89: {  	[sflag:s16] =	ssyncadd.s32 @!p0 $0xFFFFD800  }
0x8a: {  	_ =	swait.ge @!p0 [sflag:s16], $0x2800  }
0x8b: {  	s15 =	sadd.s32 $0x1, s15;
	s31 =	rddreg [dreg:$0x14]  }
0x8c: {  	p5 =	sne.s32 s15, s31  }
.Ltmp1:
0x8d: {  	_ = 	snop;
	(pc) =	sbr.rel @!p5 .LBB2_6-.Ltmp1, $3  }
0x8e: {  	_ =	sdelay $0x1  }
0x8f: {  	[sflag:s16] =	ssyncset.done @!p0 $0x0  }
0x90: {  	[sflag:s16] =	ssyncadd.s32 @!p0 $0xFFFFD800  }
.LBB2_1:
0x91: {  	s16 =	rddreg [dreg:$0x13]  }
0x92: {  	[tilespmem:s5], [sflag:$0x4] =	stream.linear.gather [hbm4b:s16+s1], $0x2800, $0x38;
	[tilespmem:$0x1FD80] =	vst v63  }
0x93: {  	_ =	swait.ge [sflag:s6], $0x2800  }
0x94: {  	[sflag:s6] =	ssyncset.done $0x0  }
0x95: {  	[sflag:s6] =	ssyncadd.s32 $0xFFFFD800  }
0x96: {  	[spmem:s23] =	stream.linear.scatter [tilespmem:s5], [sflag:$0x4], $0x2800, $0x38;
	[tilespmem:$0x1FD80] =	vst v63  }
0x97: {  	_ =	swait.ge [sflag:s6], $0x2800  }
0x98: {  	[sflag:s6] =	ssyncset.done $0x0  }
0x99: {  	[sflag:s6] =	ssyncadd.s32 $0xFFFFD800  }
0x9a: {  	[spmem:s17] =	stream.linear.scatter [tilespmem:s5], [sflag:$0x4], $0x2800, $0x38;
	[tilespmem:$0x1FD80] =	vst v63  }
0x9b: {  	_ =	swait.ge [sflag:s6], $0x2800  }
0x9c: {  	[sflag:s6] =	ssyncset.done $0x0  }
0x9d: {  	[sflag:s6] =	ssyncadd.s32 $0xFFFFD800  }
0x9e: {  	[spmem:s0] =	stream.linear.scatter [tilespmem:s5], [sflag:$0x4], $0x2800, $0x38;
	[tilespmem:$0x1FD80] =	vst v63  }
0x9f: {  	_ =	swait.ge [sflag:s6], $0x2800  }
0xa0: {  	[sflag:s6] =	ssyncset.done $0x0  }
0xa1: {  	[sflag:s6] =	ssyncadd.s32 $0xFFFFD800  }
0xa2: {  	[spmem:s2] =	stream.linear.scatter [tilespmem:s5], [sflag:$0x4], $0x2800, $0x38;
	[tilespmem:$0x1FD80] =	vst v63  }
0xa3: {  	_ =	swait.ge [sflag:s6], $0x2800  }
0xa4: {  	[sflag:s6] =	ssyncset.done $0x0  }
0xa5: {  	[sflag:s6] =	ssyncadd.s32 $0xFFFFD800  }
0xa6: {  	[spmem:s3] =	stream.linear.scatter [tilespmem:s5], [sflag:$0x4], $0x2800, $0x38;
	[tilespmem:$0x1FD80] =	vst v63  }
0xa7: {  	_ =	swait.ge [sflag:s6], $0x2800  }
0xa8: {  	[sflag:s6] =	ssyncset.done $0x0  }
0xa9: {  	s16 =	simm.s32 @!p0 $0x500;
	[sflag:s6] =	ssyncadd.s32 $0xFFFFD800  }
0xaa: {  	[spmem:s4] =	stream.linear.scatter @!p0 [tilespmem:s16], [sflag:$0x4], $0x2800, $0x38;
	[tilespmem:$0x1FD80] =	vst v63  }
0xab: {  	s16 =	simm.s32 @!p0 $0x4  }
0xac: {  	_ =	swait.ge @!p0 [sflag:s16], $0x2800  }
0xad: {  	[sflag:s16] =	ssyncset.done @!p0 $0x0  }
0xae: {  	[sflag:s16] =	ssyncadd.s32 @!p0 $0xFFFFD800;
	s16 =	simm.s32 @!p3 $0x500  }
0xaf: {  	[spmem:s24] =	stream.linear.scatter @!p3 [tilespmem:s16], [sflag:$0x4], $0x2800, $0x38;
	[tilespmem:$0x1FD80] =	vst v63  }
0xb0: {  	s16 =	simm.s32 @!p3 $0x4  }
0xb1: {  	_ =	swait.ge @!p3 [sflag:s16], $0x2800  }
0xb2: {  	[sflag:s16] =	ssyncset.done @!p3 $0x0  }
0xb3: {  	[sflag:s16] =	ssyncadd.s32 @!p3 $0xFFFFD800;
	s16 =	simm.s32 @!p4 $0x500  }
0xb4: {  	[spmem:s25] =	stream.linear.scatter @!p4 [tilespmem:s16], [sflag:$0x4], $0x2800, $0x38;
	[tilespmem:$0x1FD80] =	vst v63  }
0xb5: {  	s16 =	simm.s32 @!p4 $0x4  }
0xb6: {  	_ =	swait.ge @!p4 [sflag:s16], $0x2800  }
0xb7: {  	[sflag:s16] =	ssyncset.done @!p4 $0x0  }
0xb8: {  	s29 =	rddreg [dreg:$0x3];
	[sflag:s16] =	ssyncadd.s32 @!p4 $0xFFFFD800  }
0xb9: {  	[tilespmem:s1], [sflag:$0x1] =	stream.linear.gather [hbm4b:s29+s1], $0x80, $0x38;
	[tilespmem:$0x1FD80] =	vst v63  }
0xba: {  	s18 =	rddreg [dreg:$0xc];
	s16 =	simm.s32 $0x200  }
0xbb: {  	[tilespmem:s16], [sflag:$0x1] =	stream.linear.gather [hbm4b:s18+s1], $0x80, $0x38;
	[tilespmem:$0x1FD80] =	vst v63  }
0xbc: {  	s30 =	rddreg [dreg:$0xd]  }
0xbd: {  	[tilespmem:s7], [sflag:$0x1] =	stream.linear.gather [hbm4b:s30+s1], $0x80, $0x38;
	[tilespmem:$0x1FD80] =	vst v63  }
0xbe: {  	s21 =	simm.s32 $0x280;
	s31 =	rddreg [dreg:$0xe]  }
0xbf: {  	[tilespmem:s21], [sflag:$0x1] =	stream.linear.gather [hbm4b:s31+s1], $0x80, $0x38;
	[tilespmem:$0x1FD80] =	vst v63  }
0xc0: {  	_ =	swait.ge [sflag:s8], $0x80  }
0xc1: {  	[sflag:s8] =	ssyncset.done $0x0  }
0xc2: {  	[sflag:s8] =	ssyncadd.s32 $0xFFFFFF80  }
0xc3: {  	_ =	swait.ge [sflag:s8], $0x80  }
0xc4: {  	[sflag:s8] =	ssyncset.done $0x0  }
.Ltmp2:
0xc5: {  	[sflag:s8] =	ssyncadd.s32 $0xFFFFFF80;
	(pc) =	sbr.rel .LBB2_2-.Ltmp2, $4  }
0xc6: {  	[tilespmem:s5], [sflag:$0x2] =	stream.indirect.gather [hbm4b:s20+s7], $0x80, s1, s7, $0xb8;
	[tilespmem:$0x1FD80] =	vst v63  }
0xc7: {  	[bflag:$0x0] =	sbarrier.arrive $0xFFFF  }
0xc8: {  	s21 =	rddreg [dreg:$0x12]  }
0xc9: {  	s26 =	simm.s32 $0x0;
	s18 =	simm.s32 $0x100;
	s22 =	rddreg [dreg:$0x11]  }
.LBB2_4:
0xca: {  	s29 =	sshrl.u32 s29, $0x9  }
0xcb: {  	s29 =	sand.u32 $0x7F, s29  }
0xcc: {  	s29 =	smul.u32 $0x3, s29  }
0xcd: {  	s31 =	sadd.s32 $0xFFFFFE00, s16;
	_ =	swait.ge [sflag:s9], $0x4000;
	s18 =	sadd.s32 $0x80, s18  }
0xce: {  	p5 =	sne.s32 s28, $0x4E;
	s22 =	sadd.s32 $0x10, s22;
	s26 =	ssub.s32 s26, s29  }
.Ltmp3:
0xcf: {  	s29 =	sand.u32 $0x600, s31;
	s26 =	sand.u32 $0xFF, s26;
	(pc) =	sbr.rel @!p5 .LBB2_5-.Ltmp3, $4  }
0xd0: {  	[sflag:s9] =	ssyncset.done $0x0;
	s29 =	sshrl.u32 s29, $0x2;
	s26 =	sshll.u32 s26, $0xE  }
0xd1: {  	[sflag:s9] =	ssyncadd.s32 $0xFFFFC000;
	s29 =	sor.u32 $0x200, s29;
	s26 =	sor.u32 $0x500, s26  }
0xd2: {  	[spmem:s19] =	stream.indirect.scatter.add.f32 [tilespmem:s26], [sflag:$0x3], $0x80, s29, s7, $0xb8;
	[tilespmem:$0x1FD80] =	vst v63  }
0xd3: {  	s21 =	sadd.s32 $0x10, s21;
	s16 =	sadd.s32 $0x200, s16;
	s26 =	smov.u32 s28  }
.LBB2_2:
0xd4: {  	p5 =	slt.u32 s26, $0x2  }
0xd5: {  	p6 =	seq.s32 @!p5 s26, $0x4D  }
0xd6: {  	p6 =	por p5, !p6  }
.Ltmp4:
0xd7: {  	_ = 	snop;
	(pc) =	sbr.rel @!p6 .LBB2_4-.Ltmp4, $4  }
0xd8: {  	s30 =	simm.s32 @!p5 $0x3  }
0xd9: {  	_ =	swait.ge @!p5 [sflag:s30], $0x4000  }
0xda: {  	s29 =	smul.u32 $0xAB, s26;
	[sflag:s30] =	ssyncset.done @!p5 $0x0  }
0xdb: {  	s28 =	sadd.s32 $0x1, s26;
	[sflag:s30] =	ssyncadd.s32 @!p5 $0xFFFFC000  }
0xdc: {  	s30 =	sadd.s32 $0xAB, s29  }
0xdd: {  	s30 =	sshrl.u32 s30, $0x9  }
0xde: {  	s30 =	sand.u32 $0x7F, s30  }
0xdf: {  	_ =	swait.ge [sflag:s8], $0x80;
	s30 =	smul.u32 $0x3, s30  }
0xe0: {  	[sflag:s8] =	ssyncset.done $0x0  }
0xe1: {  	[sflag:s8] =	ssyncadd.s32 $0xFFFFFF80;
	s30 =	ssub.s32 s28, s30  }
0xe2: {  	_ =	swait.ge [sflag:s8], $0x80;
	s30 =	sand.u32 $0xFF, s30  }
0xe3: {  	s31 =	sand.u32 $0x600, s16;
	[sflag:s8] =	ssyncset.done $0x0;
	s30 =	sshll.u32 s30, $0xE  }
0xe4: {  	s31 =	sshrl.u32 s31, $0x2;
	[sflag:s8] =	ssyncadd.s32 $0xFFFFFF80;
	s30 =	sor.u32 $0x500, s30  }
0xe5: {  	[tilespmem:s30], [sflag:$0x2] =	stream.indirect.gather [hbm4b:s20+s7], $0x80, s31, s7, $0xb8;
	[tilespmem:$0x1FD80] =	vst v63  }
.Ltmp5:
0xe6: {  	p5 =	sgt.u32 s26, $0x4B;
	(pc) =	sbr.rel .LBB2_4-.Ltmp5, $4  }
0xe7: {  	s30 =	sand.u32 @!p5 $0x180, s18;
	s31 =	simm.s32 @!p5 $0x0  }
0xe8: {  	[tilespmem:s30], [sflag:$0x1] =	stream.linear.gather @!p5 [hbm4b:s21+s31], $0x80, $0x38;
	[tilespmem:$0x1FD80] =	vst v63  }
0xe9: {  	s30 =	sor.u32 @!p5 $0x200, s30  }
0xea: {  	[tilespmem:s30], [sflag:$0x1] =	stream.linear.gather @!p5 [hbm4b:s22+s31], $0x80, $0x38;
	[tilespmem:$0x1FD80] =	vst v63  }
.LBB2_6:
0xeb: {  	_ =	sfence.sel $0x180000  }
0xec: {  	[bflag:$0x0] =	sbarrier.arrive $0xFFFF  }
0xed: {  	_ =	strace $0x9000004D  }
0xee: {  	s0 =	stileid.u32;
	[bflag:$0x2] =	sbarrier.arrive $0xFFFF  }
0xef: {  	p0 =	sne.s32 s0, $0x0;
	s0 =	rddreg [dreg:$0x2]  }
0xf0: {  	s0 =	sadd.s32 @!p0 $0x100000, s0  }
0xf1: {  	[sflag:s0] =	ssyncadd.tile.s32 @!p0 $0x1;
	_ =	shalt  }
.Lfunc_end2:
_tile_overlayer_lowered:
.L_overlay_start_2:
0xf2: {  	(tag) =	ssettag $0x2  }
0xf3: {  	s0 =	rddreg [dreg:$0x0];
	s2 =	stileid.u32  }
0xf4: {  	s1 =	rddreg [dreg:$0x1];
	p0 =	sne.s32 s2, $0x0  }
0xf5: {  	s3 =	rddreg [dreg:$0x2];
	[bflag:$0x3] =	sbarrier.arrive $0xFFFF;
	s2 =	simm.s32 @!p0 $0x1C04  }
0xf6: {  	[timem:s3], [sflag:s2] =	dma.local @!p0 [hbm:s0], s1  }
0xf7: {  	s0 =	simm.s32 @!p0 $0x4  }
0xf8: {  	_ =	swait.ge @!p0 [sflag:s0], s1  }
0xf9: {  	s1 =	ssub.s32 @!p0 $0x0, s1;
	[sflag:s0] =	ssyncset.done @!p0 $0x0  }
0xfa: {  	[sflag:s0] =	ssyncadd.s32 @!p0 s1  }
0xfb: {  	[bflag:$0x3] =	sbarrier.arrive $0xFFFF  }
0xfc: {  	_ =	shalt  }

// kernel: kernel.8.cloned.1.call-start
scs
__scs_entry_jumppad:
0x0: {  	(pc) =	sbr.rel $0x88, $3  }
0x1: {  	(tag) =	ssettag $0x0;
	lr =	simm.s32 $0x1  }
0x2: {  	[smem:$0x3F98] =	sst lr;
	_ =	strace $0xD0000000  }
0x3: {  	_ = 	snop  }
0x4: {  	_ = 	snop  }
0x5: {  	_ = 	snop  }
0x6: {  	_ = 	snop  }
0x7: {  	_ = 	snop  }
__scs_overlays_trampoline_lowered:
0x8: {  	[smem:$0x3FA7] =	sst s0  }
0x9: {  	[smem:$0x3FA8] =	sst s1  }
0xa: {  	[smem:$0x3FA9] =	sst s2  }
0xb: {  	[smem:$0x3FAA] =	sst s3  }
0xc: {  	[smem:$0x3FAB] =	sst s4  }
0xd: {  	[smem:$0x3FAC] =	sst s5  }
0xe: {  	[smem:$0x3FAD] =	sst s6  }
0xf: {  	[smem:$0x3FAE] =	sst s7  }
0x10: {  	[smem:$0x3FAF] =	sst s8  }
0x11: {  	[smem:$0x3FB0] =	sst s9;
	s0 =	simm.s32 @!p0 $0x0  }
0x12: {  	s1 =	sld [smem:$0x3F96];
	s0 =	simm.s32 @p0 $0x1  }
0x13: {  	[smem:$0x3FB1] =	sst s0;
	s0 =	simm.s32 @!p1 $0x0  }
0x14: {  	s2 =	sld [smem:$0x3F95];
	s0 =	simm.s32 @p1 $0x1  }
0x15: {  	[smem:$0x3FB2] =	sst s0;
	s0 =	simm.s32 @!p2 $0x0  }
0x16: {  	s3 =	sld [smem:$0x3FDB];
	s0 =	simm.s32 @p2 $0x1  }
0x17: {  	s4 =	simm.s32 $0x1BF5;
	[smem:$0x3FB4] =	sst s0  }
0x18: {  	s0 =	sld [smem:$0x3F97];
	_ =	swait.ge [sflag:s4], $0x0  }
0x19: {  	s7 =	sld [smem:$0x3F98]  }
0x1a: {  	s8 =	sadd.s32 $0xFFFFE003, lr  }
0x1b: {  	s9 =	sadd.s32 $0xFFFFFEF7, lr;
	s5 =	simm.s32 $0xFFFFFFFF;
	p2 =	slt.u32 s8, $0xFFFFF086  }
0x1c: {  	p1 =	slt.u32 s9, $0xF7A;
	s5 =	simm.s32 @!p2 $0x0  }
0x1d: {  	s5 =	simm.s32 @p1 $0x1;
	p0 =	seq.s32 s7, s2  }
0x1e: {  	s7 =	smul.u32 @!p0 $0xF7A, s2;
	p2 =	seq.s32 @!p0 s5, $0x0  }
0x1f: {  	s9 =	smul.u32 $0xF7A, s1;
	s8 =	simm.s32 @!p0 $0x1BF5;
	p2 =	por !p2, p0  }
0x20: {  	[sflag:s8] =	ssyncset.s32 @!p0 $0xFFFFF086;
	s6 =	sadd.s32 @!p0 s3, s7;
	s7 =	simm.s32 @!p0 $0x108  }
0x21: {  	s3 =	sadd.s32 s3, s9;
	s6 =	sadd.s32 @!p0 $0x88, s6;
	s7 =	simm.s32 @p2 $0x1082  }
0x22: {  	[simem:s7], [sflag:s8] =	dma.local @!p0 [hbm:s6], $0xF7A  }
0x23: {  	s9 =	sor.u32 $0xD0000000, s2;
	s6 =	simm.s32 $0x108;
	_ =	swait.ge @!p0 [sflag:s8], $0x0  }
0x24: {  	s3 =	sadd.s32 $0x88, s3;
	s6 =	simm.s32 @!p1 $0x1082;
	[sflag:s4] =	ssyncset.s32 $0xFFFFF086  }
0x25: {  	[simem:s6], [sflag:s4] =	dma.local [hbm:s3], $0xF7A  }
0x26: {  	[smem:$0x3F98] =	sst s1;
	(tag) =	ssettag s2;
	_ =	strace s9  }
0x27: {  	s1 =	sld [smem:$0x3FA8]  }
0x28: {  	s2 =	sld [smem:$0x3FA9]  }
0x29: {  	s4 =	sld [smem:$0x3FAB]  }
0x2a: {  	p0 =	seq.s32 s5, $0x0;
	s5 =	sld [smem:$0x3FAC]  }
0x2b: {  	s6 =	sld [smem:$0x3FAD]  }
0x2c: {  	s7 =	sld [smem:$0x3FAE]  }
0x2d: {  	s3 =	simm.s32 $0x108;
	s8 =	sld [smem:$0x3FAF]  }
0x2e: {  	s3 =	simm.s32 @!p0 $0x1082;
	s9 =	sld [smem:$0x3FB0]  }
0x2f: {  	lr =	sadd.s32 s0, s3;
	s0 =	sld [smem:$0x3FA7]  }
0x30: {  	s3 =	sld [smem:$0x3FAA]  }
0x31: {  	[smem:$0x3FB3] =	sst s10  }
0x32: {  	s10 =	sld [smem:$0x3FB1];
	_ =	sdelay $0x3  }
0x33: {  	p0 =	seq.s32 s10, $0x1;
	s10 =	sld [smem:$0x3FB3];
	_ =	sdelay $0x3  }
0x34: {  	[smem:$0x3FB3] =	sst s10  }
0x35: {  	s10 =	sld [smem:$0x3FB2];
	_ =	sdelay $0x3  }
0x36: {  	p1 =	seq.s32 s10, $0x1;
	s10 =	sld [smem:$0x3FB3];
	_ =	sdelay $0x3  }
0x37: {  	[smem:$0x3FB3] =	sst s10  }
0x38: {  	s10 =	sld [smem:$0x3FB4]  }
0x39: {  	_ = 	snop;
	(pc) =	sbr.ind lr, $3  }
0x3a: {  	_ = 	snop  }
0x3b: {  	_ = 	snop  }
0x3c: {  	p2 =	seq.s32 s10, $0x1;
	s10 =	sld [smem:$0x3FB3]  }
0x3d: {  	_ =	shalt  }
0x3e: {  	_ =	shalt  }
0x3f: {  	_ =	shalt  }
0x40: {  	_ =	shalt  }
0x41: {  	_ =	shalt  }
0x42: {  	_ =	shalt  }
0x43: {  	_ =	shalt  }
0x44: {  	_ =	shalt  }
0x45: {  	_ =	shalt  }
0x46: {  	_ =	shalt  }
0x47: {  	_ =	shalt  }
0x48: {  	_ =	shalt  }
0x49: {  	_ =	shalt  }
0x4a: {  	_ =	shalt  }
0x4b: {  	_ =	shalt  }
0x4c: {  	_ =	shalt  }
0x4d: {  	_ =	shalt  }
0x4e: {  	_ =	shalt  }
0x4f: {  	_ =	shalt  }
0x50: {  	_ =	shalt  }
0x51: {  	_ =	shalt  }
0x52: {  	_ =	shalt  }
0x53: {  	_ =	shalt  }
0x54: {  	_ =	shalt  }
0x55: {  	_ =	shalt  }
0x56: {  	_ =	shalt  }
0x57: {  	_ =	shalt  }
0x58: {  	_ =	shalt  }
0x59: {  	_ =	shalt  }
0x5a: {  	_ =	shalt  }
0x5b: {  	_ =	shalt  }
0x5c: {  	_ =	shalt  }
0x5d: {  	_ =	shalt  }
0x5e: {  	_ =	shalt  }
0x5f: {  	_ =	shalt  }
0x60: {  	_ =	shalt  }
0x61: {  	_ =	shalt  }
0x62: {  	_ =	shalt  }
0x63: {  	_ =	shalt  }
0x64: {  	_ =	shalt  }
0x65: {  	_ =	shalt  }
0x66: {  	_ =	shalt  }
0x67: {  	_ =	shalt  }
0x68: {  	_ =	shalt  }
0x69: {  	_ =	shalt  }
0x6a: {  	_ =	shalt  }
0x6b: {  	_ =	shalt  }
0x6c: {  	_ =	shalt  }
0x6d: {  	_ =	shalt  }
0x6e: {  	_ =	shalt  }
0x6f: {  	_ =	shalt  }
0x70: {  	_ =	shalt  }
0x71: {  	_ =	shalt  }
0x72: {  	_ =	shalt  }
0x73: {  	_ =	shalt  }
0x74: {  	_ =	shalt  }
0x75: {  	_ =	shalt  }
0x76: {  	_ =	shalt  }
0x77: {  	_ =	shalt  }
0x78: {  	_ =	shalt  }
0x79: {  	_ =	shalt  }
0x7a: {  	_ =	shalt  }
0x7b: {  	_ =	shalt  }
0x7c: {  	_ =	shalt  }
0x7d: {  	_ =	shalt  }
0x7e: {  	_ =	shalt  }
0x7f: {  	_ =	shalt  }
0x80: {  	_ =	shalt  }
0x81: {  	_ =	shalt  }
0x82: {  	_ =	shalt  }
0x83: {  	_ =	shalt  }
0x84: {  	_ =	shalt  }
0x85: {  	_ =	shalt  }
0x86: {  	_ =	shalt  }
0x87: {  	_ =	shalt  }
.Lfunc_end0:
.L_simem_size_0:
called_computation_lowered:
.L_overlay_start_0:
0x88: {  	s2 =	sld [smem:$0x3FD9]  }
0x89: {  	s3 =	sld [smem:$0x3FFE];
	_ =	sdelay $0x1  }
0x8a: {  	s1 =	srdreg.scid  }
0x8b: {  	s0 =	sand.u32 $0x1, s1  }
0x8c: {  	s17 =	sshll.u32 s0, $0xA;
	s2 =	sadd.s32 s3, s2  }
0x8d: {  	s2 =	sadd.s32 s2, s17  }
0x8e: {  	[smem:$0x3FBF] =	sst s2  }
0x8f: {  	_ = 	snop  }
0x90: {  	(tm) =	ssettm $0x1  }
0x91: {  	s18 =	sld [smem:$0x3FFB];
	_ =	sdelay $0x3  }
0x92: {  	_ =	strace s18  }
0x93: {  	s2 =	sld [smem:$0x3FFC];
	_ =	sdelay $0x3  }
0x94: {  	_ =	strace s2  }
0x95: {  	s2 =	sld [smem:$0x3FFD];
	_ =	sdelay $0x3  }
0x96: {  	_ =	strace s2  }
0x97: {  	_ =	strace $0x8FFFFFFF  }
0x98: {  	s19 =	sld [smem:$0x3FDB];
	_ =	sdelay $0x1  }
0x99: {  	s20 =	simm.s32 $_scs_section_size  }
0x9a: {  	s4 =	simm.s32 $_size__tile_overlayer_lowered;
	s5 =	simm.s32 $_tile_overlayer_lowered  }
0x9b: {  	s6 =	simm.s32 $0x1BFF;
	s21 =	sshll.u32 s5, $0x1;
	s3 =	sadd.s32 s20, s19  }
0x9c: {  	s22 =	simm.s32 $0x0;
	s4 =	sshll.u32 s4, $0x1;
	s5 =	sadd.s32 s21, s3  }
0x9d: {  	[timem:s22], [sflag:s6] =	dma.local [hbm:s5], s4  }
0x9e: {  	_ =	swait.ge [sflag:s6], s4  }
0x9f: {  	s4 =	ssub.s32 $0x0, s4;
	[sflag:s6] =	ssyncset.done $0x0  }
0xa0: {  	[sflag:s6] =	ssyncadd.s32 s4;
	_ =	sdelay $0x1  }
0xa1: {  	s23 =	simm.s32 $0x1B8B  }
0xa2: {  	_ =	swait.ge [sflag:s23], $0x1  }
0xa3: {  	[sflag:s23] =	ssyncset.done $0x0  }
0xa4: {  	[sflag:s23] =	ssyncadd.s32 $0xFFFFFFFF  }
0xa5: {  	s4 =	sld [smem:$0x0]  }
0xa6: {  	s5 =	sand.u32 $0xFFFFFFFE, s1  }
0xa7: {  	p0 =	sne.s32 s1, s5  }
0xa8: {  	s5 =	sshll.u32 @p0 s5, $0xE  }
0xa9: {  	s5 =	sadd.s32 @p0 $0x11B8D, s5;
	s6 =	sshll.u32 @p0 s4, $0x11  }
0xaa: {  	s5 =	sor.u32 @p0 s6, s5  }
0xab: {  	[sflag:s5] =	ssyncadd.remote.s32 @p0 $0x1;
	_ =	sdelay $0x1  }
0xac: {  	s5 =	simm.s32 @p0 $0x1B8D  }
0xad: {  	_ =	swait.eq @p0 [sflag:s5], $0x1  }
0xae: {  	[sflag:s5] =	ssyncadd.s32 @p0 $0xFFFFFFFF  }
0xaf: {  	s6 =	sshll.u32 @!p0 s1, $0xE  }
0xb0: {  	s6 =	sor.u32 @!p0 $0x4000, s6;
	s5 =	simm.s32 @!p0 $0x1B8D  }
0xb1: {  	s4 =	sshll.u32 @!p0 s4, $0x11;
	s6 =	sadd.s32 @!p0 $0x11B8D, s6;
	_ =	swait.eq @!p0 [sflag:s5], $0x1  }
0xb2: {  	s4 =	sor.u32 @!p0 s4, s6;
	[sflag:s5] =	ssyncadd.s32 @!p0 $0xFFFFFFFF  }
0xb3: {  	s25 =	simm.s32 $0x1B8E;
	s24 =	sld [smem:$0x3FFE];
	[sflag:s4] =	ssyncadd.remote.s32 @!p0 $0x1  }
0xb4: {  	s26 =	simm.s32 $execute0_lowered;
	[smem:$0x3FD2] =	sst s25  }
0xb5: {  	s5 =	sshll.u32 s26, $0x1;
	_ =	strace $0x80000049;
	[dreg:$0x1] =	wrdreg $0xFFFFFFFF  }
0xb6: {  	s28 =	simm.s32 $_size_execute0_lowered;
	s3 =	sadd.s32 s3, s5;
	[dreg:$0x0] =	wrdreg $0x0  }
0xb7: {  	s5 =	sshll.u32 s28, $0x1;
	[dreg:$0x2] =	wrdreg s3  }
0xb8: {  	[dreg:$0x3] =	wrdreg s5  }
0xb9: {  	[dreg:$0x4] =	wrdreg $0xC0  }
0xba: {  	_ =	task [dreg:s22], $0x5FFFF  }
0xbb: {  	[dreg:$0x1] =	wrdreg $0xFFFFFFFF  }
0xbc: {  	[dreg:$0x0] =	wrdreg $0x60  }
0xbd: {  	[dreg:$0x2] =	wrdreg s24  }
0xbe: {  	[dreg:$0x3] =	wrdreg $0x79000  }
0xbf: {  	[dreg:$0x4] =	wrdreg $0x9  }
0xc0: {  	_ =	task.clear_ibuf [dreg:s22], $0x5FFFF;
	_ =	strace $0x90000049  }
0xc1: {  	s29 =	simm.s32 $0x9;
	_ =	strace $0x8000004B  }
0xc2: {  	_ =	swait.ge [sflag:s29], $0x1  }
0xc3: {  	[sflag:s29] =	ssyncadd.s32 $0xFFFFFFFF  }
0xc4: {  	_ =	strace $0x9000004B  }
0xc5: {  	_ =	sfence  }
0xc6: {  	s30 =	sld [smem:$0x0];
	_ =	sdelay $0x2  }
0xc7: {  	s31 =	sshll.u32 s1, $0xD;
	s1 =	sshrl.u32 s1, $0x2  }
0xc8: {  	s4 =	sand.u32 $0x4000, s31;
	s1 =	sadd.s32 s1, s30  }
0xc9: {  	s0 =	sor.u32 s4, s0;
	s1 =	sshll.u32 s1, $0x11  }
0xca: {  	s0 =	sor.u32 s1, s0  }
0xcb: {  	s0 =	sadd.s32 $0x8F2B, s0  }
0xcc: {  	[sflag:s0] =	ssyncadd.remote.s32 $0x1  }
0xcd: {  	_ =	sfence.sel $0xFFFF  }
0xce: {  	[dreg:$0x0] =	wrdreg $0xFFFFFFFF;
	(pc) =	sbr.abs _section_cstart, $3  }
0xcf: {  	[dreg:$0x1] =	wrdreg $0xFFFFFFFF  }
0xd0: {  	_ =	task.clear_ibuf [dreg:s22], $0x2FFFF;
	_ =	strace $0x9FFFFFFF  }
0xd1: {  	(tm) =	ssettm $0x7FFFFFFF  }
tec
execute0_lowered:
.L_overlay_start_1:
0x0: {  	(tag) =	ssettag $0x1  }
0x1: {  	s0 =	rddreg [dreg:$0x0]  }
0x2: {  	s2 =	rddreg [dreg:$0x1]  }
0x3: {  	s3 =	simm.s32 $0x0;
	s1 =	srdreg.scid;
	s19 =	stileid.u32  }
0x4: {  	[smem:$0x7FF] =	sst s3;
	s1 =	sand.u32 $0x1, s1;
	s4 =	sshll.u32 s19, $0x1  }
0x5: {  	s5 =	sadd.s32 $0x1E00, s0;
	s6 =	sadd.s32 $0x8BA00, s0;
	s11 =	smul.u32 $0x14000, s19  }
0x6: {  	s8 =	sshll.u32 s19, $0x3;
	s15 =	sshllo.u32 s19, $0x3;
	s9 =	smul.u32 $0x138800, s1  }
0x7: {  	s4 =	sor.u32 s1, s4;
	s7 =	ssub.s32 $0x2, s1;
	s1 =	smul.u32 $0x2710, s1  }
0x8: {  	p0 =	seq.s32 s19, $0xF;
	s13 =	sor.u32 $0x1, s8;
	s4 =	smul.u32 $0x2710, s4  }
0x9: {  	_ =	strace $0x8000004A;
	s17 =	sor.u32 $0x2, s8;
	s12 =	smul.u32 $0x2800, s13  }
0xa: {  	s20 =	sor.u32 $0x3, s8;
	s21 =	sor.u32 $0x4, s8;
	s14 =	smul.u32 $0x2800, s17  }
0xb: {  	p4 =	sgt.u32 @!p0 s15, $0x7C;
	p2 =	sgt.u32 s15, $0x7C;
	s26 =	smul.u32 $0x2800, s20  }
0xc: {  	s10 =	sshrl.u32 s7, $0x1;
	s16 =	smul.u32 $0x2800, s21;
	p4 =	por p4, p0  }
0xd: {  	s7 =	ssub.s32 s7, s10;
	s10 =	sor.u32 $0x6, s8;
	s11 =	sadd.s32 s9, s11  }
0xe: {  	s8 =	sor.u32 $0x5, s8;
	s11 =	sshrl.u32 s11, $0x3;
	s12 =	sadd.s32 s9, s12  }
0xf: {  	s25 =	sadd.s32 s9, s14;
	s22 =	smul.u32 $0x2800, s8;
	s23 =	sadd.s32 s9, s26  }
0x10: {  	p3 =	sgt.u32 @!p0 s10, $0x7C;
	p1 =	sgt.u32 s10, $0x7C;
	s11 =	sadd.s32 s6, s11  }
0x11: {  	s24 =	sshrl.u32 s12, $0x3;
	s12 =	sshrl.u32 s25, $0x3;
	s25 =	smul.u32 $0x2800, s10  }
0x12: {  	p3 =	por p3, p0;
	[dreg:$0x3] =	wrdreg s11;
	s11 =	sadd.s32 s6, s24  }
0x13: {  	s18 =	sadd.s32 s6, s12;
	s24 =	sadd.s32 s9, s16;
	s12 =	sshrl.u32 s23, $0x3  }
0x14: {  	s16 =	smul.u32 $0x4E20, s19;
	s23 =	sadd.s32 $0x3CC00, s0;
	[dreg:$0x4] =	wrdreg s11  }
0x15: {  	s0 =	sadd.s32 $0x8B400, s0;
	[dreg:$0x5] =	wrdreg s18;
	s14 =	sshrl.u32 s24, $0x3  }
0x16: {  	s18 =	smul.u32 $0x2800, s15;
	s12 =	sadd.s32 s6, s12;
	[dreg:$0xb] =	wrdreg s23  }
0x17: {  	s11 =	sadd.s32 s9, s22;
	s22 =	smul.u32 $0x50000, s19;
	[dreg:$0xc] =	wrdreg s0  }
0x18: {  	s24 =	sshrl.u32 s4, $0x3;
	[dreg:$0x6] =	wrdreg s12;
	s26 =	sadd.s32 s6, s14  }
0x19: {  	s14 =	sadd.s32 s9, s25;
	s11 =	sshrl.u32 s11, $0x3;
	s1 =	sadd.s32 s1, s16  }
0x1a: {  	[dreg:$0x7] =	wrdreg s26;
	s9 =	sadd.s32 s9, s18;
	s12 =	sshrl.u32 s14, $0x3  }
0x1b: {  	s11 =	sadd.s32 s6, s11;
	s14 =	sadd.s32 s5, s24;
	s25 =	sshrl.u32 s22, $0x2  }
0x1c: {  	s1 =	sadd.s32 $0xF0, s1;
	s26 =	smax.u32 s7, $0x1;
	s7 =	smul.u32 $0xA000, s13  }
0x1d: {  	s13 =	smul.u32 $0xA000, s21;
	[dreg:$0x8] =	wrdreg s11;
	s18 =	sadd.s32 s6, s12  }
0x1e: {  	s9 =	sshrl.u32 s9, $0x3;
	[dreg:$0xd] =	wrdreg s26;
	s16 =	sadd.s32 s25, s2  }
0x1f: {  	s4 =	sshrl.u32 s1, $0x3;
	s11 =	smul.u32 $0xA000, s20;
	s31 =	sadd.s32 $0xA, s14  }
0x20: {  	s1 =	simm.s32 $0x100;
	s0 =	sadd.s32 s4, s5;
	s5 =	smul.u32 $0xA000, s10  }
0x21: {  	[dreg:$0x9] =	wrdreg s18;
	s6 =	sadd.s32 s6, s9;
	s9 =	smul.u32 $0xA000, s17  }
0x22: {  	s18 =	sadd.s32 $0x2800, s16;
	s12 =	sshrl.u32 s7, $0x2;
	s17 =	smul.u32 $0xA000, s8  }
0x23: {  	s25 =	sshrl.u32 s13, $0x2;
	s28 =	sadd.s32 $0x7800, s16;
	s29 =	sadd.s32 $0xA000, s16  }
0x24: {  	s30 =	sadd.s32 $0xC800, s16;
	s4 =	simm.s32 $0x3;
	[dreg:$0xa] =	wrdreg s6  }
0x25: {  	s7 =	simm.s32 $0x50;
	s8 =	simm.s32 $0x2;
	[dreg:$0xe] =	wrdreg s0  }
0x26: {  	s6 =	smul.u32 $0xA000, s15;
	s21 =	sadd.s32 s12, s2;
	s24 =	sshrl.u32 s11, $0x2  }
0x27: {  	s11 =	simm.s32 $0x0;
	s0 =	sshrl.u32 s5, $0x2;
	s15 =	sshrl.u32 s9, $0x2  }
.Ltmp0:
0x28: {  	s23 =	sadd.s32 s24, s2;
	s24 =	sadd.s32 s25, s2;
	(pc) =	sbr.rel .LBB2_1-.Ltmp0, $4  }
0x29: {  	s26 =	sshrl.u32 s17, $0x2;
	s5 =	simm.s32 $0x1;
	s9 =	simm.s32 $0x2900  }
0x2a: {  	s19 =	sadd.s32 s0, s2;
	s10 =	sshrl.u32 s6, $0x2;
	s22 =	sadd.s32 s15, s2  }
0x2b: {  	s25 =	sadd.s32 s26, s2;
	s26 =	sadd.s32 $0x5000, s16;
	s0 =	sadd.s32 $0x14, s14  }
0x2c: {  	s6 =	simm.s32 $0x80;
	s20 =	sadd.s32 s10, s2;
	s10 =	simm.s32 $0x5100  }
.LBB2_3:
0x2d: {  	[spmem:s2] =	stream.indirect.scatter.add.f32 [tilespmem:s1], [sflag:$0x2], $0x80, s15, s7, $0xb8;
	[tilespmem:$0x1B180] =	vst v63  }
.LBB2_5:
0x2e: {  	_ =	swait.ge [sflag:s8], $0x2800  }
0x2f: {  	[sflag:s8] =	ssyncset.done $0x0  }
0x30: {  	[sflag:s8] =	ssyncadd.s32 $0xFFFFD800  }
0x31: {  	_ =	swait.ge [sflag:s8], $0x2800  }
0x32: {  	[sflag:s8] =	ssyncset.done $0x0  }
0x33: {  	[sflag:s8] =	ssyncadd.s32 $0xFFFFD800  }
0x34: {  	[bflag:$0x0] =	sbarrier.arrive $0xFFFF  }
0x35: {  	[tilespmem:s9], [sflag:$0x3] =	stream.linear.gather [spmem:s16], $0x2800, $0x38;
	[tilespmem:$0x1B180] =	vst v63  }
0x36: {  	_ =	swait.ge [sflag:s4], $0x2800  }
0x37: {  	[sflag:s4] =	ssyncset.done $0x0  }
0x38: {  	s12 =	rddreg [dreg:$0x3];
	[sflag:s4] =	ssyncadd.s32 $0xFFFFD800  }
0x39: {  	[hbm4b:s12+s3] =	stream.linear.scatter [tilespmem:s9], [sflag:$0x2], $0x2800, $0x38;
	[tilespmem:$0x1B180] =	vst v63  }
0x3a: {  	_ = 	snop  }
0x3b: {  	[tilespmem:s10], [sflag:$0x3] =	stream.linear.gather [spmem:s21], $0x2800, $0x38;
	[tilespmem:$0x1B180] =	vst v63  }
0x3c: {  	_ =	swait.ge [sflag:s4], $0x2800  }
0x3d: {  	[sflag:s4] =	ssyncset.done $0x0  }
0x3e: {  	s15 =	rddreg [dreg:$0x4];
	[sflag:s4] =	ssyncadd.s32 $0xFFFFD800  }
0x3f: {  	[hbm4b:s15+s3] =	stream.linear.scatter [tilespmem:s10], [sflag:$0x2], $0x2800, $0x38;
	[tilespmem:$0x1B180] =	vst v63  }
0x40: {  	_ =	swait.ge [sflag:s8], $0x2800  }
0x41: {  	[sflag:s8] =	ssyncset.done $0x0  }
0x42: {  	[sflag:s8] =	ssyncadd.s32 $0xFFFFD800  }
0x43: {  	[tilespmem:s9], [sflag:$0x3] =	stream.linear.gather [spmem:s22], $0x2800, $0x38;
	[tilespmem:$0x1B180] =	vst v63  }
0x44: {  	_ =	swait.ge [sflag:s4], $0x2800  }
0x45: {  	[sflag:s4] =	ssyncset.done $0x0  }
0x46: {  	s17 =	rddreg [dreg:$0x5];
	[sflag:s4] =	ssyncadd.s32 $0xFFFFD800  }
0x47: {  	[hbm4b:s17+s3] =	stream.linear.scatter [tilespmem:s9], [sflag:$0x2], $0x2800, $0x38;
	[tilespmem:$0x1B180] =	vst v63  }
0x48: {  	_ =	swait.ge [sflag:s8], $0x2800  }
0x49: {  	[sflag:s8] =	ssyncset.done $0x0  }
0x4a: {  	[sflag:s8] =	ssyncadd.s32 $0xFFFFD800  }
0x4b: {  	[tilespmem:s10], [sflag:$0x3] =	stream.linear.gather [spmem:s23], $0x2800, $0x38;
	[tilespmem:$0x1B180] =	vst v63  }
0x4c: {  	_ =	swait.ge [sflag:s4], $0x2800  }
0x4d: {  	[sflag:s4] =	ssyncset.done $0x0  }
0x4e: {  	s13 =	rddreg [dreg:$0x6];
	[sflag:s4] =	ssyncadd.s32 $0xFFFFD800  }
0x4f: {  	[hbm4b:s13+s3] =	stream.linear.scatter [tilespmem:s10], [sflag:$0x2], $0x2800, $0x38;
	[tilespmem:$0x1B180] =	vst v63  }
0x50: {  	_ =	swait.ge [sflag:s8], $0x2800  }
0x51: {  	[sflag:s8] =	ssyncset.done $0x0  }
0x52: {  	[sflag:s8] =	ssyncadd.s32 $0xFFFFD800  }
0x53: {  	[tilespmem:s9], [sflag:$0x3] =	stream.linear.gather [spmem:s24], $0x2800, $0x38;
	[tilespmem:$0x1B180] =	vst v63  }
0x54: {  	_ =	swait.ge [sflag:s4], $0x2800  }
0x55: {  	[sflag:s4] =	ssyncset.done $0x0  }
0x56: {  	s15 =	rddreg [dreg:$0x7];
	[sflag:s4] =	ssyncadd.s32 $0xFFFFD800  }
0x57: {  	[hbm4b:s15+s3] =	stream.linear.scatter [tilespmem:s9], [sflag:$0x2], $0x2800, $0x38;
	[tilespmem:$0x1B180] =	vst v63  }
0x58: {  	_ =	swait.ge [sflag:s8], $0x2800  }
0x59: {  	[sflag:s8] =	ssyncset.done $0x0  }
0x5a: {  	s12 =	simm.s32 @!p0 $0x5100;
	s13 =	simm.s32 @!p0 $0x3;
	[sflag:s8] =	ssyncadd.s32 $0xFFFFD800  }
0x5b: {  	[tilespmem:s12], [sflag:$0x3] =	stream.linear.gather @!p0 [spmem:s25], $0x2800, $0x38;
	[tilespmem:$0x1B180] =	vst v63  }
0x5c: {  	_ =	swait.ge @!p0 [sflag:s13], $0x2800  }
0x5d: {  	[sflag:s13] =	ssyncset.done @!p0 $0x0  }
0x5e: {  	s15 =	rddreg [dreg:$0x8];
	[sflag:s13] =	ssyncadd.s32 @!p0 $0xFFFFD800;
	s13 =	simm.s32 @!p0 $0x0  }
0x5f: {  	[hbm4b:s15+s13] =	stream.linear.scatter @!p0 [tilespmem:s12], [sflag:$0x2], $0x2800, $0x38;
	[tilespmem:$0x1B180] =	vst v63  }
0x60: {  	_ =	swait.ge [sflag:s8], $0x2800  }
0x61: {  	[sflag:s8] =	ssyncset.done $0x0  }
0x62: {  	s12 =	simm.s32 @!p1 $0x2900;
	s13 =	simm.s32 @!p1 $0x3;
	[sflag:s8] =	ssyncadd.s32 $0xFFFFD800  }
0x63: {  	[tilespmem:s12], [sflag:$0x3] =	stream.linear.gather @!p1 [spmem:s19], $0x2800, $0x38;
	[tilespmem:$0x1B180] =	vst v63  }
0x64: {  	_ =	swait.ge @!p1 [sflag:s13], $0x2800  }
0x65: {  	[sflag:s13] =	ssyncset.done @!p1 $0x0  }
0x66: {  	s15 =	rddreg [dreg:$0x9];
	[sflag:s13] =	ssyncadd.s32 @!p1 $0xFFFFD800;
	s13 =	simm.s32 @!p1 $0x0  }
0x67: {  	[hbm4b:s15+s13] =	stream.linear.scatter @!p1 [tilespmem:s12], [sflag:$0x2], $0x2800, $0x38;
	[tilespmem:$0x1B180] =	vst v63  }
0x68: {  	s12 =	simm.s32 @!p0 $0x2  }
0x69: {  	_ =	swait.ge @!p0 [sflag:s12], $0x2800  }
0x6a: {  	[sflag:s12] =	ssyncset.done @!p0 $0x0  }
0x6b: {  	s13 =	simm.s32 @!p2 $0x5100;
	s15 =	simm.s32 @!p2 $0x3;
	[sflag:s12] =	ssyncadd.s32 @!p0 $0xFFFFD800  }
0x6c: {  	[tilespmem:s13], [sflag:$0x3] =	stream.linear.gather @!p2 [spmem:s20], $0x2800, $0x38;
	[tilespmem:$0x1B180] =	vst v63  }
0x6d: {  	_ =	swait.ge @!p2 [sflag:s15], $0x2800  }
0x6e: {  	[sflag:s15] =	ssyncset.done @!p2 $0x0  }
0x6f: {  	s17 =	rddreg [dreg:$0xa];
	[sflag:s15] =	ssyncadd.s32 @!p2 $0xFFFFD800;
	s15 =	simm.s32 @!p2 $0x0  }
0x70: {  	[hbm4b:s17+s15] =	stream.linear.scatter @!p2 [tilespmem:s13], [sflag:$0x2], $0x2800, $0x38;
	[tilespmem:$0x1B180] =	vst v63  }
0x71: {  	_ =	swait.ge @!p0 [sflag:s12], $0x2800  }
0x72: {  	[sflag:s12] =	ssyncset.done @!p0 $0x0  }
0x73: {  	[sflag:s12] =	ssyncadd.s32 @!p0 $0xFFFFD800  }
0x74: {  	_ =	swait.ge @!p0 [sflag:s12], $0x2800  }
0x75: {  	s11 =	sadd.s32 $0x1, s11;
	s17 =	rddreg [dreg:$0xd]  }
0x76: {  	p5 =	sne.s32 s11, s17  }
.Ltmp1:
0x77: {  	_ = 	snop;
	(pc) =	sbr.rel @!p5 .LBB2_6-.Ltmp1, $3  }
0x78: {  	_ =	sdelay $0x1  }
0x79: {  	[sflag:s12] =	ssyncset.done @!p0 $0x0  }
0x7a: {  	[sflag:s12] =	ssyncadd.s32 @!p0 $0xFFFFD800  }
.LBB2_1:
0x7b: {  	s12 =	rddreg [dreg:$0xb]  }
0x7c: {  	[tilespmem:s1], [sflag:$0x3] =	stream.linear.gather [hbm4b:s12+s3], $0x2800, $0x38;
	[tilespmem:$0x1B180] =	vst v63  }
0x7d: {  	_ =	swait.ge [sflag:s4], $0x2800  }
0x7e: {  	[sflag:s4] =	ssyncset.done $0x0  }
0x7f: {  	[sflag:s4] =	ssyncadd.s32 $0xFFFFD800  }
0x80: {  	[spmem:s16] =	stream.linear.scatter [tilespmem:s1], [sflag:$0x3], $0x2800, $0x38;
	[tilespmem:$0x1B180] =	vst v63  }
0x81: {  	_ =	swait.ge [sflag:s4], $0x2800  }
0x82: {  	[sflag:s4] =	ssyncset.done $0x0  }
0x83: {  	[sflag:s4] =	ssyncadd.s32 $0xFFFFD800  }
0x84: {  	[spmem:s18] =	stream.linear.scatter [tilespmem:s1], [sflag:$0x3], $0x2800, $0x38;
	[tilespmem:$0x1B180] =	vst v63  }
0x85: {  	_ =	swait.ge [sflag:s4], $0x2800  }
0x86: {  	[sflag:s4] =	ssyncset.done $0x0  }
0x87: {  	[sflag:s4] =	ssyncadd.s32 $0xFFFFD800  }
0x88: {  	[spmem:s26] =	stream.linear.scatter [tilespmem:s1], [sflag:$0x3], $0x2800, $0x38;
	[tilespmem:$0x1B180] =	vst v63  }
0x89: {  	_ =	swait.ge [sflag:s4], $0x2800  }
0x8a: {  	[sflag:s4] =	ssyncset.done $0x0  }
0x8b: {  	[sflag:s4] =	ssyncadd.s32 $0xFFFFD800  }
0x8c: {  	[spmem:s28] =	stream.linear.scatter [tilespmem:s1], [sflag:$0x3], $0x2800, $0x38;
	[tilespmem:$0x1B180] =	vst v63  }
0x8d: {  	_ =	swait.ge [sflag:s4], $0x2800  }
0x8e: {  	[sflag:s4] =	ssyncset.done $0x0  }
0x8f: {  	[sflag:s4] =	ssyncadd.s32 $0xFFFFD800  }
0x90: {  	[spmem:s29] =	stream.linear.scatter [tilespmem:s1], [sflag:$0x3], $0x2800, $0x38;
	[tilespmem:$0x1B180] =	vst v63  }
0x91: {  	_ =	swait.ge [sflag:s4], $0x2800  }
0x92: {  	[sflag:s4] =	ssyncset.done $0x0  }
0x93: {  	s13 =	simm.s32 @!p0 $0x100;
	[sflag:s4] =	ssyncadd.s32 $0xFFFFD800  }
0x94: {  	[spmem:s30] =	stream.linear.scatter @!p0 [tilespmem:s13], [sflag:$0x3], $0x2800, $0x38;
	[tilespmem:$0x1B180] =	vst v63  }
0x95: {  	s13 =	simm.s32 @!p0 $0x3  }
0x96: {  	_ =	swait.ge @!p0 [sflag:s13], $0x2800  }
0x97: {  	[sflag:s13] =	ssyncset.done @!p0 $0x0  }
0x98: {  	[sflag:s13] =	ssyncadd.s32 @!p0 $0xFFFFD800;
	s13 =	simm.s32 @!p3 $0x100  }
0x99: {  	[spmem:s19] =	stream.linear.scatter @!p3 [tilespmem:s13], [sflag:$0x3], $0x2800, $0x38;
	[tilespmem:$0x1B180] =	vst v63  }
0x9a: {  	s13 =	simm.s32 @!p3 $0x3  }
0x9b: {  	_ =	swait.ge @!p3 [sflag:s13], $0x2800  }
0x9c: {  	[sflag:s13] =	ssyncset.done @!p3 $0x0  }
0x9d: {  	[sflag:s13] =	ssyncadd.s32 @!p3 $0xFFFFD800;
	s13 =	simm.s32 @!p4 $0x100  }
0x9e: {  	[spmem:s20] =	stream.linear.scatter @!p4 [tilespmem:s13], [sflag:$0x3], $0x2800, $0x38;
	[tilespmem:$0x1B180] =	vst v63  }
0x9f: {  	s13 =	simm.s32 @!p4 $0x3  }
0xa0: {  	_ =	swait.ge @!p4 [sflag:s13], $0x2800  }
0xa1: {  	[sflag:s13] =	ssyncset.done @!p4 $0x0  }
0xa2: {  	s17 =	rddreg [dreg:$0xc];
	[sflag:s13] =	ssyncadd.s32 @!p4 $0xFFFFD800  }
0xa3: {  	[tilespmem:s1], [sflag:$0x3] =	stream.linear.gather [hbm4b:s17+s3], $0x2800, $0x38;
	[tilespmem:$0x1B180] =	vst v63  }
0xa4: {  	_ =	swait.ge [sflag:s4], $0x2800  }
0xa5: {  	[sflag:s4] =	ssyncset.done $0x0  }
0xa6: {  	[sflag:s4] =	ssyncadd.s32 $0xFFFFD800  }
0xa7: {  	[tilespmem:s3], [sflag:$0x1] =	stream.linear.gather [hbm4b:s14+s3], $0x50, $0x38;
	[tilespmem:$0x1B180] =	vst v63  }
0xa8: {  	[bflag:$0x0] =	sbarrier.arrive $0xFFFF  }
0xa9: {  	_ =	swait.ge [sflag:s5], $0x50  }
0xaa: {  	[sflag:s5] =	ssyncset.done $0x0  }
0xab: {  	[sflag:s5] =	ssyncadd.s32 $0xFFFFFFB0  }
0xac: {  	[tilespmem:s6], [sflag:$0x1] =	stream.linear.gather [hbm4b:s31+s3], $0x50, $0x38;
	[tilespmem:$0x1B180] =	vst v63  }
0xad: {  	_ = 	snop  }
0xae: {  	[spmem:s2] =	stream.indirect.scatter.add.f32 [tilespmem:s1], [sflag:$0x2], $0x80, s3, s7, $0xb8;
	[tilespmem:$0x1B180] =	vst v63  }
0xaf: {  	_ =	swait.ge [sflag:s5], $0x50  }
0xb0: {  	[sflag:s5] =	ssyncset.done $0x0  }
0xb1: {  	[sflag:s5] =	ssyncadd.s32 $0xFFFFFFB0  }
0xb2: {  	[tilespmem:s3], [sflag:$0x1] =	stream.linear.gather [hbm4b:s0+s3], $0x50, $0x38;
	[tilespmem:$0x1B180] =	vst v63  }
0xb3: {  	s13 =	simm.s32 $0x2;
	s17 =	rddreg [dreg:$0xe]  }
0xb4: {  	[spmem:s2] =	stream.indirect.scatter.add.f32 [tilespmem:s1], [sflag:$0x2], $0x80, s6, s7, $0xb8;
	[tilespmem:$0x1B180] =	vst v63  }
.LBB2_2:
0xb5: {  	_ =	swait.ge [sflag:s8], $0x2800;
	p5 =	sne.s32 s13, $0x7C  }
.Ltmp2:
0xb6: {  	[sflag:s8] =	ssyncset.done $0x0;
	(pc) =	sbr.rel @!p5 .LBB2_3-.Ltmp2, $4  }
0xb7: {  	[sflag:s8] =	ssyncadd.s32 $0xFFFFD800  }
0xb8: {  	_ =	swait.ge [sflag:s5], $0x50  }
0xb9: {  	s15 =	sand.u32 $0x1, s13;
	[sflag:s5] =	ssyncset.done $0x0  }
0xba: {  	s15 =	sshll.u32 s15, $0x7;
	[sflag:s5] =	ssyncadd.s32 $0xFFFFFFB0  }
0xbb: {  	s13 =	sadd.s32 $0x1, s13  }
0xbc: {  	p5 =	sne.s32 s13, $0x7D  }
.Ltmp3:
0xbd: {  	_ = 	snop;
	(pc) =	sbr.rel @p5 .LBB2_2-.Ltmp3, $4  }
.Ltmp4:
0xbe: {  	s12 =	sxor.u32 $0x80, s15;
	(pc) =	sbr.rel @!p5 .LBB2_5-.Ltmp4, $4  }
0xbf: {  	[tilespmem:s12], [sflag:$0x1] =	stream.linear.gather [hbm4b:s17+s3], $0x50, $0x38;
	[tilespmem:$0x1B180] =	vst v63  }
0xc0: {  	s17 =	sadd.s32 $0xA, s17  }
0xc1: {  	[spmem:s2] =	stream.indirect.scatter.add.f32 [tilespmem:s1], [sflag:$0x2], $0x80, s15, s7, $0xb8;
	[tilespmem:$0x1B180] =	vst v63  }
0xc2: {  	_ = 	snop  }
.LBB2_6:
0xc3: {  	_ =	sfence.sel $0x180000  }
0xc4: {  	[bflag:$0x0] =	sbarrier.arrive $0xFFFF  }
0xc5: {  	_ =	strace $0x9000004A  }
0xc6: {  	s0 =	stileid.u32;
	[bflag:$0x2] =	sbarrier.arrive $0xFFFF  }
0xc7: {  	p0 =	sne.s32 s0, $0x0;
	s0 =	rddreg [dreg:$0x2]  }
0xc8: {  	s0 =	sadd.s32 @!p0 $0x100000, s0  }
0xc9: {  	[sflag:s0] =	ssyncadd.tile.s32 @!p0 $0x1;
	_ =	shalt  }
.Lfunc_end2:
_tile_overlayer_lowered:
.L_overlay_start_2:
0xca: {  	(tag) =	ssettag $0x2  }
0xcb: {  	s0 =	rddreg [dreg:$0x0];
	s2 =	stileid.u32  }
0xcc: {  	s1 =	rddreg [dreg:$0x1];
	p0 =	sne.s32 s2, $0x0  }
0xcd: {  	s3 =	rddreg [dreg:$0x2];
	[bflag:$0x3] =	sbarrier.arrive $0xFFFF;
	s2 =	simm.s32 @!p0 $0x1C03  }
0xce: {  	[timem:s3], [sflag:s2] =	dma.local @!p0 [hbm:s0], s1  }
0xcf: {  	s0 =	simm.s32 @!p0 $0x3  }
0xd0: {  	_ =	swait.ge @!p0 [sflag:s0], s1  }
0xd1: {  	s1 =	ssub.s32 @!p0 $0x0, s1;
	[sflag:s0] =	ssyncset.done @!p0 $0x0  }
0xd2: {  	[sflag:s0] =	ssyncadd.s32 @!p0 s1  }
0xd3: {  	[bflag:$0x3] =	sbarrier.arrive $0xFFFF  }
0xd4: {  	_ =	shalt  }

</sc_bundles>
